<compile_context>
chip_gen: v7x
topology: tpu7x:2x2x1
jax: 0.10.2.dev20260603
libtpu: 0.0.44.dev20260713+nightly
codegen_flags: <defaults>
</compile_context>

<pallas_src>
import functools

import jax
import jax.numpy as jnp
from jax import lax
from jax.experimental import pallas as pl
from jax.experimental.pallas import tpu as pltpu
from jax.experimental.pallas import tpu_sc as plsc

INDIM = 16384
OUTDIM = 16384
NNZ = 262144
BATCH = 64

NC = 2
NS = 16
L = 16

HB = BATCH // NC
K = 1024
EPT = NNZ // NS
NCHUNK = EPT // K
ROWS_PT = OUTDIM // NS
IDXW = 128
NSUB = K // IDXW
GBYTES = IDXW * HB * 4


@functools.cache
def _build_sc_expander():
    return functools.partial(
        pl.kernel,
        out_type=jax.ShapeDtypeStruct((NC, OUTDIM, HB), jnp.bfloat16),
        mesh=plsc.VectorSubcoreMesh(
            core_axis_name="c", subcore_axis_name="s",
            num_cores=NC, num_subcores=NS,
        ),
        compiler_params=pltpu.CompilerParams(
            use_tc_tiling_on_sc=False, needs_layout_passes=False
        ),
        scratch_types=[
            pltpu.VMEM_SHARED((OUTDIM, HB), jnp.bfloat16),
            pltpu.VMEM((EPT // IDXW, IDXW), jnp.int32),
            pltpu.VMEM((EPT // IDXW, IDXW), jnp.int32),
            pltpu.VMEM((EPT,), jnp.float32),
            pltpu.VMEM((K, HB), jnp.bfloat16),
            pltpu.VMEM((K, HB), jnp.bfloat16),
            pltpu.VMEM((ROWS_PT,), jnp.float32),
            pltpu.SemaphoreType.DMA,
            pltpu.SemaphoreType.DMA,
            pltpu.SemaphoreType.DMA,
            pltpu.SemaphoreType.DMA,
            pltpu.SemaphoreType.DMA,
        ],
    )(_sc_expander_body)


def _sc_expander_body(xflat, colm, rowm, w, bias, out, acc_sh, colt, rowt,
                      wt, vals0, vals1, bias_v, isem, gsem0, gsem1, ssem0,
                      ssem1):
    cid = lax.axis_index("c")
    sid = lax.axis_index("s")
    vals = (vals0, vals1)
    gsem = (gsem0, gsem1)
    ssem = (ssem0, ssem1)

    mrow0 = pl.multiple_of(sid * (EPT // IDXW), EPT // IDXW)
    e0 = pl.multiple_of(sid * EPT, EPT)
    pltpu.async_copy(colm.at[pl.ds(mrow0, EPT // IDXW)], colt, isem)
    pltpu.async_copy(rowm.at[pl.ds(mrow0, EPT // IDXW)], rowt, isem)
    pltpu.async_copy(w.at[pl.ds(e0, EPT)], wt, isem)

    r0 = pl.multiple_of(sid * ROWS_PT, ROWS_PT)
    pltpu.sync_copy(bias.at[pl.ds(r0, ROWS_PT)], bias_v)
    for rb in range(ROWS_PT // K):

        @plsc.parallel_loop(0, K // L, unroll=1)
        def _(g):
            b16 = bias_v[pl.ds(rb * K + g * L, L)]
            for i in range(L):
                o = g * L + i
                bvf = jnp.broadcast_to(b16[i], (L,))
                vals0[o, pl.ds(0, 2 * L)] = plsc.pack(
                    bvf, bvf, format=plsc.PackFormat.INTERLEAVED
                )

        pltpu.sync_copy(vals0, acc_sh.at[pl.ds(r0 + rb * K, K)])

    pltpu.make_async_copy(colm.at[pl.ds(mrow0, EPT // IDXW)], colt, isem).wait()
    pltpu.make_async_copy(rowm.at[pl.ds(mrow0, EPT // IDXW)], rowt, isem).wait()
    pltpu.make_async_copy(w.at[pl.ds(e0, EPT)], wt, isem).wait()

    cshift = cid * INDIM

    @plsc.parallel_loop(0, EPT // IDXW, unroll=2)
    def _(j):
        for kk in range(IDXW // L):
            sl = pl.ds(kk * L, L)
            colt[j, sl] = colt[j, sl] + cshift

    plsc.subcore_barrier()

    def issue_gathers(ck, b):
        for j in range(NSUB):
            pltpu.async_copy(
                xflat.at[colt.at[ck * NSUB + j]],
                vals[b].at[pl.ds(j * IDXW, IDXW)],
                gsem[b],
            )

    def wait_gathers(ck, b):
        for j in range(NSUB):
            pltpu.make_async_copy(
                xflat.at[colt.at[ck * NSUB + j]],
                vals[b].at[pl.ds(j * IDXW, IDXW)],
                gsem[b],
            ).wait()

    def issue_scatters(ck, b):
        for j in range(NSUB):
            pltpu.async_copy(
                vals[b].at[pl.ds(j * IDXW, IDXW)],
                acc_sh.at[rowt.at[ck * NSUB + j]],
                ssem[b],
                add=True,
            )

    def wait_scatters(ck, b):
        for j in range(NSUB):
            pltpu.make_async_copy(
                vals[b].at[pl.ds(j * IDXW, IDXW)],
                acc_sh.at[rowt.at[ck * NSUB + j]],
                ssem[b],
            ).wait()

    iota_l = lax.iota(jnp.int32, L)

    def scale(ck, b):
        vb = vals[b]
        wtc = wt.at[pl.ds(pl.multiple_of(ck * K, K), K)]

        @plsc.parallel_loop(0, K // L, unroll=1)
        def _(g):
            w16 = wtc[pl.ds(g * L, L)]
            for i in range(L):
                e = g * L + i
                wvf = jnp.broadcast_to(w16[i], (L,))
                wv = plsc.pack(wvf, wvf, format=plsc.PackFormat.INTERLEAVED)
                vb[e, pl.ds(0, 2 * L)] = vb[e, pl.ds(0, 2 * L)] * wv

    issue_gathers(0, 0)

    @pl.loop(0, NCHUNK, step=2)
    def _(ck2):
        @pl.when(ck2 >= 2)
        def _():
            wait_scatters(ck2 - 1, 1)

        issue_gathers(ck2 + 1, 1)
        wait_gathers(ck2, 0)
        scale(ck2, 0)
        issue_scatters(ck2, 0)

        wait_gathers(ck2 + 1, 1)
        scale(ck2 + 1, 1)
        wait_scatters(ck2, 0)

        @pl.when(ck2 + 2 < NCHUNK)
        def _():
            issue_gathers(ck2 + 2, 0)

        issue_scatters(ck2 + 1, 1)

    wait_scatters(NCHUNK - 1, 1)

    plsc.subcore_barrier()
    pltpu.sync_copy(acc_sh.at[pl.ds(r0, ROWS_PT)],
                    out.at[cid, pl.ds(r0, ROWS_PT)])


def kernel(x, row, col, nnz_weight, bias):
    xflat = (x.astype(jnp.bfloat16)
             .reshape(NC, HB, INDIM).transpose(0, 2, 1).reshape(NC * INDIM, HB))
    colm = col.reshape(NNZ // IDXW, IDXW)
    rowm = row.reshape(NNZ // IDXW, IDXW)
    out2 = _build_sc_expander()(xflat, colm, rowm, nnz_weight, bias)
    return out2.transpose(0, 2, 1).reshape(BATCH, OUTDIM).astype(jnp.float32)

# --- scband reference (transcript-rebuilt; emitter-appended) ---
"""Pipeline reference for scband-expander-linear-70179765616942 (READ-ONLY COPY).

The authoritative reference and input builder live on the scoring server;
editing this copy changes nothing except your own understanding.
"""

import jax, jax.numpy as jnp
import numpy as np

INDIM = 16384
OUTDIM = 16384
NNZ = 262144
BATCH = 64


def setup_inputs(seed: int = 0) -> dict:
    key = jax.random.key(seed)
    k1, k2, k3, k4 = jax.random.split(key, 4)
    x = jax.random.normal(k1, (BATCH, INDIM), dtype=jnp.float32)
    # edge_index: row indices into outdim, col indices into indim (expander sparsity pattern)
    row = jax.random.randint(k2, (NNZ,), 0, OUTDIM, dtype=jnp.int32)
    col = jax.random.randint(k3, (NNZ,), 0, INDIM, dtype=jnp.int32)
    # glorot init for nnz weights: uniform(-stdv, stdv), stdv = sqrt(6/(indim+outdim))
    stdv = float(np.sqrt(6.0 / (INDIM + OUTDIM)))
    nnz_weight = jax.random.uniform(k4, (NNZ,), dtype=jnp.float32, minval=-stdv, maxval=stdv)
    bias = jnp.zeros((OUTDIM,), dtype=jnp.float32)
    return {"x": x, "row": row, "col": col, "nnz_weight": nnz_weight, "bias": bias}


def reference(x, row, col, nnz_weight, bias):
    # SparseTensor W has shape (outdim, indim) with entries (row, col, nnz_weight).
    # forward: (W @ x.T).T + bias  -> out[b, o] = sum_{e: row[e]==o} w[e] * x[b, col[e]] + bias[o]
    x_gath = jnp.take(x, col, axis=1)            # [B, NNZ] gather from input features
    contrib = x_gath * nnz_weight[None, :]        # [B, NNZ]
    y = jax.ops.segment_sum(contrib.T, row, num_segments=OUTDIM)  # [OUTDIM, B] scatter-add
    out = y.T + bias[None, :]                     # [B, OUTDIM]
    return out

if __name__ == "__main__":
    import jax
    _d = setup_inputs()
    print(jax.jit(kernel)(*tuple(_d.values())))

</pallas_src>

<mosaic_0001>
#map = affine_map<(d0, d1) -> (0, 0)>
#map1 = affine_map<(d0, d1) -> (0)>
#map2 = affine_map<(d0, d1) -> (0, 0, 0)>
module attributes {stable_mosaic.version = 14 : i64} {
  func.func @_sc_expander_body(%arg0: i32, %arg1: i32, %arg2: memref<32768x32xbf16, #tpu.memory_space<hbm>>, %arg3: memref<2048x128xi32, #tpu.memory_space<hbm>>, %arg4: memref<2048x128xi32, #tpu.memory_space<hbm>>, %arg5: memref<262144xf32, #tpu.memory_space<hbm>>, %arg6: memref<16384xf32, #tpu.memory_space<hbm>>, %arg7: memref<2x16384x32xbf16, #tpu.memory_space<hbm>>, %arg8: memref<16384x32xbf16, #tpu.memory_space<vmem_shared>>, %arg9: memref<128x128xi32, #tpu.memory_space<vmem>>, %arg10: memref<128x128xi32, #tpu.memory_space<vmem>>, %arg11: memref<16384xf32, #tpu.memory_space<vmem>>, %arg12: memref<1024x32xbf16, #tpu.memory_space<vmem>>, %arg13: memref<1024x32xbf16, #tpu.memory_space<vmem>>, %arg14: memref<1024xf32, #tpu.memory_space<vmem>>, %arg15: memref<!tpu.dma_semaphore, #tpu.memory_space<semaphore_mem>>, %arg16: memref<!tpu.dma_semaphore, #tpu.memory_space<semaphore_mem>>, %arg17: memref<!tpu.dma_semaphore, #tpu.memory_space<semaphore_mem>>, %arg18: memref<!tpu.dma_semaphore, #tpu.memory_space<semaphore_mem>>, %arg19: memref<!tpu.dma_semaphore, #tpu.memory_space<semaphore_mem>>) attributes {dimension_semantics = [#tpu.dimension_semantics<core_parallel>, #tpu.dimension_semantics<subcore_parallel>], iteration_bounds = array<i64: 2, 16>, scalar_prefetch = 0 : i64, scratch_operands = 12 : i64, tpu.core_type = #tpu.core_type<sc_vector_subcore>, window_params = [{transform_indices = #map}, {transform_indices = #map}, {transform_indices = #map}, {transform_indices = #map1}, {transform_indices = #map1}, {transform_indices = #map2}]} {
    %mul3A = arith.constant 128 : i32
    %mul3A_0 = arith.muli %arg1, %mul3A : i32
    %multiple_of3A = tpu.assume_multiple %mul3A_0, 128 : i32
    %mul3A_1 = arith.constant 16384 : i32
    %mul3A_2 = arith.muli %arg1, %mul3A_1 : i32
    %multiple_of3A_3 = tpu.assume_multiple %mul3A_2, 16384 : i32
    %dma_start3A = arith.constant 0 : i32
    %dma_start3A_4 = tpu.memref_slice %arg3[%multiple_of3A, %dma_start3A] : memref<2048x128xi32, #tpu.memory_space<hbm>> -> memref<128x128xi32, #tpu.memory_space<hbm>>
    %dma_start3A_5 = arith.constant 0 : i32
    %dma_start3A_6 = tpu.memref_slice %arg3[%multiple_of3A, %dma_start3A_5] : memref<2048x128xi32, #tpu.memory_space<hbm>> -> memref<128x128xi32, #tpu.memory_space<hbm>>
    tpu.enqueue_dma source(%dma_start3A_6 : memref<128x128xi32, #tpu.memory_space<hbm>>) target(%arg9 : memref<128x128xi32, #tpu.memory_space<vmem>>) target_semaphore(%arg15 : memref<!tpu.dma_semaphore, #tpu.memory_space<semaphore_mem>>)
    %dma_start3A_7 = arith.constant 0 : i32
    %dma_start3A_8 = tpu.memref_slice %arg4[%multiple_of3A, %dma_start3A_7] : memref<2048x128xi32, #tpu.memory_space<hbm>> -> memref<128x128xi32, #tpu.memory_space<hbm>>
    %dma_start3A_9 = arith.constant 0 : i32
    %dma_start3A_10 = tpu.memref_slice %arg4[%multiple_of3A, %dma_start3A_9] : memref<2048x128xi32, #tpu.memory_space<hbm>> -> memref<128x128xi32, #tpu.memory_space<hbm>>
    tpu.enqueue_dma source(%dma_start3A_10 : memref<128x128xi32, #tpu.memory_space<hbm>>) target(%arg10 : memref<128x128xi32, #tpu.memory_space<vmem>>) target_semaphore(%arg15 : memref<!tpu.dma_semaphore, #tpu.memory_space<semaphore_mem>>)
    %dma_start3A_11 = tpu.memref_slice %arg5[%multiple_of3A_3] : memref<262144xf32, #tpu.memory_space<hbm>> -> memref<16384xf32, #tpu.memory_space<hbm>>
    %dma_start3A_12 = tpu.memref_slice %arg5[%multiple_of3A_3] : memref<262144xf32, #tpu.memory_space<hbm>> -> memref<16384xf32, #tpu.memory_space<hbm>>
    tpu.enqueue_dma source(%dma_start3A_12 : memref<16384xf32, #tpu.memory_space<hbm>>) target(%arg11 : memref<16384xf32, #tpu.memory_space<vmem>>) target_semaphore(%arg15 : memref<!tpu.dma_semaphore, #tpu.memory_space<semaphore_mem>>)
    %mul3A_13 = arith.constant 1024 : i32
    %mul3A_14 = arith.muli %arg1, %mul3A_13 : i32
    %multiple_of3A_15 = tpu.assume_multiple %mul3A_14, 1024 : i32
    "tpu.region"() ({
      %run_scoped3A = tpu.sem_alloc : memref<!tpu.dma_semaphore, #tpu.memory_space<semaphore_mem>>
      %dma_start3A_198 = tpu.memref_slice %arg6[%multiple_of3A_15] : memref<16384xf32, #tpu.memory_space<hbm>> -> memref<1024xf32, #tpu.memory_space<hbm>>
      %dma_start3A_199 = tpu.memref_slice %arg6[%multiple_of3A_15] : memref<16384xf32, #tpu.memory_space<hbm>> -> memref<1024xf32, #tpu.memory_space<hbm>>
      tpu.enqueue_dma source(%dma_start3A_199 : memref<1024xf32, #tpu.memory_space<hbm>>) target(%arg14 : memref<1024xf32, #tpu.memory_space<vmem>>) target_semaphore(%run_scoped3A : memref<!tpu.dma_semaphore, #tpu.memory_space<semaphore_mem>>)
      %dma_wait3A_200 = tpu.memref_slice %arg6[%multiple_of3A_15] : memref<16384xf32, #tpu.memory_space<hbm>> -> memref<1024xf32, #tpu.memory_space<hbm>>
      %dma_wait3A_201 = tpu.memref_slice %arg6[%multiple_of3A_15] : memref<16384xf32, #tpu.memory_space<hbm>> -> memref<1024xf32, #tpu.memory_space<hbm>>
      tpu.wait_dma2 semaphore(%run_scoped3A : memref<!tpu.dma_semaphore, #tpu.memory_space<semaphore_mem>>) src(%dma_wait3A_201 : memref<1024xf32, #tpu.memory_space<hbm>>) dst(%arg14 : memref<1024xf32, #tpu.memory_space<vmem>>)
      tpu.yield
    }) : () -> ()
    %parallel_loop3A = arith.constant 0 : i32
    %parallel_loop3A_16 = arith.constant 64 : i32
    %parallel_loop3A_17 = arith.constant 1 : i32
    scf.for %parallel_loop3A_198 = %parallel_loop3A to %parallel_loop3A_16 step %parallel_loop3A_17  : i32 {
      %parallel_loop3A_199 = arith.constant 16 : i32
      %parallel_loop3A_200 = arith.muli %parallel_loop3A_198, %parallel_loop3A_199 : i32
      %parallel_loop3A_201 = arith.constant 0 : i32
      %parallel_loop3A_202 = arith.addi %parallel_loop3A_201, %parallel_loop3A_200 : i32
      %parallel_loop3A_203 = arith.index_cast %parallel_loop3A_202 : i32 to index
      %parallel_loop3A_204 = tpu.vector_load %arg14[%parallel_loop3A_203] {strides = array<i32>} : memref<1024xf32, #tpu.memory_space<vmem>>, vector<16xf32>,
      %parallel_loop3A_205 = arith.constant 16 : i32
      %parallel_loop3A_206 = arith.muli %parallel_loop3A_198, %parallel_loop3A_205 : i32
      %parallel_loop3A_207 = arith.constant 0 : i32
      %parallel_loop3A_208 = arith.addi %parallel_loop3A_206, %parallel_loop3A_207 : i32
      %parallel_loop3A_209 = vector.extract_strided_slice %parallel_loop3A_204 {offsets = [0], sizes = [1], strides = [1]} : vector<16xf32> to vector<1xf32>
      %parallel_loop3A_210 = vector.extract %parallel_loop3A_209[0] : f32 from vector<1xf32>
      %parallel_loop3A_211 = vector.broadcast %parallel_loop3A_210 : f32 to vector<16xf32>
      %parallel_loop3A_212 = tpu.pack_subelements %parallel_loop3A_211, %parallel_loop3A_211 {pack_format = #tpu.pack_format<interleaved>, positions = array<i32: 0, 1>} : vector<16xf32>, vector<16xf32> -> vector<32xbf16>
      %parallel_loop3A_213 = arith.index_cast %parallel_loop3A_208 : i32 to index
      %parallel_loop3A_214 = arith.constant 0 : index
      %parallel_loop3A_215 = tpu.vector_load %arg12[%parallel_loop3A_213, %parallel_loop3A_214] {strides = array<i32>} : memref<1024x32xbf16, #tpu.memory_space<vmem>>, vector<32xbf16>,
      tpu.vector_store %arg12[%parallel_loop3A_213, %parallel_loop3A_214], %parallel_loop3A_212 {strides = array<i32>} : memref<1024x32xbf16, #tpu.memory_space<vmem>>, vector<32xbf16>,
      %parallel_loop3A_216 = arith.constant 16 : i32
      %parallel_loop3A_217 = arith.muli %parallel_loop3A_198, %parallel_loop3A_216 : i32
      %parallel_loop3A_218 = arith.constant 1 : i32
      %parallel_loop3A_219 = arith.addi %parallel_loop3A_217, %parallel_loop3A_218 : i32
      %parallel_loop3A_220 = vector.extract_strided_slice %parallel_loop3A_204 {offsets = [1], sizes = [1], strides = [1]} : vector<16xf32> to vector<1xf32>
      %parallel_loop3A_221 = vector.extract %parallel_loop3A_220[0] : f32 from vector<1xf32>
      %parallel_loop3A_222 = vector.broadcast %parallel_loop3A_221 : f32 to vector<16xf32>
      %parallel_loop3A_223 = tpu.pack_subelements %parallel_loop3A_222, %parallel_loop3A_222 {pack_format = #tpu.pack_format<interleaved>, positions = array<i32: 0, 1>} : vector<16xf32>, vector<16xf32> -> vector<32xbf16>
      %parallel_loop3A_224 = arith.index_cast %parallel_loop3A_219 : i32 to index
      %parallel_loop3A_225 = arith.constant 0 : index
      %parallel_loop3A_226 = tpu.vector_load %arg12[%parallel_loop3A_224, %parallel_loop3A_225] {strides = array<i32>} : memref<1024x32xbf16, #tpu.memory_space<vmem>>, vector<32xbf16>,
      tpu.vector_store %arg12[%parallel_loop3A_224, %parallel_loop3A_225], %parallel_loop3A_223 {strides = array<i32>} : memref<1024x32xbf16, #tpu.memory_space<vmem>>, vector<32xbf16>,
      %parallel_loop3A_227 = arith.constant 16 : i32
      %parallel_loop3A_228 = arith.muli %parallel_loop3A_198, %parallel_loop3A_227 : i32
      %parallel_loop3A_229 = arith.constant 2 : i32
      %parallel_loop3A_230 = arith.addi %parallel_loop3A_228, %parallel_loop3A_229 : i32
      %parallel_loop3A_231 = vector.extract_strided_slice %parallel_loop3A_204 {offsets = [2], sizes = [1], strides = [1]} : vector<16xf32> to vector<1xf32>
      %parallel_loop3A_232 = vector.extract %parallel_loop3A_231[0] : f32 from vector<1xf32>
      %parallel_loop3A_233 = vector.broadcast %parallel_loop3A_232 : f32 to vector<16xf32>
      %parallel_loop3A_234 = tpu.pack_subelements %parallel_loop3A_233, %parallel_loop3A_233 {pack_format = #tpu.pack_format<interleaved>, positions = array<i32: 0, 1>} : vector<16xf32>, vector<16xf32> -> vector<32xbf16>
      %parallel_loop3A_235 = arith.index_cast %parallel_loop3A_230 : i32 to index
      %parallel_loop3A_236 = arith.constant 0 : index
      %parallel_loop3A_237 = tpu.vector_load %arg12[%parallel_loop3A_235, %parallel_loop3A_236] {strides = array<i32>} : memref<1024x32xbf16, #tpu.memory_space<vmem>>, vector<32xbf16>,
      tpu.vector_store %arg12[%parallel_loop3A_235, %parallel_loop3A_236], %parallel_loop3A_234 {strides = array<i32>} : memref<1024x32xbf16, #tpu.memory_space<vmem>>, vector<32xbf16>,
      %parallel_loop3A_238 = arith.constant 16 : i32
      %parallel_loop3A_239 = arith.muli %parallel_loop3A_198, %parallel_loop3A_238 : i32
      %parallel_loop3A_240 = arith.constant 3 : i32
      %parallel_loop3A_241 = arith.addi %parallel_loop3A_239, %parallel_loop3A_240 : i32
      %parallel_loop3A_242 = vector.extract_strided_slice %parallel_loop3A_204 {offsets = [3], sizes = [1], strides = [1]} : vector<16xf32> to vector<1xf32>
      %parallel_loop3A_243 = vector.extract %parallel_loop3A_242[0] : f32 from vector<1xf32>
      %parallel_loop3A_244 = vector.broadcast %parallel_loop3A_243 : f32 to vector<16xf32>
      %parallel_loop3A_245 = tpu.pack_subelements %parallel_loop3A_244, %parallel_loop3A_244 {pack_format = #tpu.pack_format<interleaved>, positions = array<i32: 0, 1>} : vector<16xf32>, vector<16xf32> -> vector<32xbf16>
      %parallel_loop3A_246 = arith.index_cast %parallel_loop3A_241 : i32 to index
      %parallel_loop3A_247 = arith.constant 0 : index
      %parallel_loop3A_248 = tpu.vector_load %arg12[%parallel_loop3A_246, %parallel_loop3A_247] {strides = array<i32>} : memref<1024x32xbf16, #tpu.memory_space<vmem>>, vector<32xbf16>,
      tpu.vector_store %arg12[%parallel_loop3A_246, %parallel_loop3A_247], %parallel_loop3A_245 {strides = array<i32>} : memref<1024x32xbf16, #tpu.memory_space<vmem>>, vector<32xbf16>,
      %parallel_loop3A_249 = arith.constant 16 : i32
      %parallel_loop3A_250 = arith.muli %parallel_loop3A_198, %parallel_loop3A_249 : i32
      %parallel_loop3A_251 = arith.constant 4 : i32
      %parallel_loop3A_252 = arith.addi %parallel_loop3A_250, %parallel_loop3A_251 : i32
      %parallel_loop3A_253 = vector.extract_strided_slice %parallel_loop3A_204 {offsets = [4], sizes = [1], strides = [1]} : vector<16xf32> to vector<1xf32>
      %parallel_loop3A_254 = vector.extract %parallel_loop3A_253[0] : f32 from vector<1xf32>
      %parallel_loop3A_255 = vector.broadcast %parallel_loop3A_254 : f32 to vector<16xf32>
      %parallel_loop3A_256 = tpu.pack_subelements %parallel_loop3A_255, %parallel_loop3A_255 {pack_format = #tpu.pack_format<interleaved>, positions = array<i32: 0, 1>} : vector<16xf32>, vector<16xf32> -> vector<32xbf16>
      %parallel_loop3A_257 = arith.index_cast %parallel_loop3A_252 : i32 to index
      %parallel_loop3A_258 = arith.constant 0 : index
      %parallel_loop3A_259 = tpu.vector_load %arg12[%parallel_loop3A_257, %parallel_loop3A_258] {strides = array<i32>} : memref<1024x32xbf16, #tpu.memory_space<vmem>>, vector<32xbf16>,
      tpu.vector_store %arg12[%parallel_loop3A_257, %parallel_loop3A_258], %parallel_loop3A_256 {strides = array<i32>} : memref<1024x32xbf16, #tpu.memory_space<vmem>>, vector<32xbf16>,
      %parallel_loop3A_260 = arith.constant 16 : i32
      %parallel_loop3A_261 = arith.muli %parallel_loop3A_198, %parallel_loop3A_260 : i32
      %parallel_loop3A_262 = arith.constant 5 : i32
      %parallel_loop3A_263 = arith.addi %parallel_loop3A_261, %parallel_loop3A_262 : i32
      %parallel_loop3A_264 = vector.extract_strided_slice %parallel_loop3A_204 {offsets = [5], sizes = [1], strides = [1]} : vector<16xf32> to vector<1xf32>
      %parallel_loop3A_265 = vector.extract %parallel_loop3A_264[0] : f32 from vector<1xf32>
      %parallel_loop3A_266 = vector.broadcast %parallel_loop3A_265 : f32 to vector<16xf32>
      %parallel_loop3A_267 = tpu.pack_subelements %parallel_loop3A_266, %parallel_loop3A_266 {pack_format = #tpu.pack_format<interleaved>, positions = array<i32: 0, 1>} : vector<16xf32>, vector<16xf32> -> vector<32xbf16>
      %parallel_loop3A_268 = arith.index_cast %parallel_loop3A_263 : i32 to index
      %parallel_loop3A_269 = arith.constant 0 : index
      %parallel_loop3A_270 = tpu.vector_load %arg12[%parallel_loop3A_268, %parallel_loop3A_269] {strides = array<i32>} : memref<1024x32xbf16, #tpu.memory_space<vmem>>, vector<32xbf16>,
      tpu.vector_store %arg12[%parallel_loop3A_268, %parallel_loop3A_269], %parallel_loop3A_267 {strides = array<i32>} : memref<1024x32xbf16, #tpu.memory_space<vmem>>, vector<32xbf16>,
      %parallel_loop3A_271 = arith.constant 16 : i32
      %parallel_loop3A_272 = arith.muli %parallel_loop3A_198, %parallel_loop3A_271 : i32
      %parallel_loop3A_273 = arith.constant 6 : i32
      %parallel_loop3A_274 = arith.addi %parallel_loop3A_272, %parallel_loop3A_273 : i32
      %parallel_loop3A_275 = vector.extract_strided_slice %parallel_loop3A_204 {offsets = [6], sizes = [1], strides = [1]} : vector<16xf32> to vector<1xf32>
      %parallel_loop3A_276 = vector.extract %parallel_loop3A_275[0] : f32 from vector<1xf32>
      %parallel_loop3A_277 = vector.broadcast %parallel_loop3A_276 : f32 to vector<16xf32>
      %parallel_loop3A_278 = tpu.pack_subelements %parallel_loop3A_277, %parallel_loop3A_277 {pack_format = #tpu.pack_format<interleaved>, positions = array<i32: 0, 1>} : vector<16xf32>, vector<16xf32> -> vector<32xbf16>
      %parallel_loop3A_279 = arith.index_cast %parallel_loop3A_274 : i32 to index
      %parallel_loop3A_280 = arith.constant 0 : index
      %parallel_loop3A_281 = tpu.vector_load %arg12[%parallel_loop3A_279, %parallel_loop3A_280] {strides = array<i32>} : memref<1024x32xbf16, #tpu.memory_space<vmem>>, vector<32xbf16>,
      tpu.vector_store %arg12[%parallel_loop3A_279, %parallel_loop3A_280], %parallel_loop3A_278 {strides = array<i32>} : memref<1024x32xbf16, #tpu.memory_space<vmem>>, vector<32xbf16>,
      %parallel_loop3A_282 = arith.constant 16 : i32
      %parallel_loop3A_283 = arith.muli %parallel_loop3A_198, %parallel_loop3A_282 : i32
      %parallel_loop3A_284 = arith.constant 7 : i32
      %parallel_loop3A_285 = arith.addi %parallel_loop3A_283, %parallel_loop3A_284 : i32
      %parallel_loop3A_286 = vector.extract_strided_slice %parallel_loop3A_204 {offsets = [7], sizes = [1], strides = [1]} : vector<16xf32> to vector<1xf32>
      %parallel_loop3A_287 = vector.extract %parallel_loop3A_286[0] : f32 from vector<1xf32>
      %parallel_loop3A_288 = vector.broadcast %parallel_loop3A_287 : f32 to vector<16xf32>
      %parallel_loop3A_289 = tpu.pack_subelements %parallel_loop3A_288, %parallel_loop3A_288 {pack_format = #tpu.pack_format<interleaved>, positions = array<i32: 0, 1>} : vector<16xf32>, vector<16xf32> -> vector<32xbf16>
      %parallel_loop3A_290 = arith.index_cast %parallel_loop3A_285 : i32 to index
      %parallel_loop3A_291 = arith.constant 0 : index
      %parallel_loop3A_292 = tpu.vector_load %arg12[%parallel_loop3A_290, %parallel_loop3A_291] {strides = array<i32>} : memref<1024x32xbf16, #tpu.memory_space<vmem>>, vector<32xbf16>,
      tpu.vector_store %arg12[%parallel_loop3A_290, %parallel_loop3A_291], %parallel_loop3A_289 {strides = array<i32>} : memref<1024x32xbf16, #tpu.memory_space<vmem>>, vector<32xbf16>,
      %parallel_loop3A_293 = arith.constant 16 : i32
      %parallel_loop3A_294 = arith.muli %parallel_loop3A_198, %parallel_loop3A_293 : i32
      %parallel_loop3A_295 = arith.constant 8 : i32
      %parallel_loop3A_296 = arith.addi %parallel_loop3A_294, %parallel_loop3A_295 : i32
      %parallel_loop3A_297 = vector.extract_strided_slice %parallel_loop3A_204 {offsets = [8], sizes = [1], strides = [1]} : vector<16xf32> to vector<1xf32>
      %parallel_loop3A_298 = vector.extract %parallel_loop3A_297[0] : f32 from vector<1xf32>
      %parallel_loop3A_299 = vector.broadcast %parallel_loop3A_298 : f32 to vector<16xf32>
      %parallel_loop3A_300 = tpu.pack_subelements %parallel_loop3A_299, %parallel_loop3A_299 {pack_format = #tpu.pack_format<interleaved>, positions = array<i32: 0, 1>} : vector<16xf32>, vector<16xf32> -> vector<32xbf16>
      %parallel_loop3A_301 = arith.index_cast %parallel_loop3A_296 : i32 to index
      %parallel_loop3A_302 = arith.constant 0 : index
      %parallel_loop3A_303 = tpu.vector_load %arg12[%parallel_loop3A_301, %parallel_loop3A_302] {strides = array<i32>} : memref<1024x32xbf16, #tpu.memory_space<vmem>>, vector<32xbf16>,
      tpu.vector_store %arg12[%parallel_loop3A_301, %parallel_loop3A_302], %parallel_loop3A_300 {strides = array<i32>} : memref<1024x32xbf16, #tpu.memory_space<vmem>>, vector<32xbf16>,
      %parallel_loop3A_304 = arith.constant 16 : i32
      %parallel_loop3A_305 = arith.muli %parallel_loop3A_198, %parallel_loop3A_304 : i32
      %parallel_loop3A_306 = arith.constant 9 : i32
      %parallel_loop3A_307 = arith.addi %parallel_loop3A_305, %parallel_loop3A_306 : i32
      %parallel_loop3A_308 = vector.extract_strided_slice %parallel_loop3A_204 {offsets = [9], sizes = [1], strides = [1]} : vector<16xf32> to vector<1xf32>
      %parallel_loop3A_309 = vector.extract %parallel_loop3A_308[0] : f32 from vector<1xf32>
      %parallel_loop3A_310 = vector.broadcast %parallel_loop3A_309 : f32 to vector<16xf32>
      %parallel_loop3A_311 = tpu.pack_subelements %parallel_loop3A_310, %parallel_loop3A_310 {pack_format = #tpu.pack_format<interleaved>, positions = array<i32: 0, 1>} : vector<16xf32>, vector<16xf32> -> vector<32xbf16>
      %parallel_loop3A_312 = arith.index_cast %parallel_loop3A_307 : i32 to index
      %parallel_loop3A_313 = arith.constant 0 : index
      %parallel_loop3A_314 = tpu.vector_load %arg12[%parallel_loop3A_312, %parallel_loop3A_313] {strides = array<i32>} : memref<1024x32xbf16, #tpu.memory_space<vmem>>, vector<32xbf16>,
      tpu.vector_store %arg12[%parallel_loop3A_312, %parallel_loop3A_313], %parallel_loop3A_311 {strides = array<i32>} : memref<1024x32xbf16, #tpu.memory_space<vmem>>, vector<32xbf16>,
      %parallel_loop3A_315 = arith.constant 16 : i32
      %parallel_loop3A_316 = arith.muli %parallel_loop3A_198, %parallel_loop3A_315 : i32
      %parallel_loop3A_317 = arith.constant 10 : i32
      %parallel_loop3A_318 = arith.addi %parallel_loop3A_316, %parallel_loop3A_317 : i32
      %parallel_loop3A_319 = vector.extract_strided_slice %parallel_loop3A_204 {offsets = [10], sizes = [1], strides = [1]} : vector<16xf32> to vector<1xf32>
      %parallel_loop3A_320 = vector.extract %parallel_loop3A_319[0] : f32 from vector<1xf32>
      %parallel_loop3A_321 = vector.broadcast %parallel_loop3A_320 : f32 to vector<16xf32>
      %parallel_loop3A_322 = tpu.pack_subelements %parallel_loop3A_321, %parallel_loop3A_321 {pack_format = #tpu.pack_format<interleaved>, positions = array<i32: 0, 1>} : vector<16xf32>, vector<16xf32> -> vector<32xbf16>
      %parallel_loop3A_323 = arith.index_cast %parallel_loop3A_318 : i32 to index
      %parallel_loop3A_324 = arith.constant 0 : index
      %parallel_loop3A_325 = tpu.vector_load %arg12[%parallel_loop3A_323, %parallel_loop3A_324] {strides = array<i32>} : memref<1024x32xbf16, #tpu.memory_space<vmem>>, vector<32xbf16>,
      tpu.vector_store %arg12[%parallel_loop3A_323, %parallel_loop3A_324], %parallel_loop3A_322 {strides = array<i32>} : memref<1024x32xbf16, #tpu.memory_space<vmem>>, vector<32xbf16>,
      %parallel_loop3A_326 = arith.constant 16 : i32
      %parallel_loop3A_327 = arith.muli %parallel_loop3A_198, %parallel_loop3A_326 : i32
      %parallel_loop3A_328 = arith.constant 11 : i32
      %parallel_loop3A_329 = arith.addi %parallel_loop3A_327, %parallel_loop3A_328 : i32
      %parallel_loop3A_330 = vector.extract_strided_slice %parallel_loop3A_204 {offsets = [11], sizes = [1], strides = [1]} : vector<16xf32> to vector<1xf32>
      %parallel_loop3A_331 = vector.extract %parallel_loop3A_330[0] : f32 from vector<1xf32>
      %parallel_loop3A_332 = vector.broadcast %parallel_loop3A_331 : f32 to vector<16xf32>
      %parallel_loop3A_333 = tpu.pack_subelements %parallel_loop3A_332, %parallel_loop3A_332 {pack_format = #tpu.pack_format<interleaved>, positions = array<i32: 0, 1>} : vector<16xf32>, vector<16xf32> -> vector<32xbf16>
      %parallel_loop3A_334 = arith.index_cast %parallel_loop3A_329 : i32 to index
      %parallel_loop3A_335 = arith.constant 0 : index
      %parallel_loop3A_336 = tpu.vector_load %arg12[%parallel_loop3A_334, %parallel_loop3A_335] {strides = array<i32>} : memref<1024x32xbf16, #tpu.memory_space<vmem>>, vector<32xbf16>,
      tpu.vector_store %arg12[%parallel_loop3A_334, %parallel_loop3A_335], %parallel_loop3A_333 {strides = array<i32>} : memref<1024x32xbf16, #tpu.memory_space<vmem>>, vector<32xbf16>,
      %parallel_loop3A_337 = arith.constant 16 : i32
      %parallel_loop3A_338 = arith.muli %parallel_loop3A_198, %parallel_loop3A_337 : i32
      %parallel_loop3A_339 = arith.constant 12 : i32
      %parallel_loop3A_340 = arith.addi %parallel_loop3A_338, %parallel_loop3A_339 : i32
      %parallel_loop3A_341 = vector.extract_strided_slice %parallel_loop3A_204 {offsets = [12], sizes = [1], strides = [1]} : vector<16xf32> to vector<1xf32>
      %parallel_loop3A_342 = vector.extract %parallel_loop3A_341[0] : f32 from vector<1xf32>
      %parallel_loop3A_343 = vector.broadcast %parallel_loop3A_342 : f32 to vector<16xf32>
      %parallel_loop3A_344 = tpu.pack_subelements %parallel_loop3A_343, %parallel_loop3A_343 {pack_format = #tpu.pack_format<interleaved>, positions = array<i32: 0, 1>} : vector<16xf32>, vector<16xf32> -> vector<32xbf16>
      %parallel_loop3A_345 = arith.index_cast %parallel_loop3A_340 : i32 to index
      %parallel_loop3A_346 = arith.constant 0 : index
      %parallel_loop3A_347 = tpu.vector_load %arg12[%parallel_loop3A_345, %parallel_loop3A_346] {strides = array<i32>} : memref<1024x32xbf16, #tpu.memory_space<vmem>>, vector<32xbf16>,
      tpu.vector_store %arg12[%parallel_loop3A_345, %parallel_loop3A_346], %parallel_loop3A_344 {strides = array<i32>} : memref<1024x32xbf16, #tpu.memory_space<vmem>>, vector<32xbf16>,
      %parallel_loop3A_348 = arith.constant 16 : i32
      %parallel_loop3A_349 = arith.muli %parallel_loop3A_198, %parallel_loop3A_348 : i32
      %parallel_loop3A_350 = arith.constant 13 : i32
      %parallel_loop3A_351 = arith.addi %parallel_loop3A_349, %parallel_loop3A_350 : i32
      %parallel_loop3A_352 = vector.extract_strided_slice %parallel_loop3A_204 {offsets = [13], sizes = [1], strides = [1]} : vector<16xf32> to vector<1xf32>
      %parallel_loop3A_353 = vector.extract %parallel_loop3A_352[0] : f32 from vector<1xf32>
      %parallel_loop3A_354 = vector.broadcast %parallel_loop3A_353 : f32 to vector<16xf32>
      %parallel_loop3A_355 = tpu.pack_subelements %parallel_loop3A_354, %parallel_loop3A_354 {pack_format = #tpu.pack_format<interleaved>, positions = array<i32: 0, 1>} : vector<16xf32>, vector<16xf32> -> vector<32xbf16>
      %parallel_loop3A_356 = arith.index_cast %parallel_loop3A_351 : i32 to index
      %parallel_loop3A_357 = arith.constant 0 : index
      %parallel_loop3A_358 = tpu.vector_load %arg12[%parallel_loop3A_356, %parallel_loop3A_357] {strides = array<i32>} : memref<1024x32xbf16, #tpu.memory_space<vmem>>, vector<32xbf16>,
      tpu.vector_store %arg12[%parallel_loop3A_356, %parallel_loop3A_357], %parallel_loop3A_355 {strides = array<i32>} : memref<1024x32xbf16, #tpu.memory_space<vmem>>, vector<32xbf16>,
      %parallel_loop3A_359 = arith.constant 16 : i32
      %parallel_loop3A_360 = arith.muli %parallel_loop3A_198, %parallel_loop3A_359 : i32
      %parallel_loop3A_361 = arith.constant 14 : i32
      %parallel_loop3A_362 = arith.addi %parallel_loop3A_360, %parallel_loop3A_361 : i32
      %parallel_loop3A_363 = vector.extract_strided_slice %parallel_loop3A_204 {offsets = [14], sizes = [1], strides = [1]} : vector<16xf32> to vector<1xf32>
      %parallel_loop3A_364 = vector.extract %parallel_loop3A_363[0] : f32 from vector<1xf32>
      %parallel_loop3A_365 = vector.broadcast %parallel_loop3A_364 : f32 to vector<16xf32>
      %parallel_loop3A_366 = tpu.pack_subelements %parallel_loop3A_365, %parallel_loop3A_365 {pack_format = #tpu.pack_format<interleaved>, positions = array<i32: 0, 1>} : vector<16xf32>, vector<16xf32> -> vector<32xbf16>
      %parallel_loop3A_367 = arith.index_cast %parallel_loop3A_362 : i32 to index
      %parallel_loop3A_368 = arith.constant 0 : index
      %parallel_loop3A_369 = tpu.vector_load %arg12[%parallel_loop3A_367, %parallel_loop3A_368] {strides = array<i32>} : memref<1024x32xbf16, #tpu.memory_space<vmem>>, vector<32xbf16>,
      tpu.vector_store %arg12[%parallel_loop3A_367, %parallel_loop3A_368], %parallel_loop3A_366 {strides = array<i32>} : memref<1024x32xbf16, #tpu.memory_space<vmem>>, vector<32xbf16>,
      %parallel_loop3A_370 = arith.constant 16 : i32
      %parallel_loop3A_371 = arith.muli %parallel_loop3A_198, %parallel_loop3A_370 : i32
      %parallel_loop3A_372 = arith.constant 15 : i32
      %parallel_loop3A_373 = arith.addi %parallel_loop3A_371, %parallel_loop3A_372 : i32
      %parallel_loop3A_374 = vector.extract_strided_slice %parallel_loop3A_204 {offsets = [15], sizes = [1], strides = [1]} : vector<16xf32> to vector<1xf32>
      %parallel_loop3A_375 = vector.extract %parallel_loop3A_374[0] : f32 from vector<1xf32>
      %parallel_loop3A_376 = vector.broadcast %parallel_loop3A_375 : f32 to vector<16xf32>
      %parallel_loop3A_377 = tpu.pack_subelements %parallel_loop3A_376, %parallel_loop3A_376 {pack_format = #tpu.pack_format<interleaved>, positions = array<i32: 0, 1>} : vector<16xf32>, vector<16xf32> -> vector<32xbf16>
      %parallel_loop3A_378 = arith.index_cast %parallel_loop3A_373 : i32 to index
      %parallel_loop3A_379 = arith.constant 0 : index
      %parallel_loop3A_380 = tpu.vector_load %arg12[%parallel_loop3A_378, %parallel_loop3A_379] {strides = array<i32>} : memref<1024x32xbf16, #tpu.memory_space<vmem>>, vector<32xbf16>,
      tpu.vector_store %arg12[%parallel_loop3A_378, %parallel_loop3A_379], %parallel_loop3A_377 {strides = array<i32>} : memref<1024x32xbf16, #tpu.memory_space<vmem>>, vector<32xbf16>,
    } {sc.loop_unroll_factor = 1 : i64, sc.parallel_access}
    %add3A = arith.constant 0 : i32
    %add3A_18 = arith.addi %multiple_of3A_15, %add3A : i32
    "tpu.region"() ({
      %run_scoped3A = tpu.sem_alloc : memref<!tpu.dma_semaphore, #tpu.memory_space<semaphore_mem>>
      %dma_start3A_198 = arith.constant 0 : i32
      %dma_start3A_199 = tpu.memref_slice %arg8[%add3A_18, %dma_start3A_198] : memref<16384x32xbf16, #tpu.memory_space<vmem_shared>> -> memref<1024x32xbf16, #tpu.memory_space<vmem_shared>>
      %dma_start3A_200 = arith.constant 0 : i32
      %dma_start3A_201 = tpu.memref_slice %arg8[%add3A_18, %dma_start3A_200] : memref<16384x32xbf16, #tpu.memory_space<vmem_shared>> -> memref<1024x32xbf16, #tpu.memory_space<vmem_shared>>
      tpu.enqueue_dma source(%arg12 : memref<1024x32xbf16, #tpu.memory_space<vmem>>) target(%dma_start3A_201 : memref<1024x32xbf16, #tpu.memory_space<vmem_shared>>) target_semaphore(%run_scoped3A : memref<!tpu.dma_semaphore, #tpu.memory_space<semaphore_mem>>)
      %dma_wait3A_202 = arith.constant 0 : i32
      %dma_wait3A_203 = tpu.memref_slice %arg8[%add3A_18, %dma_wait3A_202] : memref<16384x32xbf16, #tpu.memory_space<vmem_shared>> -> memref<1024x32xbf16, #tpu.memory_space<vmem_shared>>
      %dma_wait3A_204 = arith.constant 0 : i32
      %dma_wait3A_205 = tpu.memref_slice %arg8[%add3A_18, %dma_wait3A_204] : memref<16384x32xbf16, #tpu.memory_space<vmem_shared>> -> memref<1024x32xbf16, #tpu.memory_space<vmem_shared>>
      tpu.wait_dma2 semaphore(%run_scoped3A : memref<!tpu.dma_semaphore, #tpu.memory_space<semaphore_mem>>) src(%arg12 : memref<1024x32xbf16, #tpu.memory_space<vmem>>) dst(%dma_wait3A_205 : memref<1024x32xbf16, #tpu.memory_space<vmem_shared>>)
      tpu.yield
    }) : () -> ()
    %dma_wait3A = arith.constant 0 : i32
    %dma_wait3A_19 = tpu.memref_slice %arg3[%multiple_of3A, %dma_wait3A] : memref<2048x128xi32, #tpu.memory_space<hbm>> -> memref<128x128xi32, #tpu.memory_space<hbm>>
    %dma_wait3A_20 = arith.constant 0 : i32
    %dma_wait3A_21 = tpu.memref_slice %arg3[%multiple_of3A, %dma_wait3A_20] : memref<2048x128xi32, #tpu.memory_space<hbm>> -> memref<128x128xi32, #tpu.memory_space<hbm>>
    tpu.wait_dma2 semaphore(%arg15 : memref<!tpu.dma_semaphore, #tpu.memory_space<semaphore_mem>>) src(%dma_wait3A_21 : memref<128x128xi32, #tpu.memory_space<hbm>>) dst(%arg9 : memref<128x128xi32, #tpu.memory_space<vmem>>)
    %dma_wait3A_22 = arith.constant 0 : i32
    %dma_wait3A_23 = tpu.memref_slice %arg4[%multiple_of3A, %dma_wait3A_22] : memref<2048x128xi32, #tpu.memory_space<hbm>> -> memref<128x128xi32, #tpu.memory_space<hbm>>
    %dma_wait3A_24 = arith.constant 0 : i32
    %dma_wait3A_25 = tpu.memref_slice %arg4[%multiple_of3A, %dma_wait3A_24] : memref<2048x128xi32, #tpu.memory_space<hbm>> -> memref<128x128xi32, #tpu.memory_space<hbm>>
    tpu.wait_dma2 semaphore(%arg15 : memref<!tpu.dma_semaphore, #tpu.memory_space<semaphore_mem>>) src(%dma_wait3A_25 : memref<128x128xi32, #tpu.memory_space<hbm>>) dst(%arg10 : memref<128x128xi32, #tpu.memory_space<vmem>>)
    %dma_wait3A_26 = tpu.memref_slice %arg5[%multiple_of3A_3] : memref<262144xf32, #tpu.memory_space<hbm>> -> memref<16384xf32, #tpu.memory_space<hbm>>
    %dma_wait3A_27 = tpu.memref_slice %arg5[%multiple_of3A_3] : memref<262144xf32, #tpu.memory_space<hbm>> -> memref<16384xf32, #tpu.memory_space<hbm>>
    tpu.wait_dma2 semaphore(%arg15 : memref<!tpu.dma_semaphore, #tpu.memory_space<semaphore_mem>>) src(%dma_wait3A_27 : memref<16384xf32, #tpu.memory_space<hbm>>) dst(%arg11 : memref<16384xf32, #tpu.memory_space<vmem>>)
    %mul3A_28 = arith.constant 16384 : i32
    %mul3A_29 = arith.muli %arg0, %mul3A_28 : i32
    %parallel_loop3A_30 = arith.constant 0 : i32
    %parallel_loop3A_31 = arith.constant 128 : i32
    %parallel_loop3A_32 = arith.constant 1 : i32
    scf.for %parallel_loop3A_198 = %parallel_loop3A_30 to %parallel_loop3A_31 step %parallel_loop3A_32  : i32 {
      %parallel_loop3A_199 = arith.index_cast %parallel_loop3A_198 : i32 to index
      %parallel_loop3A_200 = arith.constant 0 : index
      %parallel_loop3A_201 = tpu.vector_load %arg9[%parallel_loop3A_199, %parallel_loop3A_200] {strides = array<i32>} : memref<128x128xi32, #tpu.memory_space<vmem>>, vector<16xi32>,
      %parallel_loop3A_202 = vector.broadcast %mul3A_29 : i32 to vector<16xi32>
      %parallel_loop3A_203 = arith.addi %parallel_loop3A_201, %parallel_loop3A_202 : vector<16xi32>
      %parallel_loop3A_204 = arith.index_cast %parallel_loop3A_198 : i32 to index
      %parallel_loop3A_205 = arith.constant 0 : index
      %parallel_loop3A_206 = tpu.vector_load %arg9[%parallel_loop3A_204, %parallel_loop3A_205] {strides = array<i32>} : memref<128x128xi32, #tpu.memory_space<vmem>>, vector<16xi32>,
      tpu.vector_store %arg9[%parallel_loop3A_204, %parallel_loop3A_205], %parallel_loop3A_203 {strides = array<i32>} : memref<128x128xi32, #tpu.memory_space<vmem>>, vector<16xi32>,
      %parallel_loop3A_207 = arith.index_cast %parallel_loop3A_198 : i32 to index
      %parallel_loop3A_208 = arith.constant 16 : index
      %parallel_loop3A_209 = tpu.vector_load %arg9[%parallel_loop3A_207, %parallel_loop3A_208] {strides = array<i32>} : memref<128x128xi32, #tpu.memory_space<vmem>>, vector<16xi32>,
      %parallel_loop3A_210 = vector.broadcast %mul3A_29 : i32 to vector<16xi32>
      %parallel_loop3A_211 = arith.addi %parallel_loop3A_209, %parallel_loop3A_210 : vector<16xi32>
      %parallel_loop3A_212 = arith.index_cast %parallel_loop3A_198 : i32 to index
      %parallel_loop3A_213 = arith.constant 16 : index
      %parallel_loop3A_214 = tpu.vector_load %arg9[%parallel_loop3A_212, %parallel_loop3A_213] {strides = array<i32>} : memref<128x128xi32, #tpu.memory_space<vmem>>, vector<16xi32>,
      tpu.vector_store %arg9[%parallel_loop3A_212, %parallel_loop3A_213], %parallel_loop3A_211 {strides = array<i32>} : memref<128x128xi32, #tpu.memory_space<vmem>>, vector<16xi32>,
      %parallel_loop3A_215 = arith.index_cast %parallel_loop3A_198 : i32 to index
      %parallel_loop3A_216 = arith.constant 32 : index
      %parallel_loop3A_217 = tpu.vector_load %arg9[%parallel_loop3A_215, %parallel_loop3A_216] {strides = array<i32>} : memref<128x128xi32, #tpu.memory_space<vmem>>, vector<16xi32>,
      %parallel_loop3A_218 = vector.broadcast %mul3A_29 : i32 to vector<16xi32>
      %parallel_loop3A_219 = arith.addi %parallel_loop3A_217, %parallel_loop3A_218 : vector<16xi32>
      %parallel_loop3A_220 = arith.index_cast %parallel_loop3A_198 : i32 to index
      %parallel_loop3A_221 = arith.constant 32 : index
      %parallel_loop3A_222 = tpu.vector_load %arg9[%parallel_loop3A_220, %parallel_loop3A_221] {strides = array<i32>} : memref<128x128xi32, #tpu.memory_space<vmem>>, vector<16xi32>,
      tpu.vector_store %arg9[%parallel_loop3A_220, %parallel_loop3A_221], %parallel_loop3A_219 {strides = array<i32>} : memref<128x128xi32, #tpu.memory_space<vmem>>, vector<16xi32>,
      %parallel_loop3A_223 = arith.index_cast %parallel_loop3A_198 : i32 to index
      %parallel_loop3A_224 = arith.constant 48 : index
      %parallel_loop3A_225 = tpu.vector_load %arg9[%parallel_loop3A_223, %parallel_loop3A_224] {strides = array<i32>} : memref<128x128xi32, #tpu.memory_space<vmem>>, vector<16xi32>,
      %parallel_loop3A_226 = vector.broadcast %mul3A_29 : i32 to vector<16xi32>
      %parallel_loop3A_227 = arith.addi %parallel_loop3A_225, %parallel_loop3A_226 : vector<16xi32>
      %parallel_loop3A_228 = arith.index_cast %parallel_loop3A_198 : i32 to index
      %parallel_loop3A_229 = arith.constant 48 : index
      %parallel_loop3A_230 = tpu.vector_load %arg9[%parallel_loop3A_228, %parallel_loop3A_229] {strides = array<i32>} : memref<128x128xi32, #tpu.memory_space<vmem>>, vector<16xi32>,
      tpu.vector_store %arg9[%parallel_loop3A_228, %parallel_loop3A_229], %parallel_loop3A_227 {strides = array<i32>} : memref<128x128xi32, #tpu.memory_space<vmem>>, vector<16xi32>,
      %parallel_loop3A_231 = arith.index_cast %parallel_loop3A_198 : i32 to index
      %parallel_loop3A_232 = arith.constant 64 : index
      %parallel_loop3A_233 = tpu.vector_load %arg9[%parallel_loop3A_231, %parallel_loop3A_232] {strides = array<i32>} : memref<128x128xi32, #tpu.memory_space<vmem>>, vector<16xi32>,
      %parallel_loop3A_234 = vector.broadcast %mul3A_29 : i32 to vector<16xi32>
      %parallel_loop3A_235 = arith.addi %parallel_loop3A_233, %parallel_loop3A_234 : vector<16xi32>
      %parallel_loop3A_236 = arith.index_cast %parallel_loop3A_198 : i32 to index
      %parallel_loop3A_237 = arith.constant 64 : index
      %parallel_loop3A_238 = tpu.vector_load %arg9[%parallel_loop3A_236, %parallel_loop3A_237] {strides = array<i32>} : memref<128x128xi32, #tpu.memory_space<vmem>>, vector<16xi32>,
      tpu.vector_store %arg9[%parallel_loop3A_236, %parallel_loop3A_237], %parallel_loop3A_235 {strides = array<i32>} : memref<128x128xi32, #tpu.memory_space<vmem>>, vector<16xi32>,
      %parallel_loop3A_239 = arith.index_cast %parallel_loop3A_198 : i32 to index
      %parallel_loop3A_240 = arith.constant 80 : index
      %parallel_loop3A_241 = tpu.vector_load %arg9[%parallel_loop3A_239, %parallel_loop3A_240] {strides = array<i32>} : memref<128x128xi32, #tpu.memory_space<vmem>>, vector<16xi32>,
      %parallel_loop3A_242 = vector.broadcast %mul3A_29 : i32 to vector<16xi32>
      %parallel_loop3A_243 = arith.addi %parallel_loop3A_241, %parallel_loop3A_242 : vector<16xi32>
      %parallel_loop3A_244 = arith.index_cast %parallel_loop3A_198 : i32 to index
      %parallel_loop3A_245 = arith.constant 80 : index
      %parallel_loop3A_246 = tpu.vector_load %arg9[%parallel_loop3A_244, %parallel_loop3A_245] {strides = array<i32>} : memref<128x128xi32, #tpu.memory_space<vmem>>, vector<16xi32>,
      tpu.vector_store %arg9[%parallel_loop3A_244, %parallel_loop3A_245], %parallel_loop3A_243 {strides = array<i32>} : memref<128x128xi32, #tpu.memory_space<vmem>>, vector<16xi32>,
      %parallel_loop3A_247 = arith.index_cast %parallel_loop3A_198 : i32 to index
      %parallel_loop3A_248 = arith.constant 96 : index
      %parallel_loop3A_249 = tpu.vector_load %arg9[%parallel_loop3A_247, %parallel_loop3A_248] {strides = array<i32>} : memref<128x128xi32, #tpu.memory_space<vmem>>, vector<16xi32>,
      %parallel_loop3A_250 = vector.broadcast %mul3A_29 : i32 to vector<16xi32>
      %parallel_loop3A_251 = arith.addi %parallel_loop3A_249, %parallel_loop3A_250 : vector<16xi32>
      %parallel_loop3A_252 = arith.index_cast %parallel_loop3A_198 : i32 to index
      %parallel_loop3A_253 = arith.constant 96 : index
      %parallel_loop3A_254 = tpu.vector_load %arg9[%parallel_loop3A_252, %parallel_loop3A_253] {strides = array<i32>} : memref<128x128xi32, #tpu.memory_space<vmem>>, vector<16xi32>,
      tpu.vector_store %arg9[%parallel_loop3A_252, %parallel_loop3A_253], %parallel_loop3A_251 {strides = array<i32>} : memref<128x128xi32, #tpu.memory_space<vmem>>, vector<16xi32>,
      %parallel_loop3A_255 = arith.index_cast %parallel_loop3A_198 : i32 to index
      %parallel_loop3A_256 = arith.constant 112 : index
      %parallel_loop3A_257 = tpu.vector_load %arg9[%parallel_loop3A_255, %parallel_loop3A_256] {strides = array<i32>} : memref<128x128xi32, #tpu.memory_space<vmem>>, vector<16xi32>,
      %parallel_loop3A_258 = vector.broadcast %mul3A_29 : i32 to vector<16xi32>
      %parallel_loop3A_259 = arith.addi %parallel_loop3A_257, %parallel_loop3A_258 : vector<16xi32>
      %parallel_loop3A_260 = arith.index_cast %parallel_loop3A_198 : i32 to index
      %parallel_loop3A_261 = arith.constant 112 : index
      %parallel_loop3A_262 = tpu.vector_load %arg9[%parallel_loop3A_260, %parallel_loop3A_261] {strides = array<i32>} : memref<128x128xi32, #tpu.memory_space<vmem>>, vector<16xi32>,
      tpu.vector_store %arg9[%parallel_loop3A_260, %parallel_loop3A_261], %parallel_loop3A_259 {strides = array<i32>} : memref<128x128xi32, #tpu.memory_space<vmem>>, vector<16xi32>,
    } {sc.loop_unroll_factor = 2 : i64, sc.parallel_access}
    %barrier3A = arith.constant 0 : index
    tpu.barrier barrier_id(%barrier3A)
    %iota3A = tpu.iota {dimensions = array<i32: 0>} : vector<16xi32>
    %dma_start3A_33 = arith.constant 0 : i32
    %dma_start3A_34 = arith.constant 0 : i32
    %dma_start3A_35 = arith.constant 0 : i32
    %dma_start3A_36 = tpu.memref_slice %arg12[%dma_start3A_34, %dma_start3A_35] : memref<1024x32xbf16, #tpu.memory_space<vmem>> -> memref<128x32xbf16, #tpu.memory_space<vmem>>
    %dma_start3A_37 = arith.constant 0 : i32
    %dma_start3A_38 = tpu.memref_slice %arg9[%dma_start3A_33, %dma_start3A_37] : memref<128x128xi32, #tpu.memory_space<vmem>> -> memref<1x128xi32, #tpu.memory_space<vmem>>
    %dma_start3A_39 = tpu.memref_squeeze %dma_start3A_38 : memref<1x128xi32, #tpu.memory_space<vmem>> -> memref<128xi32, #tpu.memory_space<vmem>>
    %dma_start3A_40 = arith.constant 0 : i32
    %dma_start3A_41 = arith.constant 0 : i32
    %dma_start3A_42 = tpu.memref_slice %arg2[%dma_start3A_40, %dma_start3A_41] : memref<32768x32xbf16, #tpu.memory_space<hbm>> -> memref<32768x32xbf16, #tpu.memory_space<hbm>>
    tpu.enqueue_indirect_dma source(%dma_start3A_42 : memref<32768x32xbf16, #tpu.memory_space<hbm>>) target(%dma_start3A_36 : memref<128x32xbf16, #tpu.memory_space<vmem>>) offsets(%dma_start3A_39 : memref<128xi32, #tpu.memory_space<vmem>>) semaphore(%arg16 : memref<!tpu.dma_semaphore, #tpu.memory_space<semaphore_mem>>)
    %dma_start3A_43 = arith.constant 1 : i32
    %dma_start3A_44 = arith.constant 128 : i32
    %dma_start3A_45 = arith.constant 0 : i32
    %dma_start3A_46 = tpu.memref_slice %arg12[%dma_start3A_44, %dma_start3A_45] : memref<1024x32xbf16, #tpu.memory_space<vmem>> -> memref<128x32xbf16, #tpu.memory_space<vmem>>
    %dma_start3A_47 = arith.constant 0 : i32
    %dma_start3A_48 = tpu.memref_slice %arg9[%dma_start3A_43, %dma_start3A_47] : memref<128x128xi32, #tpu.memory_space<vmem>> -> memref<1x128xi32, #tpu.memory_space<vmem>>
    %dma_start3A_49 = tpu.memref_squeeze %dma_start3A_48 : memref<1x128xi32, #tpu.memory_space<vmem>> -> memref<128xi32, #tpu.memory_space<vmem>>
    %dma_start3A_50 = arith.constant 0 : i32
    %dma_start3A_51 = arith.constant 0 : i32
    %dma_start3A_52 = tpu.memref_slice %arg2[%dma_start3A_50, %dma_start3A_51] : memref<32768x32xbf16, #tpu.memory_space<hbm>> -> memref<32768x32xbf16, #tpu.memory_space<hbm>>
    tpu.enqueue_indirect_dma source(%dma_start3A_52 : memref<32768x32xbf16, #tpu.memory_space<hbm>>) target(%dma_start3A_46 : memref<128x32xbf16, #tpu.memory_space<vmem>>) offsets(%dma_start3A_49 : memref<128xi32, #tpu.memory_space<vmem>>) semaphore(%arg16 : memref<!tpu.dma_semaphore, #tpu.memory_space<semaphore_mem>>)
    %dma_start3A_53 = arith.constant 2 : i32
    %dma_start3A_54 = arith.constant 256 : i32
    %dma_start3A_55 = arith.constant 0 : i32
    %dma_start3A_56 = tpu.memref_slice %arg12[%dma_start3A_54, %dma_start3A_55] : memref<1024x32xbf16, #tpu.memory_space<vmem>> -> memref<128x32xbf16, #tpu.memory_space<vmem>>
    %dma_start3A_57 = arith.constant 0 : i32
    %dma_start3A_58 = tpu.memref_slice %arg9[%dma_start3A_53, %dma_start3A_57] : memref<128x128xi32, #tpu.memory_space<vmem>> -> memref<1x128xi32, #tpu.memory_space<vmem>>
    %dma_start3A_59 = tpu.memref_squeeze %dma_start3A_58 : memref<1x128xi32, #tpu.memory_space<vmem>> -> memref<128xi32, #tpu.memory_space<vmem>>
    %dma_start3A_60 = arith.constant 0 : i32
    %dma_start3A_61 = arith.constant 0 : i32
    %dma_start3A_62 = tpu.memref_slice %arg2[%dma_start3A_60, %dma_start3A_61] : memref<32768x32xbf16, #tpu.memory_space<hbm>> -> memref<32768x32xbf16, #tpu.memory_space<hbm>>
    tpu.enqueue_indirect_dma source(%dma_start3A_62 : memref<32768x32xbf16, #tpu.memory_space<hbm>>) target(%dma_start3A_56 : memref<128x32xbf16, #tpu.memory_space<vmem>>) offsets(%dma_start3A_59 : memref<128xi32, #tpu.memory_space<vmem>>) semaphore(%arg16 : memref<!tpu.dma_semaphore, #tpu.memory_space<semaphore_mem>>)
    %dma_start3A_63 = arith.constant 3 : i32
    %dma_start3A_64 = arith.constant 384 : i32
    %dma_start3A_65 = arith.constant 0 : i32
    %dma_start3A_66 = tpu.memref_slice %arg12[%dma_start3A_64, %dma_start3A_65] : memref<1024x32xbf16, #tpu.memory_space<vmem>> -> memref<128x32xbf16, #tpu.memory_space<vmem>>
    %dma_start3A_67 = arith.constant 0 : i32
    %dma_start3A_68 = tpu.memref_slice %arg9[%dma_start3A_63, %dma_start3A_67] : memref<128x128xi32, #tpu.memory_space<vmem>> -> memref<1x128xi32, #tpu.memory_space<vmem>>
    %dma_start3A_69 = tpu.memref_squeeze %dma_start3A_68 : memref<1x128xi32, #tpu.memory_space<vmem>> -> memref<128xi32, #tpu.memory_space<vmem>>
    %dma_start3A_70 = arith.constant 0 : i32
    %dma_start3A_71 = arith.constant 0 : i32
    %dma_start3A_72 = tpu.memref_slice %arg2[%dma_start3A_70, %dma_start3A_71] : memref<32768x32xbf16, #tpu.memory_space<hbm>> -> memref<32768x32xbf16, #tpu.memory_space<hbm>>
    tpu.enqueue_indirect_dma source(%dma_start3A_72 : memref<32768x32xbf16, #tpu.memory_space<hbm>>) target(%dma_start3A_66 : memref<128x32xbf16, #tpu.memory_space<vmem>>) offsets(%dma_start3A_69 : memref<128xi32, #tpu.memory_space<vmem>>) semaphore(%arg16 : memref<!tpu.dma_semaphore, #tpu.memory_space<semaphore_mem>>)
    %dma_start3A_73 = arith.constant 4 : i32
    %dma_start3A_74 = arith.constant 512 : i32
    %dma_start3A_75 = arith.constant 0 : i32
    %dma_start3A_76 = tpu.memref_slice %arg12[%dma_start3A_74, %dma_start3A_75] : memref<1024x32xbf16, #tpu.memory_space<vmem>> -> memref<128x32xbf16, #tpu.memory_space<vmem>>
    %dma_start3A_77 = arith.constant 0 : i32
    %dma_start3A_78 = tpu.memref_slice %arg9[%dma_start3A_73, %dma_start3A_77] : memref<128x128xi32, #tpu.memory_space<vmem>> -> memref<1x128xi32, #tpu.memory_space<vmem>>
    %dma_start3A_79 = tpu.memref_squeeze %dma_start3A_78 : memref<1x128xi32, #tpu.memory_space<vmem>> -> memref<128xi32, #tpu.memory_space<vmem>>
    %dma_start3A_80 = arith.constant 0 : i32
    %dma_start3A_81 = arith.constant 0 : i32
    %dma_start3A_82 = tpu.memref_slice %arg2[%dma_start3A_80, %dma_start3A_81] : memref<32768x32xbf16, #tpu.memory_space<hbm>> -> memref<32768x32xbf16, #tpu.memory_space<hbm>>
    tpu.enqueue_indirect_dma source(%dma_start3A_82 : memref<32768x32xbf16, #tpu.memory_space<hbm>>) target(%dma_start3A_76 : memref<128x32xbf16, #tpu.memory_space<vmem>>) offsets(%dma_start3A_79 : memref<128xi32, #tpu.memory_space<vmem>>) semaphore(%arg16 : memref<!tpu.dma_semaphore, #tpu.memory_space<semaphore_mem>>)
    %dma_start3A_83 = arith.constant 5 : i32
    %dma_start3A_84 = arith.constant 640 : i32
    %dma_start3A_85 = arith.constant 0 : i32
    %dma_start3A_86 = tpu.memref_slice %arg12[%dma_start3A_84, %dma_start3A_85] : memref<1024x32xbf16, #tpu.memory_space<vmem>> -> memref<128x32xbf16, #tpu.memory_space<vmem>>
    %dma_start3A_87 = arith.constant 0 : i32
    %dma_start3A_88 = tpu.memref_slice %arg9[%dma_start3A_83, %dma_start3A_87] : memref<128x128xi32, #tpu.memory_space<vmem>> -> memref<1x128xi32, #tpu.memory_space<vmem>>
    %dma_start3A_89 = tpu.memref_squeeze %dma_start3A_88 : memref<1x128xi32, #tpu.memory_space<vmem>> -> memref<128xi32, #tpu.memory_space<vmem>>
    %dma_start3A_90 = arith.constant 0 : i32
    %dma_start3A_91 = arith.constant 0 : i32
    %dma_start3A_92 = tpu.memref_slice %arg2[%dma_start3A_90, %dma_start3A_91] : memref<32768x32xbf16, #tpu.memory_space<hbm>> -> memref<32768x32xbf16, #tpu.memory_space<hbm>>
    tpu.enqueue_indirect_dma source(%dma_start3A_92 : memref<32768x32xbf16, #tpu.memory_space<hbm>>) target(%dma_start3A_86 : memref<128x32xbf16, #tpu.memory_space<vmem>>) offsets(%dma_start3A_89 : memref<128xi32, #tpu.memory_space<vmem>>) semaphore(%arg16 : memref<!tpu.dma_semaphore, #tpu.memory_space<semaphore_mem>>)
    %dma_start3A_93 = arith.constant 6 : i32
    %dma_start3A_94 = arith.constant 768 : i32
    %dma_start3A_95 = arith.constant 0 : i32
    %dma_start3A_96 = tpu.memref_slice %arg12[%dma_start3A_94, %dma_start3A_95] : memref<1024x32xbf16, #tpu.memory_space<vmem>> -> memref<128x32xbf16, #tpu.memory_space<vmem>>
    %dma_start3A_97 = arith.constant 0 : i32
    %dma_start3A_98 = tpu.memref_slice %arg9[%dma_start3A_93, %dma_start3A_97] : memref<128x128xi32, #tpu.memory_space<vmem>> -> memref<1x128xi32, #tpu.memory_space<vmem>>
    %dma_start3A_99 = tpu.memref_squeeze %dma_start3A_98 : memref<1x128xi32, #tpu.memory_space<vmem>> -> memref<128xi32, #tpu.memory_space<vmem>>
    %dma_start3A_100 = arith.constant 0 : i32
    %dma_start3A_101 = arith.constant 0 : i32
    %dma_start3A_102 = tpu.memref_slice %arg2[%dma_start3A_100, %dma_start3A_101] : memref<32768x32xbf16, #tpu.memory_space<hbm>> -> memref<32768x32xbf16, #tpu.memory_space<hbm>>
    tpu.enqueue_indirect_dma source(%dma_start3A_102 : memref<32768x32xbf16, #tpu.memory_space<hbm>>) target(%dma_start3A_96 : memref<128x32xbf16, #tpu.memory_space<vmem>>) offsets(%dma_start3A_99 : memref<128xi32, #tpu.memory_space<vmem>>) semaphore(%arg16 : memref<!tpu.dma_semaphore, #tpu.memory_space<semaphore_mem>>)
    %dma_start3A_103 = arith.constant 7 : i32
    %dma_start3A_104 = arith.constant 896 : i32
    %dma_start3A_105 = arith.constant 0 : i32
    %dma_start3A_106 = tpu.memref_slice %arg12[%dma_start3A_104, %dma_start3A_105] : memref<1024x32xbf16, #tpu.memory_space<vmem>> -> memref<128x32xbf16, #tpu.memory_space<vmem>>
    %dma_start3A_107 = arith.constant 0 : i32
    %dma_start3A_108 = tpu.memref_slice %arg9[%dma_start3A_103, %dma_start3A_107] : memref<128x128xi32, #tpu.memory_space<vmem>> -> memref<1x128xi32, #tpu.memory_space<vmem>>
    %dma_start3A_109 = tpu.memref_squeeze %dma_start3A_108 : memref<1x128xi32, #tpu.memory_space<vmem>> -> memref<128xi32, #tpu.memory_space<vmem>>
    %dma_start3A_110 = arith.constant 0 : i32
    %dma_start3A_111 = arith.constant 0 : i32
    %dma_start3A_112 = tpu.memref_slice %arg2[%dma_start3A_110, %dma_start3A_111] : memref<32768x32xbf16, #tpu.memory_space<hbm>> -> memref<32768x32xbf16, #tpu.memory_space<hbm>>
    tpu.enqueue_indirect_dma source(%dma_start3A_112 : memref<32768x32xbf16, #tpu.memory_space<hbm>>) target(%dma_start3A_106 : memref<128x32xbf16, #tpu.memory_space<vmem>>) offsets(%dma_start3A_109 : memref<128xi32, #tpu.memory_space<vmem>>) semaphore(%arg16 : memref<!tpu.dma_semaphore, #tpu.memory_space<semaphore_mem>>)
    %scan3A = arith.constant 0 : i32
    %scan3A_113 = arith.constant 8 : i32
    %scan3A_114 = arith.addi %scan3A, %scan3A_113 : i32
    %scan3A_115 = arith.constant 1 : i32
    scf.for %scan3A_198 = %scan3A to %scan3A_114 step %scan3A_115  : i32 {
      %mul3A_199 = arith.constant 2 : i32
      %mul3A_200 = arith.muli %scan3A_198, %mul3A_199 : i32
      %add3A_201 = arith.constant 0 : i32
      %add3A_202 = arith.addi %add3A_201, %mul3A_200 : i32
      %ge3A = arith.constant 2 : i32
      %ge3A_203 = arith.cmpi sge, %add3A_202, %ge3A : i32
      %convert_element_type3A = arith.extui %ge3A_203 : i1 to i32
      %cond3A = arith.constant 0 : i32
      %cond3A_204 = arith.cmpi ne, %convert_element_type3A, %cond3A : i32
      scf.if %cond3A_204 {
        %sub3A = arith.constant 1 : i32
        %sub3A_855 = arith.subi %add3A_202, %sub3A : i32
        %mul3A_856 = arith.constant 8 : i32
        %mul3A_857 = arith.muli %sub3A_855, %mul3A_856 : i32
        %add3A_858 = arith.constant 0 : i32
        %add3A_859 = arith.addi %mul3A_857, %add3A_858 : i32
        %dma_wait3A_860 = arith.constant 0 : i32
        %dma_wait3A_861 = arith.constant 0 : i32
        %dma_wait3A_862 = tpu.memref_slice %arg13[%dma_wait3A_860, %dma_wait3A_861] : memref<1024x32xbf16, #tpu.memory_space<vmem>> -> memref<128x32xbf16, #tpu.memory_space<vmem>>
        %dma_wait3A_863 = arith.constant 0 : i32
        %dma_wait3A_864 = tpu.memref_slice %arg10[%add3A_859, %dma_wait3A_863] : memref<128x128xi32, #tpu.memory_space<vmem>> -> memref<1x128xi32, #tpu.memory_space<vmem>>
        %dma_wait3A_865 = tpu.memref_squeeze %dma_wait3A_864 : memref<1x128xi32, #tpu.memory_space<vmem>> -> memref<128xi32, #tpu.memory_space<vmem>>
        %dma_wait3A_866 = arith.constant 0 : i32
        %dma_wait3A_867 = arith.constant 0 : i32
        %dma_wait3A_868 = tpu.memref_slice %arg8[%dma_wait3A_866, %dma_wait3A_867] : memref<16384x32xbf16, #tpu.memory_space<vmem_shared>> -> memref<16384x32xbf16, #tpu.memory_space<vmem_shared>>
        tpu.wait_indirect_dma semaphore(%arg19 : memref<!tpu.dma_semaphore, #tpu.memory_space<semaphore_mem>>) src(%dma_wait3A_862 : memref<128x32xbf16, #tpu.memory_space<vmem>>) dst(%dma_wait3A_868 : memref<16384x32xbf16, #tpu.memory_space<vmem_shared>>)
        %mul3A_869 = arith.constant 8 : i32
        %mul3A_870 = arith.muli %sub3A_855, %mul3A_869 : i32
        %add3A_871 = arith.constant 1 : i32
        %add3A_872 = arith.addi %mul3A_870, %add3A_871 : i32
        %dma_wait3A_873 = arith.constant 128 : i32
        %dma_wait3A_874 = arith.constant 0 : i32
        %dma_wait3A_875 = tpu.memref_slice %arg13[%dma_wait3A_873, %dma_wait3A_874] : memref<1024x32xbf16, #tpu.memory_space<vmem>> -> memref<128x32xbf16, #tpu.memory_space<vmem>>
        %dma_wait3A_876 = arith.constant 0 : i32
        %dma_wait3A_877 = tpu.memref_slice %arg10[%add3A_872, %dma_wait3A_876] : memref<128x128xi32, #tpu.memory_space<vmem>> -> memref<1x128xi32, #tpu.memory_space<vmem>>
        %dma_wait3A_878 = tpu.memref_squeeze %dma_wait3A_877 : memref<1x128xi32, #tpu.memory_space<vmem>> -> memref<128xi32, #tpu.memory_space<vmem>>
        %dma_wait3A_879 = arith.constant 0 : i32
        %dma_wait3A_880 = arith.constant 0 : i32
        %dma_wait3A_881 = tpu.memref_slice %arg8[%dma_wait3A_879, %dma_wait3A_880] : memref<16384x32xbf16, #tpu.memory_space<vmem_shared>> -> memref<16384x32xbf16, #tpu.memory_space<vmem_shared>>
        tpu.wait_indirect_dma semaphore(%arg19 : memref<!tpu.dma_semaphore, #tpu.memory_space<semaphore_mem>>) src(%dma_wait3A_875 : memref<128x32xbf16, #tpu.memory_space<vmem>>) dst(%dma_wait3A_881 : memref<16384x32xbf16, #tpu.memory_space<vmem_shared>>)
        %mul3A_882 = arith.constant 8 : i32
        %mul3A_883 = arith.muli %sub3A_855, %mul3A_882 : i32
        %add3A_884 = arith.constant 2 : i32
        %add3A_885 = arith.addi %mul3A_883, %add3A_884 : i32
        %dma_wait3A_886 = arith.constant 256 : i32
        %dma_wait3A_887 = arith.constant 0 : i32
        %dma_wait3A_888 = tpu.memref_slice %arg13[%dma_wait3A_886, %dma_wait3A_887] : memref<1024x32xbf16, #tpu.memory_space<vmem>> -> memref<128x32xbf16, #tpu.memory_space<vmem>>
        %dma_wait3A_889 = arith.constant 0 : i32
        %dma_wait3A_890 = tpu.memref_slice %arg10[%add3A_885, %dma_wait3A_889] : memref<128x128xi32, #tpu.memory_space<vmem>> -> memref<1x128xi32, #tpu.memory_space<vmem>>
        %dma_wait3A_891 = tpu.memref_squeeze %dma_wait3A_890 : memref<1x128xi32, #tpu.memory_space<vmem>> -> memref<128xi32, #tpu.memory_space<vmem>>
        %dma_wait3A_892 = arith.constant 0 : i32
        %dma_wait3A_893 = arith.constant 0 : i32
        %dma_wait3A_894 = tpu.memref_slice %arg8[%dma_wait3A_892, %dma_wait3A_893] : memref<16384x32xbf16, #tpu.memory_space<vmem_shared>> -> memref<16384x32xbf16, #tpu.memory_space<vmem_shared>>
        tpu.wait_indirect_dma semaphore(%arg19 : memref<!tpu.dma_semaphore, #tpu.memory_space<semaphore_mem>>) src(%dma_wait3A_888 : memref<128x32xbf16, #tpu.memory_space<vmem>>) dst(%dma_wait3A_894 : memref<16384x32xbf16, #tpu.memory_space<vmem_shared>>)
        %mul3A_895 = arith.constant 8 : i32
        %mul3A_896 = arith.muli %sub3A_855, %mul3A_895 : i32
        %add3A_897 = arith.constant 3 : i32
        %add3A_898 = arith.addi %mul3A_896, %add3A_897 : i32
        %dma_wait3A_899 = arith.constant 384 : i32
        %dma_wait3A_900 = arith.constant 0 : i32
        %dma_wait3A_901 = tpu.memref_slice %arg13[%dma_wait3A_899, %dma_wait3A_900] : memref<1024x32xbf16, #tpu.memory_space<vmem>> -> memref<128x32xbf16, #tpu.memory_space<vmem>>
        %dma_wait3A_902 = arith.constant 0 : i32
        %dma_wait3A_903 = tpu.memref_slice %arg10[%add3A_898, %dma_wait3A_902] : memref<128x128xi32, #tpu.memory_space<vmem>> -> memref<1x128xi32, #tpu.memory_space<vmem>>
        %dma_wait3A_904 = tpu.memref_squeeze %dma_wait3A_903 : memref<1x128xi32, #tpu.memory_space<vmem>> -> memref<128xi32, #tpu.memory_space<vmem>>
        %dma_wait3A_905 = arith.constant 0 : i32
        %dma_wait3A_906 = arith.constant 0 : i32
        %dma_wait3A_907 = tpu.memref_slice %arg8[%dma_wait3A_905, %dma_wait3A_906] : memref<16384x32xbf16, #tpu.memory_space<vmem_shared>> -> memref<16384x32xbf16, #tpu.memory_space<vmem_shared>>
        tpu.wait_indirect_dma semaphore(%arg19 : memref<!tpu.dma_semaphore, #tpu.memory_space<semaphore_mem>>) src(%dma_wait3A_901 : memref<128x32xbf16, #tpu.memory_space<vmem>>) dst(%dma_wait3A_907 : memref<16384x32xbf16, #tpu.memory_space<vmem_shared>>)
        %mul3A_908 = arith.constant 8 : i32
        %mul3A_909 = arith.muli %sub3A_855, %mul3A_908 : i32
        %add3A_910 = arith.constant 4 : i32
        %add3A_911 = arith.addi %mul3A_909, %add3A_910 : i32
        %dma_wait3A_912 = arith.constant 512 : i32
        %dma_wait3A_913 = arith.constant 0 : i32
        %dma_wait3A_914 = tpu.memref_slice %arg13[%dma_wait3A_912, %dma_wait3A_913] : memref<1024x32xbf16, #tpu.memory_space<vmem>> -> memref<128x32xbf16, #tpu.memory_space<vmem>>
        %dma_wait3A_915 = arith.constant 0 : i32
        %dma_wait3A_916 = tpu.memref_slice %arg10[%add3A_911, %dma_wait3A_915] : memref<128x128xi32, #tpu.memory_space<vmem>> -> memref<1x128xi32, #tpu.memory_space<vmem>>
        %dma_wait3A_917 = tpu.memref_squeeze %dma_wait3A_916 : memref<1x128xi32, #tpu.memory_space<vmem>> -> memref<128xi32, #tpu.memory_space<vmem>>
        %dma_wait3A_918 = arith.constant 0 : i32
        %dma_wait3A_919 = arith.constant 0 : i32
        %dma_wait3A_920 = tpu.memref_slice %arg8[%dma_wait3A_918, %dma_wait3A_919] : memref<16384x32xbf16, #tpu.memory_space<vmem_shared>> -> memref<16384x32xbf16, #tpu.memory_space<vmem_shared>>
        tpu.wait_indirect_dma semaphore(%arg19 : memref<!tpu.dma_semaphore, #tpu.memory_space<semaphore_mem>>) src(%dma_wait3A_914 : memref<128x32xbf16, #tpu.memory_space<vmem>>) dst(%dma_wait3A_920 : memref<16384x32xbf16, #tpu.memory_space<vmem_shared>>)
        %mul3A_921 = arith.constant 8 : i32
        %mul3A_922 = arith.muli %sub3A_855, %mul3A_921 : i32
        %add3A_923 = arith.constant 5 : i32
        %add3A_924 = arith.addi %mul3A_922, %add3A_923 : i32
        %dma_wait3A_925 = arith.constant 640 : i32
        %dma_wait3A_926 = arith.constant 0 : i32
        %dma_wait3A_927 = tpu.memref_slice %arg13[%dma_wait3A_925, %dma_wait3A_926] : memref<1024x32xbf16, #tpu.memory_space<vmem>> -> memref<128x32xbf16, #tpu.memory_space<vmem>>
        %dma_wait3A_928 = arith.constant 0 : i32
        %dma_wait3A_929 = tpu.memref_slice %arg10[%add3A_924, %dma_wait3A_928] : memref<128x128xi32, #tpu.memory_space<vmem>> -> memref<1x128xi32, #tpu.memory_space<vmem>>
        %dma_wait3A_930 = tpu.memref_squeeze %dma_wait3A_929 : memref<1x128xi32, #tpu.memory_space<vmem>> -> memref<128xi32, #tpu.memory_space<vmem>>
        %dma_wait3A_931 = arith.constant 0 : i32
        %dma_wait3A_932 = arith.constant 0 : i32
        %dma_wait3A_933 = tpu.memref_slice %arg8[%dma_wait3A_931, %dma_wait3A_932] : memref<16384x32xbf16, #tpu.memory_space<vmem_shared>> -> memref<16384x32xbf16, #tpu.memory_space<vmem_shared>>
        tpu.wait_indirect_dma semaphore(%arg19 : memref<!tpu.dma_semaphore, #tpu.memory_space<semaphore_mem>>) src(%dma_wait3A_927 : memref<128x32xbf16, #tpu.memory_space<vmem>>) dst(%dma_wait3A_933 : memref<16384x32xbf16, #tpu.memory_space<vmem_shared>>)
        %mul3A_934 = arith.constant 8 : i32
        %mul3A_935 = arith.muli %sub3A_855, %mul3A_934 : i32
        %add3A_936 = arith.constant 6 : i32
        %add3A_937 = arith.addi %mul3A_935, %add3A_936 : i32
        %dma_wait3A_938 = arith.constant 768 : i32
        %dma_wait3A_939 = arith.constant 0 : i32
        %dma_wait3A_940 = tpu.memref_slice %arg13[%dma_wait3A_938, %dma_wait3A_939] : memref<1024x32xbf16, #tpu.memory_space<vmem>> -> memref<128x32xbf16, #tpu.memory_space<vmem>>
        %dma_wait3A_941 = arith.constant 0 : i32
        %dma_wait3A_942 = tpu.memref_slice %arg10[%add3A_937, %dma_wait3A_941] : memref<128x128xi32, #tpu.memory_space<vmem>> -> memref<1x128xi32, #tpu.memory_space<vmem>>
        %dma_wait3A_943 = tpu.memref_squeeze %dma_wait3A_942 : memref<1x128xi32, #tpu.memory_space<vmem>> -> memref<128xi32, #tpu.memory_space<vmem>>
        %dma_wait3A_944 = arith.constant 0 : i32
        %dma_wait3A_945 = arith.constant 0 : i32
        %dma_wait3A_946 = tpu.memref_slice %arg8[%dma_wait3A_944, %dma_wait3A_945] : memref<16384x32xbf16, #tpu.memory_space<vmem_shared>> -> memref<16384x32xbf16, #tpu.memory_space<vmem_shared>>
        tpu.wait_indirect_dma semaphore(%arg19 : memref<!tpu.dma_semaphore, #tpu.memory_space<semaphore_mem>>) src(%dma_wait3A_940 : memref<128x32xbf16, #tpu.memory_space<vmem>>) dst(%dma_wait3A_946 : memref<16384x32xbf16, #tpu.memory_space<vmem_shared>>)
        %mul3A_947 = arith.constant 8 : i32
        %mul3A_948 = arith.muli %sub3A_855, %mul3A_947 : i32
        %add3A_949 = arith.constant 7 : i32
        %add3A_950 = arith.addi %mul3A_948, %add3A_949 : i32
        %dma_wait3A_951 = arith.constant 896 : i32
        %dma_wait3A_952 = arith.constant 0 : i32
        %dma_wait3A_953 = tpu.memref_slice %arg13[%dma_wait3A_951, %dma_wait3A_952] : memref<1024x32xbf16, #tpu.memory_space<vmem>> -> memref<128x32xbf16, #tpu.memory_space<vmem>>
        %dma_wait3A_954 = arith.constant 0 : i32
        %dma_wait3A_955 = tpu.memref_slice %arg10[%add3A_950, %dma_wait3A_954] : memref<128x128xi32, #tpu.memory_space<vmem>> -> memref<1x128xi32, #tpu.memory_space<vmem>>
        %dma_wait3A_956 = tpu.memref_squeeze %dma_wait3A_955 : memref<1x128xi32, #tpu.memory_space<vmem>> -> memref<128xi32, #tpu.memory_space<vmem>>
        %dma_wait3A_957 = arith.constant 0 : i32
        %dma_wait3A_958 = arith.constant 0 : i32
        %dma_wait3A_959 = tpu.memref_slice %arg8[%dma_wait3A_957, %dma_wait3A_958] : memref<16384x32xbf16, #tpu.memory_space<vmem_shared>> -> memref<16384x32xbf16, #tpu.memory_space<vmem_shared>>
        tpu.wait_indirect_dma semaphore(%arg19 : memref<!tpu.dma_semaphore, #tpu.memory_space<semaphore_mem>>) src(%dma_wait3A_953 : memref<128x32xbf16, #tpu.memory_space<vmem>>) dst(%dma_wait3A_959 : memref<16384x32xbf16, #tpu.memory_space<vmem_shared>>)
      } else {
      }
      %add3A_205 = arith.constant 1 : i32
      %add3A_206 = arith.addi %add3A_202, %add3A_205 : i32
      %mul3A_207 = arith.constant 8 : i32
      %mul3A_208 = arith.muli %add3A_206, %mul3A_207 : i32
      %add3A_209 = arith.constant 0 : i32
      %add3A_210 = arith.addi %mul3A_208, %add3A_209 : i32
      %dma_start3A_211 = arith.constant 0 : i32
      %dma_start3A_212 = arith.constant 0 : i32
      %dma_start3A_213 = tpu.memref_slice %arg13[%dma_start3A_211, %dma_start3A_212] : memref<1024x32xbf16, #tpu.memory_space<vmem>> -> memref<128x32xbf16, #tpu.memory_space<vmem>>
      %dma_start3A_214 = arith.constant 0 : i32
      %dma_start3A_215 = tpu.memref_slice %arg9[%add3A_210, %dma_start3A_214] : memref<128x128xi32, #tpu.memory_space<vmem>> -> memref<1x128xi32, #tpu.memory_space<vmem>>
      %dma_start3A_216 = tpu.memref_squeeze %dma_start3A_215 : memref<1x128xi32, #tpu.memory_space<vmem>> -> memref<128xi32, #tpu.memory_space<vmem>>
      %dma_start3A_217 = arith.constant 0 : i32
      %dma_start3A_218 = arith.constant 0 : i32
      %dma_start3A_219 = tpu.memref_slice %arg2[%dma_start3A_217, %dma_start3A_218] : memref<32768x32xbf16, #tpu.memory_space<hbm>> -> memref<32768x32xbf16, #tpu.memory_space<hbm>>
      tpu.enqueue_indirect_dma source(%dma_start3A_219 : memref<32768x32xbf16, #tpu.memory_space<hbm>>) target(%dma_start3A_213 : memref<128x32xbf16, #tpu.memory_space<vmem>>) offsets(%dma_start3A_216 : memref<128xi32, #tpu.memory_space<vmem>>) semaphore(%arg17 : memref<!tpu.dma_semaphore, #tpu.memory_space<semaphore_mem>>)
      %mul3A_220 = arith.constant 8 : i32
      %mul3A_221 = arith.muli %add3A_206, %mul3A_220 : i32
      %add3A_222 = arith.constant 1 : i32
      %add3A_223 = arith.addi %mul3A_221, %add3A_222 : i32
      %dma_start3A_224 = arith.constant 128 : i32
      %dma_start3A_225 = arith.constant 0 : i32
      %dma_start3A_226 = tpu.memref_slice %arg13[%dma_start3A_224, %dma_start3A_225] : memref<1024x32xbf16, #tpu.memory_space<vmem>> -> memref<128x32xbf16, #tpu.memory_space<vmem>>
      %dma_start3A_227 = arith.constant 0 : i32
      %dma_start3A_228 = tpu.memref_slice %arg9[%add3A_223, %dma_start3A_227] : memref<128x128xi32, #tpu.memory_space<vmem>> -> memref<1x128xi32, #tpu.memory_space<vmem>>
      %dma_start3A_229 = tpu.memref_squeeze %dma_start3A_228 : memref<1x128xi32, #tpu.memory_space<vmem>> -> memref<128xi32, #tpu.memory_space<vmem>>
      %dma_start3A_230 = arith.constant 0 : i32
      %dma_start3A_231 = arith.constant 0 : i32
      %dma_start3A_232 = tpu.memref_slice %arg2[%dma_start3A_230, %dma_start3A_231] : memref<32768x32xbf16, #tpu.memory_space<hbm>> -> memref<32768x32xbf16, #tpu.memory_space<hbm>>
      tpu.enqueue_indirect_dma source(%dma_start3A_232 : memref<32768x32xbf16, #tpu.memory_space<hbm>>) target(%dma_start3A_226 : memref<128x32xbf16, #tpu.memory_space<vmem>>) offsets(%dma_start3A_229 : memref<128xi32, #tpu.memory_space<vmem>>) semaphore(%arg17 : memref<!tpu.dma_semaphore, #tpu.memory_space<semaphore_mem>>)
      %mul3A_233 = arith.constant 8 : i32
      %mul3A_234 = arith.muli %add3A_206, %mul3A_233 : i32
      %add3A_235 = arith.constant 2 : i32
      %add3A_236 = arith.addi %mul3A_234, %add3A_235 : i32
      %dma_start3A_237 = arith.constant 256 : i32
      %dma_start3A_238 = arith.constant 0 : i32
      %dma_start3A_239 = tpu.memref_slice %arg13[%dma_start3A_237, %dma_start3A_238] : memref<1024x32xbf16, #tpu.memory_space<vmem>> -> memref<128x32xbf16, #tpu.memory_space<vmem>>
      %dma_start3A_240 = arith.constant 0 : i32
      %dma_start3A_241 = tpu.memref_slice %arg9[%add3A_236, %dma_start3A_240] : memref<128x128xi32, #tpu.memory_space<vmem>> -> memref<1x128xi32, #tpu.memory_space<vmem>>
      %dma_start3A_242 = tpu.memref_squeeze %dma_start3A_241 : memref<1x128xi32, #tpu.memory_space<vmem>> -> memref<128xi32, #tpu.memory_space<vmem>>
      %dma_start3A_243 = arith.constant 0 : i32
      %dma_start3A_244 = arith.constant 0 : i32
      %dma_start3A_245 = tpu.memref_slice %arg2[%dma_start3A_243, %dma_start3A_244] : memref<32768x32xbf16, #tpu.memory_space<hbm>> -> memref<32768x32xbf16, #tpu.memory_space<hbm>>
      tpu.enqueue_indirect_dma source(%dma_start3A_245 : memref<32768x32xbf16, #tpu.memory_space<hbm>>) target(%dma_start3A_239 : memref<128x32xbf16, #tpu.memory_space<vmem>>) offsets(%dma_start3A_242 : memref<128xi32, #tpu.memory_space<vmem>>) semaphore(%arg17 : memref<!tpu.dma_semaphore, #tpu.memory_space<semaphore_mem>>)
      %mul3A_246 = arith.constant 8 : i32
      %mul3A_247 = arith.muli %add3A_206, %mul3A_246 : i32
      %add3A_248 = arith.constant 3 : i32
      %add3A_249 = arith.addi %mul3A_247, %add3A_248 : i32
      %dma_start3A_250 = arith.constant 384 : i32
      %dma_start3A_251 = arith.constant 0 : i32
      %dma_start3A_252 = tpu.memref_slice %arg13[%dma_start3A_250, %dma_start3A_251] : memref<1024x32xbf16, #tpu.memory_space<vmem>> -> memref<128x32xbf16, #tpu.memory_space<vmem>>
      %dma_start3A_253 = arith.constant 0 : i32
      %dma_start3A_254 = tpu.memref_slice %arg9[%add3A_249, %dma_start3A_253] : memref<128x128xi32, #tpu.memory_space<vmem>> -> memref<1x128xi32, #tpu.memory_space<vmem>>
      %dma_start3A_255 = tpu.memref_squeeze %dma_start3A_254 : memref<1x128xi32, #tpu.memory_space<vmem>> -> memref<128xi32, #tpu.memory_space<vmem>>
      %dma_start3A_256 = arith.constant 0 : i32
      %dma_start3A_257 = arith.constant 0 : i32
      %dma_start3A_258 = tpu.memref_slice %arg2[%dma_start3A_256, %dma_start3A_257] : memref<32768x32xbf16, #tpu.memory_space<hbm>> -> memref<32768x32xbf16, #tpu.memory_space<hbm>>
      tpu.enqueue_indirect_dma source(%dma_start3A_258 : memref<32768x32xbf16, #tpu.memory_space<hbm>>) target(%dma_start3A_252 : memref<128x32xbf16, #tpu.memory_space<vmem>>) offsets(%dma_start3A_255 : memref<128xi32, #tpu.memory_space<vmem>>) semaphore(%arg17 : memref<!tpu.dma_semaphore, #tpu.memory_space<semaphore_mem>>)
      %mul3A_259 = arith.constant 8 : i32
      %mul3A_260 = arith.muli %add3A_206, %mul3A_259 : i32
      %add3A_261 = arith.constant 4 : i32
      %add3A_262 = arith.addi %mul3A_260, %add3A_261 : i32
      %dma_start3A_263 = arith.constant 512 : i32
      %dma_start3A_264 = arith.constant 0 : i32
      %dma_start3A_265 = tpu.memref_slice %arg13[%dma_start3A_263, %dma_start3A_264] : memref<1024x32xbf16, #tpu.memory_space<vmem>> -> memref<128x32xbf16, #tpu.memory_space<vmem>>
      %dma_start3A_266 = arith.constant 0 : i32
      %dma_start3A_267 = tpu.memref_slice %arg9[%add3A_262, %dma_start3A_266] : memref<128x128xi32, #tpu.memory_space<vmem>> -> memref<1x128xi32, #tpu.memory_space<vmem>>
      %dma_start3A_268 = tpu.memref_squeeze %dma_start3A_267 : memref<1x128xi32, #tpu.memory_space<vmem>> -> memref<128xi32, #tpu.memory_space<vmem>>
      %dma_start3A_269 = arith.constant 0 : i32
      %dma_start3A_270 = arith.constant 0 : i32
      %dma_start3A_271 = tpu.memref_slice %arg2[%dma_start3A_269, %dma_start3A_270] : memref<32768x32xbf16, #tpu.memory_space<hbm>> -> memref<32768x32xbf16, #tpu.memory_space<hbm>>
      tpu.enqueue_indirect_dma source(%dma_start3A_271 : memref<32768x32xbf16, #tpu.memory_space<hbm>>) target(%dma_start3A_265 : memref<128x32xbf16, #tpu.memory_space<vmem>>) offsets(%dma_start3A_268 : memref<128xi32, #tpu.memory_space<vmem>>) semaphore(%arg17 : memref<!tpu.dma_semaphore, #tpu.memory_space<semaphore_mem>>)
      %mul3A_272 = arith.constant 8 : i32
      %mul3A_273 = arith.muli %add3A_206, %mul3A_272 : i32
      %add3A_274 = arith.constant 5 : i32
      %add3A_275 = arith.addi %mul3A_273, %add3A_274 : i32
      %dma_start3A_276 = arith.constant 640 : i32
      %dma_start3A_277 = arith.constant 0 : i32
      %dma_start3A_278 = tpu.memref_slice %arg13[%dma_start3A_276, %dma_start3A_277] : memref<1024x32xbf16, #tpu.memory_space<vmem>> -> memref<128x32xbf16, #tpu.memory_space<vmem>>
      %dma_start3A_279 = arith.constant 0 : i32
      %dma_start3A_280 = tpu.memref_slice %arg9[%add3A_275, %dma_start3A_279] : memref<128x128xi32, #tpu.memory_space<vmem>> -> memref<1x128xi32, #tpu.memory_space<vmem>>
      %dma_start3A_281 = tpu.memref_squeeze %dma_start3A_280 : memref<1x128xi32, #tpu.memory_space<vmem>> -> memref<128xi32, #tpu.memory_space<vmem>>
      %dma_start3A_282 = arith.constant 0 : i32
      %dma_start3A_283 = arith.constant 0 : i32
      %dma_start3A_284 = tpu.memref_slice %arg2[%dma_start3A_282, %dma_start3A_283] : memref<32768x32xbf16, #tpu.memory_space<hbm>> -> memref<32768x32xbf16, #tpu.memory_space<hbm>>
      tpu.enqueue_indirect_dma source(%dma_start3A_284 : memref<32768x32xbf16, #tpu.memory_space<hbm>>) target(%dma_start3A_278 : memref<128x32xbf16, #tpu.memory_space<vmem>>) offsets(%dma_start3A_281 : memref<128xi32, #tpu.memory_space<vmem>>) semaphore(%arg17 : memref<!tpu.dma_semaphore, #tpu.memory_space<semaphore_mem>>)
      %mul3A_285 = arith.constant 8 : i32
      %mul3A_286 = arith.muli %add3A_206, %mul3A_285 : i32
      %add3A_287 = arith.constant 6 : i32
      %add3A_288 = arith.addi %mul3A_286, %add3A_287 : i32
      %dma_start3A_289 = arith.constant 768 : i32
      %dma_start3A_290 = arith.constant 0 : i32
      %dma_start3A_291 = tpu.memref_slice %arg13[%dma_start3A_289, %dma_start3A_290] : memref<1024x32xbf16, #tpu.memory_space<vmem>> -> memref<128x32xbf16, #tpu.memory_space<vmem>>
      %dma_start3A_292 = arith.constant 0 : i32
      %dma_start3A_293 = tpu.memref_slice %arg9[%add3A_288, %dma_start3A_292] : memref<128x128xi32, #tpu.memory_space<vmem>> -> memref<1x128xi32, #tpu.memory_space<vmem>>
      %dma_start3A_294 = tpu.memref_squeeze %dma_start3A_293 : memref<1x128xi32, #tpu.memory_space<vmem>> -> memref<128xi32, #tpu.memory_space<vmem>>
      %dma_start3A_295 = arith.constant 0 : i32
      %dma_start3A_296 = arith.constant 0 : i32
      %dma_start3A_297 = tpu.memref_slice %arg2[%dma_start3A_295, %dma_start3A_296] : memref<32768x32xbf16, #tpu.memory_space<hbm>> -> memref<32768x32xbf16, #tpu.memory_space<hbm>>
      tpu.enqueue_indirect_dma source(%dma_start3A_297 : memref<32768x32xbf16, #tpu.memory_space<hbm>>) target(%dma_start3A_291 : memref<128x32xbf16, #tpu.memory_space<vmem>>) offsets(%dma_start3A_294 : memref<128xi32, #tpu.memory_space<vmem>>) semaphore(%arg17 : memref<!tpu.dma_semaphore, #tpu.memory_space<semaphore_mem>>)
      %mul3A_298 = arith.constant 8 : i32
      %mul3A_299 = arith.muli %add3A_206, %mul3A_298 : i32
      %add3A_300 = arith.constant 7 : i32
      %add3A_301 = arith.addi %mul3A_299, %add3A_300 : i32
      %dma_start3A_302 = arith.constant 896 : i32
      %dma_start3A_303 = arith.constant 0 : i32
      %dma_start3A_304 = tpu.memref_slice %arg13[%dma_start3A_302, %dma_start3A_303] : memref<1024x32xbf16, #tpu.memory_space<vmem>> -> memref<128x32xbf16, #tpu.memory_space<vmem>>
      %dma_start3A_305 = arith.constant 0 : i32
      %dma_start3A_306 = tpu.memref_slice %arg9[%add3A_301, %dma_start3A_305] : memref<128x128xi32, #tpu.memory_space<vmem>> -> memref<1x128xi32, #tpu.memory_space<vmem>>
      %dma_start3A_307 = tpu.memref_squeeze %dma_start3A_306 : memref<1x128xi32, #tpu.memory_space<vmem>> -> memref<128xi32, #tpu.memory_space<vmem>>
      %dma_start3A_308 = arith.constant 0 : i32
      %dma_start3A_309 = arith.constant 0 : i32
      %dma_start3A_310 = tpu.memref_slice %arg2[%dma_start3A_308, %dma_start3A_309] : memref<32768x32xbf16, #tpu.memory_space<hbm>> -> memref<32768x32xbf16, #tpu.memory_space<hbm>>
      tpu.enqueue_indirect_dma source(%dma_start3A_310 : memref<32768x32xbf16, #tpu.memory_space<hbm>>) target(%dma_start3A_304 : memref<128x32xbf16, #tpu.memory_space<vmem>>) offsets(%dma_start3A_307 : memref<128xi32, #tpu.memory_space<vmem>>) semaphore(%arg17 : memref<!tpu.dma_semaphore, #tpu.memory_space<semaphore_mem>>)
      %mul3A_311 = arith.constant 8 : i32
      %mul3A_312 = arith.muli %add3A_202, %mul3A_311 : i32
      %add3A_313 = arith.constant 0 : i32
      %add3A_314 = arith.addi %mul3A_312, %add3A_313 : i32
      %dma_wait3A_315 = arith.constant 0 : i32
      %dma_wait3A_316 = arith.constant 0 : i32
      %dma_wait3A_317 = tpu.memref_slice %arg12[%dma_wait3A_315, %dma_wait3A_316] : memref<1024x32xbf16, #tpu.memory_space<vmem>> -> memref<128x32xbf16, #tpu.memory_space<vmem>>
      %dma_wait3A_318 = arith.constant 0 : i32
      %dma_wait3A_319 = tpu.memref_slice %arg9[%add3A_314, %dma_wait3A_318] : memref<128x128xi32, #tpu.memory_space<vmem>> -> memref<1x128xi32, #tpu.memory_space<vmem>>
      %dma_wait3A_320 = tpu.memref_squeeze %dma_wait3A_319 : memref<1x128xi32, #tpu.memory_space<vmem>> -> memref<128xi32, #tpu.memory_space<vmem>>
      %dma_wait3A_321 = arith.constant 0 : i32
      %dma_wait3A_322 = arith.constant 0 : i32
      %dma_wait3A_323 = tpu.memref_slice %arg2[%dma_wait3A_321, %dma_wait3A_322] : memref<32768x32xbf16, #tpu.memory_space<hbm>> -> memref<32768x32xbf16, #tpu.memory_space<hbm>>
      tpu.wait_indirect_dma semaphore(%arg16 : memref<!tpu.dma_semaphore, #tpu.memory_space<semaphore_mem>>) src(%dma_wait3A_323 : memref<32768x32xbf16, #tpu.memory_space<hbm>>) dst(%dma_wait3A_317 : memref<128x32xbf16, #tpu.memory_space<vmem>>)
      %mul3A_324 = arith.constant 8 : i32
      %mul3A_325 = arith.muli %add3A_202, %mul3A_324 : i32
      %add3A_326 = arith.constant 1 : i32
      %add3A_327 = arith.addi %mul3A_325, %add3A_326 : i32
      %dma_wait3A_328 = arith.constant 128 : i32
      %dma_wait3A_329 = arith.constant 0 : i32
      %dma_wait3A_330 = tpu.memref_slice %arg12[%dma_wait3A_328, %dma_wait3A_329] : memref<1024x32xbf16, #tpu.memory_space<vmem>> -> memref<128x32xbf16, #tpu.memory_space<vmem>>
      %dma_wait3A_331 = arith.constant 0 : i32
      %dma_wait3A_332 = tpu.memref_slice %arg9[%add3A_327, %dma_wait3A_331] : memref<128x128xi32, #tpu.memory_space<vmem>> -> memref<1x128xi32, #tpu.memory_space<vmem>>
      %dma_wait3A_333 = tpu.memref_squeeze %dma_wait3A_332 : memref<1x128xi32, #tpu.memory_space<vmem>> -> memref<128xi32, #tpu.memory_space<vmem>>
      %dma_wait3A_334 = arith.constant 0 : i32
      %dma_wait3A_335 = arith.constant 0 : i32
      %dma_wait3A_336 = tpu.memref_slice %arg2[%dma_wait3A_334, %dma_wait3A_335] : memref<32768x32xbf16, #tpu.memory_space<hbm>> -> memref<32768x32xbf16, #tpu.memory_space<hbm>>
      tpu.wait_indirect_dma semaphore(%arg16 : memref<!tpu.dma_semaphore, #tpu.memory_space<semaphore_mem>>) src(%dma_wait3A_336 : memref<32768x32xbf16, #tpu.memory_space<hbm>>) dst(%dma_wait3A_330 : memref<128x32xbf16, #tpu.memory_space<vmem>>)
      %mul3A_337 = arith.constant 8 : i32
      %mul3A_338 = arith.muli %add3A_202, %mul3A_337 : i32
      %add3A_339 = arith.constant 2 : i32
      %add3A_340 = arith.addi %mul3A_338, %add3A_339 : i32
      %dma_wait3A_341 = arith.constant 256 : i32
      %dma_wait3A_342 = arith.constant 0 : i32
      %dma_wait3A_343 = tpu.memref_slice %arg12[%dma_wait3A_341, %dma_wait3A_342] : memref<1024x32xbf16, #tpu.memory_space<vmem>> -> memref<128x32xbf16, #tpu.memory_space<vmem>>
      %dma_wait3A_344 = arith.constant 0 : i32
      %dma_wait3A_345 = tpu.memref_slice %arg9[%add3A_340, %dma_wait3A_344] : memref<128x128xi32, #tpu.memory_space<vmem>> -> memref<1x128xi32, #tpu.memory_space<vmem>>
      %dma_wait3A_346 = tpu.memref_squeeze %dma_wait3A_345 : memref<1x128xi32, #tpu.memory_space<vmem>> -> memref<128xi32, #tpu.memory_space<vmem>>
      %dma_wait3A_347 = arith.constant 0 : i32
      %dma_wait3A_348 = arith.constant 0 : i32
      %dma_wait3A_349 = tpu.memref_slice %arg2[%dma_wait3A_347, %dma_wait3A_348] : memref<32768x32xbf16, #tpu.memory_space<hbm>> -> memref<32768x32xbf16, #tpu.memory_space<hbm>>
      tpu.wait_indirect_dma semaphore(%arg16 : memref<!tpu.dma_semaphore, #tpu.memory_space<semaphore_mem>>) src(%dma_wait3A_349 : memref<32768x32xbf16, #tpu.memory_space<hbm>>) dst(%dma_wait3A_343 : memref<128x32xbf16, #tpu.memory_space<vmem>>)
      %mul3A_350 = arith.constant 8 : i32
      %mul3A_351 = arith.muli %add3A_202, %mul3A_350 : i32
      %add3A_352 = arith.constant 3 : i32
      %add3A_353 = arith.addi %mul3A_351, %add3A_352 : i32
      %dma_wait3A_354 = arith.constant 384 : i32
      %dma_wait3A_355 = arith.constant 0 : i32
      %dma_wait3A_356 = tpu.memref_slice %arg12[%dma_wait3A_354, %dma_wait3A_355] : memref<1024x32xbf16, #tpu.memory_space<vmem>> -> memref<128x32xbf16, #tpu.memory_space<vmem>>
      %dma_wait3A_357 = arith.constant 0 : i32
      %dma_wait3A_358 = tpu.memref_slice %arg9[%add3A_353, %dma_wait3A_357] : memref<128x128xi32, #tpu.memory_space<vmem>> -> memref<1x128xi32, #tpu.memory_space<vmem>>
      %dma_wait3A_359 = tpu.memref_squeeze %dma_wait3A_358 : memref<1x128xi32, #tpu.memory_space<vmem>> -> memref<128xi32, #tpu.memory_space<vmem>>
      %dma_wait3A_360 = arith.constant 0 : i32
      %dma_wait3A_361 = arith.constant 0 : i32
      %dma_wait3A_362 = tpu.memref_slice %arg2[%dma_wait3A_360, %dma_wait3A_361] : memref<32768x32xbf16, #tpu.memory_space<hbm>> -> memref<32768x32xbf16, #tpu.memory_space<hbm>>
      tpu.wait_indirect_dma semaphore(%arg16 : memref<!tpu.dma_semaphore, #tpu.memory_space<semaphore_mem>>) src(%dma_wait3A_362 : memref<32768x32xbf16, #tpu.memory_space<hbm>>) dst(%dma_wait3A_356 : memref<128x32xbf16, #tpu.memory_space<vmem>>)
      %mul3A_363 = arith.constant 8 : i32
      %mul3A_364 = arith.muli %add3A_202, %mul3A_363 : i32
      %add3A_365 = arith.constant 4 : i32
      %add3A_366 = arith.addi %mul3A_364, %add3A_365 : i32
      %dma_wait3A_367 = arith.constant 512 : i32
      %dma_wait3A_368 = arith.constant 0 : i32
      %dma_wait3A_369 = tpu.memref_slice %arg12[%dma_wait3A_367, %dma_wait3A_368] : memref<1024x32xbf16, #tpu.memory_space<vmem>> -> memref<128x32xbf16, #tpu.memory_space<vmem>>
      %dma_wait3A_370 = arith.constant 0 : i32
      %dma_wait3A_371 = tpu.memref_slice %arg9[%add3A_366, %dma_wait3A_370] : memref<128x128xi32, #tpu.memory_space<vmem>> -> memref<1x128xi32, #tpu.memory_space<vmem>>
      %dma_wait3A_372 = tpu.memref_squeeze %dma_wait3A_371 : memref<1x128xi32, #tpu.memory_space<vmem>> -> memref<128xi32, #tpu.memory_space<vmem>>
      %dma_wait3A_373 = arith.constant 0 : i32
      %dma_wait3A_374 = arith.constant 0 : i32
      %dma_wait3A_375 = tpu.memref_slice %arg2[%dma_wait3A_373, %dma_wait3A_374] : memref<32768x32xbf16, #tpu.memory_space<hbm>> -> memref<32768x32xbf16, #tpu.memory_space<hbm>>
      tpu.wait_indirect_dma semaphore(%arg16 : memref<!tpu.dma_semaphore, #tpu.memory_space<semaphore_mem>>) src(%dma_wait3A_375 : memref<32768x32xbf16, #tpu.memory_space<hbm>>) dst(%dma_wait3A_369 : memref<128x32xbf16, #tpu.memory_space<vmem>>)
      %mul3A_376 = arith.constant 8 : i32
      %mul3A_377 = arith.muli %add3A_202, %mul3A_376 : i32
      %add3A_378 = arith.constant 5 : i32
      %add3A_379 = arith.addi %mul3A_377, %add3A_378 : i32
      %dma_wait3A_380 = arith.constant 640 : i32
      %dma_wait3A_381 = arith.constant 0 : i32
      %dma_wait3A_382 = tpu.memref_slice %arg12[%dma_wait3A_380, %dma_wait3A_381] : memref<1024x32xbf16, #tpu.memory_space<vmem>> -> memref<128x32xbf16, #tpu.memory_space<vmem>>
      %dma_wait3A_383 = arith.constant 0 : i32
      %dma_wait3A_384 = tpu.memref_slice %arg9[%add3A_379, %dma_wait3A_383] : memref<128x128xi32, #tpu.memory_space<vmem>> -> memref<1x128xi32, #tpu.memory_space<vmem>>
      %dma_wait3A_385 = tpu.memref_squeeze %dma_wait3A_384 : memref<1x128xi32, #tpu.memory_space<vmem>> -> memref<128xi32, #tpu.memory_space<vmem>>
      %dma_wait3A_386 = arith.constant 0 : i32
      %dma_wait3A_387 = arith.constant 0 : i32
      %dma_wait3A_388 = tpu.memref_slice %arg2[%dma_wait3A_386, %dma_wait3A_387] : memref<32768x32xbf16, #tpu.memory_space<hbm>> -> memref<32768x32xbf16, #tpu.memory_space<hbm>>
      tpu.wait_indirect_dma semaphore(%arg16 : memref<!tpu.dma_semaphore, #tpu.memory_space<semaphore_mem>>) src(%dma_wait3A_388 : memref<32768x32xbf16, #tpu.memory_space<hbm>>) dst(%dma_wait3A_382 : memref<128x32xbf16, #tpu.memory_space<vmem>>)
      %mul3A_389 = arith.constant 8 : i32
      %mul3A_390 = arith.muli %add3A_202, %mul3A_389 : i32
      %add3A_391 = arith.constant 6 : i32
      %add3A_392 = arith.addi %mul3A_390, %add3A_391 : i32
      %dma_wait3A_393 = arith.constant 768 : i32
      %dma_wait3A_394 = arith.constant 0 : i32
      %dma_wait3A_395 = tpu.memref_slice %arg12[%dma_wait3A_393, %dma_wait3A_394] : memref<1024x32xbf16, #tpu.memory_space<vmem>> -> memref<128x32xbf16, #tpu.memory_space<vmem>>
      %dma_wait3A_396 = arith.constant 0 : i32
      %dma_wait3A_397 = tpu.memref_slice %arg9[%add3A_392, %dma_wait3A_396] : memref<128x128xi32, #tpu.memory_space<vmem>> -> memref<1x128xi32, #tpu.memory_space<vmem>>
      %dma_wait3A_398 = tpu.memref_squeeze %dma_wait3A_397 : memref<1x128xi32, #tpu.memory_space<vmem>> -> memref<128xi32, #tpu.memory_space<vmem>>
      %dma_wait3A_399 = arith.constant 0 : i32
      %dma_wait3A_400 = arith.constant 0 : i32
      %dma_wait3A_401 = tpu.memref_slice %arg2[%dma_wait3A_399, %dma_wait3A_400] : memref<32768x32xbf16, #tpu.memory_space<hbm>> -> memref<32768x32xbf16, #tpu.memory_space<hbm>>
      tpu.wait_indirect_dma semaphore(%arg16 : memref<!tpu.dma_semaphore, #tpu.memory_space<semaphore_mem>>) src(%dma_wait3A_401 : memref<32768x32xbf16, #tpu.memory_space<hbm>>) dst(%dma_wait3A_395 : memref<128x32xbf16, #tpu.memory_space<vmem>>)
      %mul3A_402 = arith.constant 8 : i32
      %mul3A_403 = arith.muli %add3A_202, %mul3A_402 : i32
      %add3A_404 = arith.constant 7 : i32
      %add3A_405 = arith.addi %mul3A_403, %add3A_404 : i32
      %dma_wait3A_406 = arith.constant 896 : i32
      %dma_wait3A_407 = arith.constant 0 : i32
      %dma_wait3A_408 = tpu.memref_slice %arg12[%dma_wait3A_406, %dma_wait3A_407] : memref<1024x32xbf16, #tpu.memory_space<vmem>> -> memref<128x32xbf16, #tpu.memory_space<vmem>>
      %dma_wait3A_409 = arith.constant 0 : i32
      %dma_wait3A_410 = tpu.memref_slice %arg9[%add3A_405, %dma_wait3A_409] : memref<128x128xi32, #tpu.memory_space<vmem>> -> memref<1x128xi32, #tpu.memory_space<vmem>>
      %dma_wait3A_411 = tpu.memref_squeeze %dma_wait3A_410 : memref<1x128xi32, #tpu.memory_space<vmem>> -> memref<128xi32, #tpu.memory_space<vmem>>
      %dma_wait3A_412 = arith.constant 0 : i32
      %dma_wait3A_413 = arith.constant 0 : i32
      %dma_wait3A_414 = tpu.memref_slice %arg2[%dma_wait3A_412, %dma_wait3A_413] : memref<32768x32xbf16, #tpu.memory_space<hbm>> -> memref<32768x32xbf16, #tpu.memory_space<hbm>>
      tpu.wait_indirect_dma semaphore(%arg16 : memref<!tpu.dma_semaphore, #tpu.memory_space<semaphore_mem>>) src(%dma_wait3A_414 : memref<32768x32xbf16, #tpu.memory_space<hbm>>) dst(%dma_wait3A_408 : memref<128x32xbf16, #tpu.memory_space<vmem>>)
      %mul3A_415 = arith.constant 1024 : i32
      %mul3A_416 = arith.muli %add3A_202, %mul3A_415 : i32
      %multiple_of3A_417 = tpu.assume_multiple %mul3A_416, 1024 : i32
      %parallel_loop3A_418 = arith.constant 0 : i32
      %parallel_loop3A_419 = arith.constant 64 : i32
      %parallel_loop3A_420 = arith.constant 1 : i32
      scf.for %parallel_loop3A_855 = %parallel_loop3A_418 to %parallel_loop3A_419 step %parallel_loop3A_420  : i32 {
        %parallel_loop3A_856 = arith.constant 16 : i32
        %parallel_loop3A_857 = arith.muli %parallel_loop3A_855, %parallel_loop3A_856 : i32
        %parallel_loop3A_858 = tpu.memref_slice %arg11[%multiple_of3A_417] : memref<16384xf32, #tpu.memory_space<vmem>> -> memref<1024xf32, #tpu.memory_space<vmem>>
        %parallel_loop3A_859 = arith.index_cast %parallel_loop3A_857 : i32 to index
        %parallel_loop3A_860 = tpu.vector_load %parallel_loop3A_858[%parallel_loop3A_859] {strides = array<i32>} : memref<1024xf32, #tpu.memory_space<vmem>>, vector<16xf32>,
        %parallel_loop3A_861 = arith.constant 16 : i32
        %parallel_loop3A_862 = arith.muli %parallel_loop3A_855, %parallel_loop3A_861 : i32
        %parallel_loop3A_863 = arith.constant 0 : i32
        %parallel_loop3A_864 = arith.addi %parallel_loop3A_862, %parallel_loop3A_863 : i32
        %parallel_loop3A_865 = vector.extract_strided_slice %parallel_loop3A_860 {offsets = [0], sizes = [1], strides = [1]} : vector<16xf32> to vector<1xf32>
        %parallel_loop3A_866 = vector.extract %parallel_loop3A_865[0] : f32 from vector<1xf32>
        %parallel_loop3A_867 = vector.broadcast %parallel_loop3A_866 : f32 to vector<16xf32>
        %parallel_loop3A_868 = tpu.pack_subelements %parallel_loop3A_867, %parallel_loop3A_867 {pack_format = #tpu.pack_format<interleaved>, positions = array<i32: 0, 1>} : vector<16xf32>, vector<16xf32> -> vector<32xbf16>
        %parallel_loop3A_869 = arith.index_cast %parallel_loop3A_864 : i32 to index
        %parallel_loop3A_870 = arith.constant 0 : index
        %parallel_loop3A_871 = tpu.vector_load %arg12[%parallel_loop3A_869, %parallel_loop3A_870] {strides = array<i32>} : memref<1024x32xbf16, #tpu.memory_space<vmem>>, vector<32xbf16>,
        %parallel_loop3A_872 = arith.mulf %parallel_loop3A_871, %parallel_loop3A_868 : vector<32xbf16>
        %parallel_loop3A_873 = arith.index_cast %parallel_loop3A_864 : i32 to index
        %parallel_loop3A_874 = arith.constant 0 : index
        %parallel_loop3A_875 = tpu.vector_load %arg12[%parallel_loop3A_873, %parallel_loop3A_874] {strides = array<i32>} : memref<1024x32xbf16, #tpu.memory_space<vmem>>, vector<32xbf16>,
        tpu.vector_store %arg12[%parallel_loop3A_873, %parallel_loop3A_874], %parallel_loop3A_872 {strides = array<i32>} : memref<1024x32xbf16, #tpu.memory_space<vmem>>, vector<32xbf16>,
        %parallel_loop3A_876 = arith.constant 16 : i32
        %parallel_loop3A_877 = arith.muli %parallel_loop3A_855, %parallel_loop3A_876 : i32
        %parallel_loop3A_878 = arith.constant 1 : i32
        %parallel_loop3A_879 = arith.addi %parallel_loop3A_877, %parallel_loop3A_878 : i32
        %parallel_loop3A_880 = vector.extract_strided_slice %parallel_loop3A_860 {offsets = [1], sizes = [1], strides = [1]} : vector<16xf32> to vector<1xf32>
        %parallel_loop3A_881 = vector.extract %parallel_loop3A_880[0] : f32 from vector<1xf32>
        %parallel_loop3A_882 = vector.broadcast %parallel_loop3A_881 : f32 to vector<16xf32>
        %parallel_loop3A_883 = tpu.pack_subelements %parallel_loop3A_882, %parallel_loop3A_882 {pack_format = #tpu.pack_format<interleaved>, positions = array<i32: 0, 1>} : vector<16xf32>, vector<16xf32> -> vector<32xbf16>
        %parallel_loop3A_884 = arith.index_cast %parallel_loop3A_879 : i32 to index
        %parallel_loop3A_885 = arith.constant 0 : index
        %parallel_loop3A_886 = tpu.vector_load %arg12[%parallel_loop3A_884, %parallel_loop3A_885] {strides = array<i32>} : memref<1024x32xbf16, #tpu.memory_space<vmem>>, vector<32xbf16>,
        %parallel_loop3A_887 = arith.mulf %parallel_loop3A_886, %parallel_loop3A_883 : vector<32xbf16>
        %parallel_loop3A_888 = arith.index_cast %parallel_loop3A_879 : i32 to index
        %parallel_loop3A_889 = arith.constant 0 : index
        %parallel_loop3A_890 = tpu.vector_load %arg12[%parallel_loop3A_888, %parallel_loop3A_889] {strides = array<i32>} : memref<1024x32xbf16, #tpu.memory_space<vmem>>, vector<32xbf16>,
        tpu.vector_store %arg12[%parallel_loop3A_888, %parallel_loop3A_889], %parallel_loop3A_887 {strides = array<i32>} : memref<1024x32xbf16, #tpu.memory_space<vmem>>, vector<32xbf16>,
        %parallel_loop3A_891 = arith.constant 16 : i32
        %parallel_loop3A_892 = arith.muli %parallel_loop3A_855, %parallel_loop3A_891 : i32
        %parallel_loop3A_893 = arith.constant 2 : i32
        %parallel_loop3A_894 = arith.addi %parallel_loop3A_892, %parallel_loop3A_893 : i32
        %parallel_loop3A_895 = vector.extract_strided_slice %parallel_loop3A_860 {offsets = [2], sizes = [1], strides = [1]} : vector<16xf32> to vector<1xf32>
        %parallel_loop3A_896 = vector.extract %parallel_loop3A_895[0] : f32 from vector<1xf32>
        %parallel_loop3A_897 = vector.broadcast %parallel_loop3A_896 : f32 to vector<16xf32>
        %parallel_loop3A_898 = tpu.pack_subelements %parallel_loop3A_897, %parallel_loop3A_897 {pack_format = #tpu.pack_format<interleaved>, positions = array<i32: 0, 1>} : vector<16xf32>, vector<16xf32> -> vector<32xbf16>
        %parallel_loop3A_899 = arith.index_cast %parallel_loop3A_894 : i32 to index
        %parallel_loop3A_900 = arith.constant 0 : index
        %parallel_loop3A_901 = tpu.vector_load %arg12[%parallel_loop3A_899, %parallel_loop3A_900] {strides = array<i32>} : memref<1024x32xbf16, #tpu.memory_space<vmem>>, vector<32xbf16>,
        %parallel_loop3A_902 = arith.mulf %parallel_loop3A_901, %parallel_loop3A_898 : vector<32xbf16>
        %parallel_loop3A_903 = arith.index_cast %parallel_loop3A_894 : i32 to index
        %parallel_loop3A_904 = arith.constant 0 : index
        %parallel_loop3A_905 = tpu.vector_load %arg12[%parallel_loop3A_903, %parallel_loop3A_904] {strides = array<i32>} : memref<1024x32xbf16, #tpu.memory_space<vmem>>, vector<32xbf16>,
        tpu.vector_store %arg12[%parallel_loop3A_903, %parallel_loop3A_904], %parallel_loop3A_902 {strides = array<i32>} : memref<1024x32xbf16, #tpu.memory_space<vmem>>, vector<32xbf16>,
        %parallel_loop3A_906 = arith.constant 16 : i32
        %parallel_loop3A_907 = arith.muli %parallel_loop3A_855, %parallel_loop3A_906 : i32
        %parallel_loop3A_908 = arith.constant 3 : i32
        %parallel_loop3A_909 = arith.addi %parallel_loop3A_907, %parallel_loop3A_908 : i32
        %parallel_loop3A_910 = vector.extract_strided_slice %parallel_loop3A_860 {offsets = [3], sizes = [1], strides = [1]} : vector<16xf32> to vector<1xf32>
        %parallel_loop3A_911 = vector.extract %parallel_loop3A_910[0] : f32 from vector<1xf32>
        %parallel_loop3A_912 = vector.broadcast %parallel_loop3A_911 : f32 to vector<16xf32>
        %parallel_loop3A_913 = tpu.pack_subelements %parallel_loop3A_912, %parallel_loop3A_912 {pack_format = #tpu.pack_format<interleaved>, positions = array<i32: 0, 1>} : vector<16xf32>, vector<16xf32> -> vector<32xbf16>
        %parallel_loop3A_914 = arith.index_cast %parallel_loop3A_909 : i32 to index
        %parallel_loop3A_915 = arith.constant 0 : index
        %parallel_loop3A_916 = tpu.vector_load %arg12[%parallel_loop3A_914, %parallel_loop3A_915] {strides = array<i32>} : memref<1024x32xbf16, #tpu.memory_space<vmem>>, vector<32xbf16>,
        %parallel_loop3A_917 = arith.mulf %parallel_loop3A_916, %parallel_loop3A_913 : vector<32xbf16>
        %parallel_loop3A_918 = arith.index_cast %parallel_loop3A_909 : i32 to index
        %parallel_loop3A_919 = arith.constant 0 : index
        %parallel_loop3A_920 = tpu.vector_load %arg12[%parallel_loop3A_918, %parallel_loop3A_919] {strides = array<i32>} : memref<1024x32xbf16, #tpu.memory_space<vmem>>, vector<32xbf16>,
        tpu.vector_store %arg12[%parallel_loop3A_918, %parallel_loop3A_919], %parallel_loop3A_917 {strides = array<i32>} : memref<1024x32xbf16, #tpu.memory_space<vmem>>, vector<32xbf16>,
        %parallel_loop3A_921 = arith.constant 16 : i32
        %parallel_loop3A_922 = arith.muli %parallel_loop3A_855, %parallel_loop3A_921 : i32
        %parallel_loop3A_923 = arith.constant 4 : i32
        %parallel_loop3A_924 = arith.addi %parallel_loop3A_922, %parallel_loop3A_923 : i32
        %parallel_loop3A_925 = vector.extract_strided_slice %parallel_loop3A_860 {offsets = [4], sizes = [1], strides = [1]} : vector<16xf32> to vector<1xf32>
        %parallel_loop3A_926 = vector.extract %parallel_loop3A_925[0] : f32 from vector<1xf32>
        %parallel_loop3A_927 = vector.broadcast %parallel_loop3A_926 : f32 to vector<16xf32>
        %parallel_loop3A_928 = tpu.pack_subelements %parallel_loop3A_927, %parallel_loop3A_927 {pack_format = #tpu.pack_format<interleaved>, positions = array<i32: 0, 1>} : vector<16xf32>, vector<16xf32> -> vector<32xbf16>
        %parallel_loop3A_929 = arith.index_cast %parallel_loop3A_924 : i32 to index
        %parallel_loop3A_930 = arith.constant 0 : index
        %parallel_loop3A_931 = tpu.vector_load %arg12[%parallel_loop3A_929, %parallel_loop3A_930] {strides = array<i32>} : memref<1024x32xbf16, #tpu.memory_space<vmem>>, vector<32xbf16>,
        %parallel_loop3A_932 = arith.mulf %parallel_loop3A_931, %parallel_loop3A_928 : vector<32xbf16>
        %parallel_loop3A_933 = arith.index_cast %parallel_loop3A_924 : i32 to index
        %parallel_loop3A_934 = arith.constant 0 : index
        %parallel_loop3A_935 = tpu.vector_load %arg12[%parallel_loop3A_933, %parallel_loop3A_934] {strides = array<i32>} : memref<1024x32xbf16, #tpu.memory_space<vmem>>, vector<32xbf16>,
        tpu.vector_store %arg12[%parallel_loop3A_933, %parallel_loop3A_934], %parallel_loop3A_932 {strides = array<i32>} : memref<1024x32xbf16, #tpu.memory_space<vmem>>, vector<32xbf16>,
        %parallel_loop3A_936 = arith.constant 16 : i32
        %parallel_loop3A_937 = arith.muli %parallel_loop3A_855, %parallel_loop3A_936 : i32
        %parallel_loop3A_938 = arith.constant 5 : i32
        %parallel_loop3A_939 = arith.addi %parallel_loop3A_937, %parallel_loop3A_938 : i32
        %parallel_loop3A_940 = vector.extract_strided_slice %parallel_loop3A_860 {offsets = [5], sizes = [1], strides = [1]} : vector<16xf32> to vector<1xf32>
        %parallel_loop3A_941 = vector.extract %parallel_loop3A_940[0] : f32 from vector<1xf32>
        %parallel_loop3A_942 = vector.broadcast %parallel_loop3A_941 : f32 to vector<16xf32>
        %parallel_loop3A_943 = tpu.pack_subelements %parallel_loop3A_942, %parallel_loop3A_942 {pack_format = #tpu.pack_format<interleaved>, positions = array<i32: 0, 1>} : vector<16xf32>, vector<16xf32> -> vector<32xbf16>
        %parallel_loop3A_944 = arith.index_cast %parallel_loop3A_939 : i32 to index
        %parallel_loop3A_945 = arith.constant 0 : index
        %parallel_loop3A_946 = tpu.vector_load %arg12[%parallel_loop3A_944, %parallel_loop3A_945] {strides = array<i32>} : memref<1024x32xbf16, #tpu.memory_space<vmem>>, vector<32xbf16>,
        %parallel_loop3A_947 = arith.mulf %parallel_loop3A_946, %parallel_loop3A_943 : vector<32xbf16>
        %parallel_loop3A_948 = arith.index_cast %parallel_loop3A_939 : i32 to index
        %parallel_loop3A_949 = arith.constant 0 : index
        %parallel_loop3A_950 = tpu.vector_load %arg12[%parallel_loop3A_948, %parallel_loop3A_949] {strides = array<i32>} : memref<1024x32xbf16, #tpu.memory_space<vmem>>, vector<32xbf16>,
        tpu.vector_store %arg12[%parallel_loop3A_948, %parallel_loop3A_949], %parallel_loop3A_947 {strides = array<i32>} : memref<1024x32xbf16, #tpu.memory_space<vmem>>, vector<32xbf16>,
        %parallel_loop3A_951 = arith.constant 16 : i32
        %parallel_loop3A_952 = arith.muli %parallel_loop3A_855, %parallel_loop3A_951 : i32
        %parallel_loop3A_953 = arith.constant 6 : i32
        %parallel_loop3A_954 = arith.addi %parallel_loop3A_952, %parallel_loop3A_953 : i32
        %parallel_loop3A_955 = vector.extract_strided_slice %parallel_loop3A_860 {offsets = [6], sizes = [1], strides = [1]} : vector<16xf32> to vector<1xf32>
        %parallel_loop3A_956 = vector.extract %parallel_loop3A_955[0] : f32 from vector<1xf32>
        %parallel_loop3A_957 = vector.broadcast %parallel_loop3A_956 : f32 to vector<16xf32>
        %parallel_loop3A_958 = tpu.pack_subelements %parallel_loop3A_957, %parallel_loop3A_957 {pack_format = #tpu.pack_format<interleaved>, positions = array<i32: 0, 1>} : vector<16xf32>, vector<16xf32> -> vector<32xbf16>
        %parallel_loop3A_959 = arith.index_cast %parallel_loop3A_954 : i32 to index
        %parallel_loop3A_960 = arith.constant 0 : index
        %parallel_loop3A_961 = tpu.vector_load %arg12[%parallel_loop3A_959, %parallel_loop3A_960] {strides = array<i32>} : memref<1024x32xbf16, #tpu.memory_space<vmem>>, vector<32xbf16>,
        %parallel_loop3A_962 = arith.mulf %parallel_loop3A_961, %parallel_loop3A_958 : vector<32xbf16>
        %parallel_loop3A_963 = arith.index_cast %parallel_loop3A_954 : i32 to index
        %parallel_loop3A_964 = arith.constant 0 : index
        %parallel_loop3A_965 = tpu.vector_load %arg12[%parallel_loop3A_963, %parallel_loop3A_964] {strides = array<i32>} : memref<1024x32xbf16, #tpu.memory_space<vmem>>, vector<32xbf16>,
        tpu.vector_store %arg12[%parallel_loop3A_963, %parallel_loop3A_964], %parallel_loop3A_962 {strides = array<i32>} : memref<1024x32xbf16, #tpu.memory_space<vmem>>, vector<32xbf16>,
        %parallel_loop3A_966 = arith.constant 16 : i32
        %parallel_loop3A_967 = arith.muli %parallel_loop3A_855, %parallel_loop3A_966 : i32
        %parallel_loop3A_968 = arith.constant 7 : i32
        %parallel_loop3A_969 = arith.addi %parallel_loop3A_967, %parallel_loop3A_968 : i32
        %parallel_loop3A_970 = vector.extract_strided_slice %parallel_loop3A_860 {offsets = [7], sizes = [1], strides = [1]} : vector<16xf32> to vector<1xf32>
        %parallel_loop3A_971 = vector.extract %parallel_loop3A_970[0] : f32 from vector<1xf32>
        %parallel_loop3A_972 = vector.broadcast %parallel_loop3A_971 : f32 to vector<16xf32>
        %parallel_loop3A_973 = tpu.pack_subelements %parallel_loop3A_972, %parallel_loop3A_972 {pack_format = #tpu.pack_format<interleaved>, positions = array<i32: 0, 1>} : vector<16xf32>, vector<16xf32> -> vector<32xbf16>
        %parallel_loop3A_974 = arith.index_cast %parallel_loop3A_969 : i32 to index
        %parallel_loop3A_975 = arith.constant 0 : index
        %parallel_loop3A_976 = tpu.vector_load %arg12[%parallel_loop3A_974, %parallel_loop3A_975] {strides = array<i32>} : memref<1024x32xbf16, #tpu.memory_space<vmem>>, vector<32xbf16>,
        %parallel_loop3A_977 = arith.mulf %parallel_loop3A_976, %parallel_loop3A_973 : vector<32xbf16>
        %parallel_loop3A_978 = arith.index_cast %parallel_loop3A_969 : i32 to index
        %parallel_loop3A_979 = arith.constant 0 : index
        %parallel_loop3A_980 = tpu.vector_load %arg12[%parallel_loop3A_978, %parallel_loop3A_979] {strides = array<i32>} : memref<1024x32xbf16, #tpu.memory_space<vmem>>, vector<32xbf16>,
        tpu.vector_store %arg12[%parallel_loop3A_978, %parallel_loop3A_979], %parallel_loop3A_977 {strides = array<i32>} : memref<1024x32xbf16, #tpu.memory_space<vmem>>, vector<32xbf16>,
        %parallel_loop3A_981 = arith.constant 16 : i32
        %parallel_loop3A_982 = arith.muli %parallel_loop3A_855, %parallel_loop3A_981 : i32
        %parallel_loop3A_983 = arith.constant 8 : i32
        %parallel_loop3A_984 = arith.addi %parallel_loop3A_982, %parallel_loop3A_983 : i32
        %parallel_loop3A_985 = vector.extract_strided_slice %parallel_loop3A_860 {offsets = [8], sizes = [1], strides = [1]} : vector<16xf32> to vector<1xf32>
        %parallel_loop3A_986 = vector.extract %parallel_loop3A_985[0] : f32 from vector<1xf32>
        %parallel_loop3A_987 = vector.broadcast %parallel_loop3A_986 : f32 to vector<16xf32>
        %parallel_loop3A_988 = tpu.pack_subelements %parallel_loop3A_987, %parallel_loop3A_987 {pack_format = #tpu.pack_format<interleaved>, positions = array<i32: 0, 1>} : vector<16xf32>, vector<16xf32> -> vector<32xbf16>
        %parallel_loop3A_989 = arith.index_cast %parallel_loop3A_984 : i32 to index
        %parallel_loop3A_990 = arith.constant 0 : index
        %parallel_loop3A_991 = tpu.vector_load %arg12[%parallel_loop3A_989, %parallel_loop3A_990] {strides = array<i32>} : memref<1024x32xbf16, #tpu.memory_space<vmem>>, vector<32xbf16>,
        %parallel_loop3A_992 = arith.mulf %parallel_loop3A_991, %parallel_loop3A_988 : vector<32xbf16>
        %parallel_loop3A_993 = arith.index_cast %parallel_loop3A_984 : i32 to index
        %parallel_loop3A_994 = arith.constant 0 : index
        %parallel_loop3A_995 = tpu.vector_load %arg12[%parallel_loop3A_993, %parallel_loop3A_994] {strides = array<i32>} : memref<1024x32xbf16, #tpu.memory_space<vmem>>, vector<32xbf16>,
        tpu.vector_store %arg12[%parallel_loop3A_993, %parallel_loop3A_994], %parallel_loop3A_992 {strides = array<i32>} : memref<1024x32xbf16, #tpu.memory_space<vmem>>, vector<32xbf16>,
        %parallel_loop3A_996 = arith.constant 16 : i32
        %parallel_loop3A_997 = arith.muli %parallel_loop3A_855, %parallel_loop3A_996 : i32
        %parallel_loop3A_998 = arith.constant 9 : i32
        %parallel_loop3A_999 = arith.addi %parallel_loop3A_997, %parallel_loop3A_998 : i32
        %parallel_loop3A_1000 = vector.extract_strided_slice %parallel_loop3A_860 {offsets = [9], sizes = [1], strides = [1]} : vector<16xf32> to vector<1xf32>
        %parallel_loop3A_1001 = vector.extract %parallel_loop3A_1000[0] : f32 from vector<1xf32>
        %parallel_loop3A_1002 = vector.broadcast %parallel_loop3A_1001 : f32 to vector<16xf32>
        %parallel_loop3A_1003 = tpu.pack_subelements %parallel_loop3A_1002, %parallel_loop3A_1002 {pack_format = #tpu.pack_format<interleaved>, positions = array<i32: 0, 1>} : vector<16xf32>, vector<16xf32> -> vector<32xbf16>
        %parallel_loop3A_1004 = arith.index_cast %parallel_loop3A_999 : i32 to index
        %parallel_loop3A_1005 = arith.constant 0 : index
        %parallel_loop3A_1006 = tpu.vector_load %arg12[%parallel_loop3A_1004, %parallel_loop3A_1005] {strides = array<i32>} : memref<1024x32xbf16, #tpu.memory_space<vmem>>, vector<32xbf16>,
        %parallel_loop3A_1007 = arith.mulf %parallel_loop3A_1006, %parallel_loop3A_1003 : vector<32xbf16>
        %parallel_loop3A_1008 = arith.index_cast %parallel_loop3A_999 : i32 to index
        %parallel_loop3A_1009 = arith.constant 0 : index
        %parallel_loop3A_1010 = tpu.vector_load %arg12[%parallel_loop3A_1008, %parallel_loop3A_1009] {strides = array<i32>} : memref<1024x32xbf16, #tpu.memory_space<vmem>>, vector<32xbf16>,
        tpu.vector_store %arg12[%parallel_loop3A_1008, %parallel_loop3A_1009], %parallel_loop3A_1007 {strides = array<i32>} : memref<1024x32xbf16, #tpu.memory_space<vmem>>, vector<32xbf16>,
        %parallel_loop3A_1011 = arith.constant 16 : i32
        %parallel_loop3A_1012 = arith.muli %parallel_loop3A_855, %parallel_loop3A_1011 : i32
        %parallel_loop3A_1013 = arith.constant 10 : i32
        %parallel_loop3A_1014 = arith.addi %parallel_loop3A_1012, %parallel_loop3A_1013 : i32
        %parallel_loop3A_1015 = vector.extract_strided_slice %parallel_loop3A_860 {offsets = [10], sizes = [1], strides = [1]} : vector<16xf32> to vector<1xf32>
        %parallel_loop3A_1016 = vector.extract %parallel_loop3A_1015[0] : f32 from vector<1xf32>
        %parallel_loop3A_1017 = vector.broadcast %parallel_loop3A_1016 : f32 to vector<16xf32>
        %parallel_loop3A_1018 = tpu.pack_subelements %parallel_loop3A_1017, %parallel_loop3A_1017 {pack_format = #tpu.pack_format<interleaved>, positions = array<i32: 0, 1>} : vector<16xf32>, vector<16xf32> -> vector<32xbf16>
        %parallel_loop3A_1019 = arith.index_cast %parallel_loop3A_1014 : i32 to index
        %parallel_loop3A_1020 = arith.constant 0 : index
        %parallel_loop3A_1021 = tpu.vector_load %arg12[%parallel_loop3A_1019, %parallel_loop3A_1020] {strides = array<i32>} : memref<1024x32xbf16, #tpu.memory_space<vmem>>, vector<32xbf16>,
        %parallel_loop3A_1022 = arith.mulf %parallel_loop3A_1021, %parallel_loop3A_1018 : vector<32xbf16>
        %parallel_loop3A_1023 = arith.index_cast %parallel_loop3A_1014 : i32 to index
        %parallel_loop3A_1024 = arith.constant 0 : index
        %parallel_loop3A_1025 = tpu.vector_load %arg12[%parallel_loop3A_1023, %parallel_loop3A_1024] {strides = array<i32>} : memref<1024x32xbf16, #tpu.memory_space<vmem>>, vector<32xbf16>,
        tpu.vector_store %arg12[%parallel_loop3A_1023, %parallel_loop3A_1024], %parallel_loop3A_1022 {strides = array<i32>} : memref<1024x32xbf16, #tpu.memory_space<vmem>>, vector<32xbf16>,
        %parallel_loop3A_1026 = arith.constant 16 : i32
        %parallel_loop3A_1027 = arith.muli %parallel_loop3A_855, %parallel_loop3A_1026 : i32
        %parallel_loop3A_1028 = arith.constant 11 : i32
        %parallel_loop3A_1029 = arith.addi %parallel_loop3A_1027, %parallel_loop3A_1028 : i32
        %parallel_loop3A_1030 = vector.extract_strided_slice %parallel_loop3A_860 {offsets = [11], sizes = [1], strides = [1]} : vector<16xf32> to vector<1xf32>
        %parallel_loop3A_1031 = vector.extract %parallel_loop3A_1030[0] : f32 from vector<1xf32>
        %parallel_loop3A_1032 = vector.broadcast %parallel_loop3A_1031 : f32 to vector<16xf32>
        %parallel_loop3A_1033 = tpu.pack_subelements %parallel_loop3A_1032, %parallel_loop3A_1032 {pack_format = #tpu.pack_format<interleaved>, positions = array<i32: 0, 1>} : vector<16xf32>, vector<16xf32> -> vector<32xbf16>
        %parallel_loop3A_1034 = arith.index_cast %parallel_loop3A_1029 : i32 to index
        %parallel_loop3A_1035 = arith.constant 0 : index
        %parallel_loop3A_1036 = tpu.vector_load %arg12[%parallel_loop3A_1034, %parallel_loop3A_1035] {strides = array<i32>} : memref<1024x32xbf16, #tpu.memory_space<vmem>>, vector<32xbf16>,
        %parallel_loop3A_1037 = arith.mulf %parallel_loop3A_1036, %parallel_loop3A_1033 : vector<32xbf16>
        %parallel_loop3A_1038 = arith.index_cast %parallel_loop3A_1029 : i32 to index
        %parallel_loop3A_1039 = arith.constant 0 : index
        %parallel_loop3A_1040 = tpu.vector_load %arg12[%parallel_loop3A_1038, %parallel_loop3A_1039] {strides = array<i32>} : memref<1024x32xbf16, #tpu.memory_space<vmem>>, vector<32xbf16>,
        tpu.vector_store %arg12[%parallel_loop3A_1038, %parallel_loop3A_1039], %parallel_loop3A_1037 {strides = array<i32>} : memref<1024x32xbf16, #tpu.memory_space<vmem>>, vector<32xbf16>,
        %parallel_loop3A_1041 = arith.constant 16 : i32
        %parallel_loop3A_1042 = arith.muli %parallel_loop3A_855, %parallel_loop3A_1041 : i32
        %parallel_loop3A_1043 = arith.constant 12 : i32
        %parallel_loop3A_1044 = arith.addi %parallel_loop3A_1042, %parallel_loop3A_1043 : i32
        %parallel_loop3A_1045 = vector.extract_strided_slice %parallel_loop3A_860 {offsets = [12], sizes = [1], strides = [1]} : vector<16xf32> to vector<1xf32>
        %parallel_loop3A_1046 = vector.extract %parallel_loop3A_1045[0] : f32 from vector<1xf32>
        %parallel_loop3A_1047 = vector.broadcast %parallel_loop3A_1046 : f32 to vector<16xf32>
        %parallel_loop3A_1048 = tpu.pack_subelements %parallel_loop3A_1047, %parallel_loop3A_1047 {pack_format = #tpu.pack_format<interleaved>, positions = array<i32: 0, 1>} : vector<16xf32>, vector<16xf32> -> vector<32xbf16>
        %parallel_loop3A_1049 = arith.index_cast %parallel_loop3A_1044 : i32 to index
        %parallel_loop3A_1050 = arith.constant 0 : index
        %parallel_loop3A_1051 = tpu.vector_load %arg12[%parallel_loop3A_1049, %parallel_loop3A_1050] {strides = array<i32>} : memref<1024x32xbf16, #tpu.memory_space<vmem>>, vector<32xbf16>,
        %parallel_loop3A_1052 = arith.mulf %parallel_loop3A_1051, %parallel_loop3A_1048 : vector<32xbf16>
        %parallel_loop3A_1053 = arith.index_cast %parallel_loop3A_1044 : i32 to index
        %parallel_loop3A_1054 = arith.constant 0 : index
        %parallel_loop3A_1055 = tpu.vector_load %arg12[%parallel_loop3A_1053, %parallel_loop3A_1054] {strides = array<i32>} : memref<1024x32xbf16, #tpu.memory_space<vmem>>, vector<32xbf16>,
        tpu.vector_store %arg12[%parallel_loop3A_1053, %parallel_loop3A_1054], %parallel_loop3A_1052 {strides = array<i32>} : memref<1024x32xbf16, #tpu.memory_space<vmem>>, vector<32xbf16>,
        %parallel_loop3A_1056 = arith.constant 16 : i32
        %parallel_loop3A_1057 = arith.muli %parallel_loop3A_855, %parallel_loop3A_1056 : i32
        %parallel_loop3A_1058 = arith.constant 13 : i32
        %parallel_loop3A_1059 = arith.addi %parallel_loop3A_1057, %parallel_loop3A_1058 : i32
        %parallel_loop3A_1060 = vector.extract_strided_slice %parallel_loop3A_860 {offsets = [13], sizes = [1], strides = [1]} : vector<16xf32> to vector<1xf32>
        %parallel_loop3A_1061 = vector.extract %parallel_loop3A_1060[0] : f32 from vector<1xf32>
        %parallel_loop3A_1062 = vector.broadcast %parallel_loop3A_1061 : f32 to vector<16xf32>
        %parallel_loop3A_1063 = tpu.pack_subelements %parallel_loop3A_1062, %parallel_loop3A_1062 {pack_format = #tpu.pack_format<interleaved>, positions = array<i32: 0, 1>} : vector<16xf32>, vector<16xf32> -> vector<32xbf16>
        %parallel_loop3A_1064 = arith.index_cast %parallel_loop3A_1059 : i32 to index
        %parallel_loop3A_1065 = arith.constant 0 : index
        %parallel_loop3A_1066 = tpu.vector_load %arg12[%parallel_loop3A_1064, %parallel_loop3A_1065] {strides = array<i32>} : memref<1024x32xbf16, #tpu.memory_space<vmem>>, vector<32xbf16>,
        %parallel_loop3A_1067 = arith.mulf %parallel_loop3A_1066, %parallel_loop3A_1063 : vector<32xbf16>
        %parallel_loop3A_1068 = arith.index_cast %parallel_loop3A_1059 : i32 to index
        %parallel_loop3A_1069 = arith.constant 0 : index
        %parallel_loop3A_1070 = tpu.vector_load %arg12[%parallel_loop3A_1068, %parallel_loop3A_1069] {strides = array<i32>} : memref<1024x32xbf16, #tpu.memory_space<vmem>>, vector<32xbf16>,
        tpu.vector_store %arg12[%parallel_loop3A_1068, %parallel_loop3A_1069], %parallel_loop3A_1067 {strides = array<i32>} : memref<1024x32xbf16, #tpu.memory_space<vmem>>, vector<32xbf16>,
        %parallel_loop3A_1071 = arith.constant 16 : i32
        %parallel_loop3A_1072 = arith.muli %parallel_loop3A_855, %parallel_loop3A_1071 : i32
        %parallel_loop3A_1073 = arith.constant 14 : i32
        %parallel_loop3A_1074 = arith.addi %parallel_loop3A_1072, %parallel_loop3A_1073 : i32
        %parallel_loop3A_1075 = vector.extract_strided_slice %parallel_loop3A_860 {offsets = [14], sizes = [1], strides = [1]} : vector<16xf32> to vector<1xf32>
        %parallel_loop3A_1076 = vector.extract %parallel_loop3A_1075[0] : f32 from vector<1xf32>
        %parallel_loop3A_1077 = vector.broadcast %parallel_loop3A_1076 : f32 to vector<16xf32>
        %parallel_loop3A_1078 = tpu.pack_subelements %parallel_loop3A_1077, %parallel_loop3A_1077 {pack_format = #tpu.pack_format<interleaved>, positions = array<i32: 0, 1>} : vector<16xf32>, vector<16xf32> -> vector<32xbf16>
        %parallel_loop3A_1079 = arith.index_cast %parallel_loop3A_1074 : i32 to index
        %parallel_loop3A_1080 = arith.constant 0 : index
        %parallel_loop3A_1081 = tpu.vector_load %arg12[%parallel_loop3A_1079, %parallel_loop3A_1080] {strides = array<i32>} : memref<1024x32xbf16, #tpu.memory_space<vmem>>, vector<32xbf16>,
        %parallel_loop3A_1082 = arith.mulf %parallel_loop3A_1081, %parallel_loop3A_1078 : vector<32xbf16>
        %parallel_loop3A_1083 = arith.index_cast %parallel_loop3A_1074 : i32 to index
        %parallel_loop3A_1084 = arith.constant 0 : index
        %parallel_loop3A_1085 = tpu.vector_load %arg12[%parallel_loop3A_1083, %parallel_loop3A_1084] {strides = array<i32>} : memref<1024x32xbf16, #tpu.memory_space<vmem>>, vector<32xbf16>,
        tpu.vector_store %arg12[%parallel_loop3A_1083, %parallel_loop3A_1084], %parallel_loop3A_1082 {strides = array<i32>} : memref<1024x32xbf16, #tpu.memory_space<vmem>>, vector<32xbf16>,
        %parallel_loop3A_1086 = arith.constant 16 : i32
        %parallel_loop3A_1087 = arith.muli %parallel_loop3A_855, %parallel_loop3A_1086 : i32
        %parallel_loop3A_1088 = arith.constant 15 : i32
        %parallel_loop3A_1089 = arith.addi %parallel_loop3A_1087, %parallel_loop3A_1088 : i32
        %parallel_loop3A_1090 = vector.extract_strided_slice %parallel_loop3A_860 {offsets = [15], sizes = [1], strides = [1]} : vector<16xf32> to vector<1xf32>
        %parallel_loop3A_1091 = vector.extract %parallel_loop3A_1090[0] : f32 from vector<1xf32>
        %parallel_loop3A_1092 = vector.broadcast %parallel_loop3A_1091 : f32 to vector<16xf32>
        %parallel_loop3A_1093 = tpu.pack_subelements %parallel_loop3A_1092, %parallel_loop3A_1092 {pack_format = #tpu.pack_format<interleaved>, positions = array<i32: 0, 1>} : vector<16xf32>, vector<16xf32> -> vector<32xbf16>
        %parallel_loop3A_1094 = arith.index_cast %parallel_loop3A_1089 : i32 to index
        %parallel_loop3A_1095 = arith.constant 0 : index
        %parallel_loop3A_1096 = tpu.vector_load %arg12[%parallel_loop3A_1094, %parallel_loop3A_1095] {strides = array<i32>} : memref<1024x32xbf16, #tpu.memory_space<vmem>>, vector<32xbf16>,
        %parallel_loop3A_1097 = arith.mulf %parallel_loop3A_1096, %parallel_loop3A_1093 : vector<32xbf16>
        %parallel_loop3A_1098 = arith.index_cast %parallel_loop3A_1089 : i32 to index
        %parallel_loop3A_1099 = arith.constant 0 : index
        %parallel_loop3A_1100 = tpu.vector_load %arg12[%parallel_loop3A_1098, %parallel_loop3A_1099] {strides = array<i32>} : memref<1024x32xbf16, #tpu.memory_space<vmem>>, vector<32xbf16>,
        tpu.vector_store %arg12[%parallel_loop3A_1098, %parallel_loop3A_1099], %parallel_loop3A_1097 {strides = array<i32>} : memref<1024x32xbf16, #tpu.memory_space<vmem>>, vector<32xbf16>,
      } {sc.loop_unroll_factor = 1 : i64, sc.parallel_access}
      %mul3A_421 = arith.constant 8 : i32
      %mul3A_422 = arith.muli %add3A_202, %mul3A_421 : i32
      %add3A_423 = arith.constant 0 : i32
      %add3A_424 = arith.addi %mul3A_422, %add3A_423 : i32
      %dma_start3A_425 = arith.constant 0 : i32
      %dma_start3A_426 = arith.constant 0 : i32
      %dma_start3A_427 = tpu.memref_slice %arg12[%dma_start3A_425, %dma_start3A_426] : memref<1024x32xbf16, #tpu.memory_space<vmem>> -> memref<128x32xbf16, #tpu.memory_space<vmem>>
      %dma_start3A_428 = arith.constant 0 : i32
      %dma_start3A_429 = tpu.memref_slice %arg10[%add3A_424, %dma_start3A_428] : memref<128x128xi32, #tpu.memory_space<vmem>> -> memref<1x128xi32, #tpu.memory_space<vmem>>
      %dma_start3A_430 = tpu.memref_squeeze %dma_start3A_429 : memref<1x128xi32, #tpu.memory_space<vmem>> -> memref<128xi32, #tpu.memory_space<vmem>>
      %dma_start3A_431 = arith.constant 0 : i32
      %dma_start3A_432 = arith.constant 0 : i32
      %dma_start3A_433 = tpu.memref_slice %arg8[%dma_start3A_431, %dma_start3A_432] : memref<16384x32xbf16, #tpu.memory_space<vmem_shared>> -> memref<16384x32xbf16, #tpu.memory_space<vmem_shared>>
      tpu.enqueue_indirect_dma source(%dma_start3A_427 : memref<128x32xbf16, #tpu.memory_space<vmem>>) target(%dma_start3A_433 : memref<16384x32xbf16, #tpu.memory_space<vmem_shared>>) offsets(%dma_start3A_430 : memref<128xi32, #tpu.memory_space<vmem>>) semaphore(%arg18 : memref<!tpu.dma_semaphore, #tpu.memory_space<semaphore_mem>>) {add = true}
      %mul3A_434 = arith.constant 8 : i32
      %mul3A_435 = arith.muli %add3A_202, %mul3A_434 : i32
      %add3A_436 = arith.constant 1 : i32
      %add3A_437 = arith.addi %mul3A_435, %add3A_436 : i32
      %dma_start3A_438 = arith.constant 128 : i32
      %dma_start3A_439 = arith.constant 0 : i32
      %dma_start3A_440 = tpu.memref_slice %arg12[%dma_start3A_438, %dma_start3A_439] : memref<1024x32xbf16, #tpu.memory_space<vmem>> -> memref<128x32xbf16, #tpu.memory_space<vmem>>
      %dma_start3A_441 = arith.constant 0 : i32
      %dma_start3A_442 = tpu.memref_slice %arg10[%add3A_437, %dma_start3A_441] : memref<128x128xi32, #tpu.memory_space<vmem>> -> memref<1x128xi32, #tpu.memory_space<vmem>>
      %dma_start3A_443 = tpu.memref_squeeze %dma_start3A_442 : memref<1x128xi32, #tpu.memory_space<vmem>> -> memref<128xi32, #tpu.memory_space<vmem>>
      %dma_start3A_444 = arith.constant 0 : i32
      %dma_start3A_445 = arith.constant 0 : i32
      %dma_start3A_446 = tpu.memref_slice %arg8[%dma_start3A_444, %dma_start3A_445] : memref<16384x32xbf16, #tpu.memory_space<vmem_shared>> -> memref<16384x32xbf16, #tpu.memory_space<vmem_shared>>
      tpu.enqueue_indirect_dma source(%dma_start3A_440 : memref<128x32xbf16, #tpu.memory_space<vmem>>) target(%dma_start3A_446 : memref<16384x32xbf16, #tpu.memory_space<vmem_shared>>) offsets(%dma_start3A_443 : memref<128xi32, #tpu.memory_space<vmem>>) semaphore(%arg18 : memref<!tpu.dma_semaphore, #tpu.memory_space<semaphore_mem>>) {add = true}
      %mul3A_447 = arith.constant 8 : i32
      %mul3A_448 = arith.muli %add3A_202, %mul3A_447 : i32
      %add3A_449 = arith.constant 2 : i32
      %add3A_450 = arith.addi %mul3A_448, %add3A_449 : i32
      %dma_start3A_451 = arith.constant 256 : i32
      %dma_start3A_452 = arith.constant 0 : i32
      %dma_start3A_453 = tpu.memref_slice %arg12[%dma_start3A_451, %dma_start3A_452] : memref<1024x32xbf16, #tpu.memory_space<vmem>> -> memref<128x32xbf16, #tpu.memory_space<vmem>>
      %dma_start3A_454 = arith.constant 0 : i32
      %dma_start3A_455 = tpu.memref_slice %arg10[%add3A_450, %dma_start3A_454] : memref<128x128xi32, #tpu.memory_space<vmem>> -> memref<1x128xi32, #tpu.memory_space<vmem>>
      %dma_start3A_456 = tpu.memref_squeeze %dma_start3A_455 : memref<1x128xi32, #tpu.memory_space<vmem>> -> memref<128xi32, #tpu.memory_space<vmem>>
      %dma_start3A_457 = arith.constant 0 : i32
      %dma_start3A_458 = arith.constant 0 : i32
      %dma_start3A_459 = tpu.memref_slice %arg8[%dma_start3A_457, %dma_start3A_458] : memref<16384x32xbf16, #tpu.memory_space<vmem_shared>> -> memref<16384x32xbf16, #tpu.memory_space<vmem_shared>>
      tpu.enqueue_indirect_dma source(%dma_start3A_453 : memref<128x32xbf16, #tpu.memory_space<vmem>>) target(%dma_start3A_459 : memref<16384x32xbf16, #tpu.memory_space<vmem_shared>>) offsets(%dma_start3A_456 : memref<128xi32, #tpu.memory_space<vmem>>) semaphore(%arg18 : memref<!tpu.dma_semaphore, #tpu.memory_space<semaphore_mem>>) {add = true}
      %mul3A_460 = arith.constant 8 : i32
      %mul3A_461 = arith.muli %add3A_202, %mul3A_460 : i32
      %add3A_462 = arith.constant 3 : i32
      %add3A_463 = arith.addi %mul3A_461, %add3A_462 : i32
      %dma_start3A_464 = arith.constant 384 : i32
      %dma_start3A_465 = arith.constant 0 : i32
      %dma_start3A_466 = tpu.memref_slice %arg12[%dma_start3A_464, %dma_start3A_465] : memref<1024x32xbf16, #tpu.memory_space<vmem>> -> memref<128x32xbf16, #tpu.memory_space<vmem>>
      %dma_start3A_467 = arith.constant 0 : i32
      %dma_start3A_468 = tpu.memref_slice %arg10[%add3A_463, %dma_start3A_467] : memref<128x128xi32, #tpu.memory_space<vmem>> -> memref<1x128xi32, #tpu.memory_space<vmem>>
      %dma_start3A_469 = tpu.memref_squeeze %dma_start3A_468 : memref<1x128xi32, #tpu.memory_space<vmem>> -> memref<128xi32, #tpu.memory_space<vmem>>
      %dma_start3A_470 = arith.constant 0 : i32
      %dma_start3A_471 = arith.constant 0 : i32
      %dma_start3A_472 = tpu.memref_slice %arg8[%dma_start3A_470, %dma_start3A_471] : memref<16384x32xbf16, #tpu.memory_space<vmem_shared>> -> memref<16384x32xbf16, #tpu.memory_space<vmem_shared>>
      tpu.enqueue_indirect_dma source(%dma_start3A_466 : memref<128x32xbf16, #tpu.memory_space<vmem>>) target(%dma_start3A_472 : memref<16384x32xbf16, #tpu.memory_space<vmem_shared>>) offsets(%dma_start3A_469 : memref<128xi32, #tpu.memory_space<vmem>>) semaphore(%arg18 : memref<!tpu.dma_semaphore, #tpu.memory_space<semaphore_mem>>) {add = true}
      %mul3A_473 = arith.constant 8 : i32
      %mul3A_474 = arith.muli %add3A_202, %mul3A_473 : i32
      %add3A_475 = arith.constant 4 : i32
      %add3A_476 = arith.addi %mul3A_474, %add3A_475 : i32
      %dma_start3A_477 = arith.constant 512 : i32
      %dma_start3A_478 = arith.constant 0 : i32
      %dma_start3A_479 = tpu.memref_slice %arg12[%dma_start3A_477, %dma_start3A_478] : memref<1024x32xbf16, #tpu.memory_space<vmem>> -> memref<128x32xbf16, #tpu.memory_space<vmem>>
      %dma_start3A_480 = arith.constant 0 : i32
      %dma_start3A_481 = tpu.memref_slice %arg10[%add3A_476, %dma_start3A_480] : memref<128x128xi32, #tpu.memory_space<vmem>> -> memref<1x128xi32, #tpu.memory_space<vmem>>
      %dma_start3A_482 = tpu.memref_squeeze %dma_start3A_481 : memref<1x128xi32, #tpu.memory_space<vmem>> -> memref<128xi32, #tpu.memory_space<vmem>>
      %dma_start3A_483 = arith.constant 0 : i32
      %dma_start3A_484 = arith.constant 0 : i32
      %dma_start3A_485 = tpu.memref_slice %arg8[%dma_start3A_483, %dma_start3A_484] : memref<16384x32xbf16, #tpu.memory_space<vmem_shared>> -> memref<16384x32xbf16, #tpu.memory_space<vmem_shared>>
      tpu.enqueue_indirect_dma source(%dma_start3A_479 : memref<128x32xbf16, #tpu.memory_space<vmem>>) target(%dma_start3A_485 : memref<16384x32xbf16, #tpu.memory_space<vmem_shared>>) offsets(%dma_start3A_482 : memref<128xi32, #tpu.memory_space<vmem>>) semaphore(%arg18 : memref<!tpu.dma_semaphore, #tpu.memory_space<semaphore_mem>>) {add = true}
      %mul3A_486 = arith.constant 8 : i32
      %mul3A_487 = arith.muli %add3A_202, %mul3A_486 : i32
      %add3A_488 = arith.constant 5 : i32
      %add3A_489 = arith.addi %mul3A_487, %add3A_488 : i32
      %dma_start3A_490 = arith.constant 640 : i32
      %dma_start3A_491 = arith.constant 0 : i32
      %dma_start3A_492 = tpu.memref_slice %arg12[%dma_start3A_490, %dma_start3A_491] : memref<1024x32xbf16, #tpu.memory_space<vmem>> -> memref<128x32xbf16, #tpu.memory_space<vmem>>
      %dma_start3A_493 = arith.constant 0 : i32
      %dma_start3A_494 = tpu.memref_slice %arg10[%add3A_489, %dma_start3A_493] : memref<128x128xi32, #tpu.memory_space<vmem>> -> memref<1x128xi32, #tpu.memory_space<vmem>>
      %dma_start3A_495 = tpu.memref_squeeze %dma_start3A_494 : memref<1x128xi32, #tpu.memory_space<vmem>> -> memref<128xi32, #tpu.memory_space<vmem>>
      %dma_start3A_496 = arith.constant 0 : i32
      %dma_start3A_497 = arith.constant 0 : i32
      %dma_start3A_498 = tpu.memref_slice %arg8[%dma_start3A_496, %dma_start3A_497] : memref<16384x32xbf16, #tpu.memory_space<vmem_shared>> -> memref<16384x32xbf16, #tpu.memory_space<vmem_shared>>
      tpu.enqueue_indirect_dma source(%dma_start3A_492 : memref<128x32xbf16, #tpu.memory_space<vmem>>) target(%dma_start3A_498 : memref<16384x32xbf16, #tpu.memory_space<vmem_shared>>) offsets(%dma_start3A_495 : memref<128xi32, #tpu.memory_space<vmem>>) semaphore(%arg18 : memref<!tpu.dma_semaphore, #tpu.memory_space<semaphore_mem>>) {add = true}
      %mul3A_499 = arith.constant 8 : i32
      %mul3A_500 = arith.muli %add3A_202, %mul3A_499 : i32
      %add3A_501 = arith.constant 6 : i32
      %add3A_502 = arith.addi %mul3A_500, %add3A_501 : i32
      %dma_start3A_503 = arith.constant 768 : i32
      %dma_start3A_504 = arith.constant 0 : i32
      %dma_start3A_505 = tpu.memref_slice %arg12[%dma_start3A_503, %dma_start3A_504] : memref<1024x32xbf16, #tpu.memory_space<vmem>> -> memref<128x32xbf16, #tpu.memory_space<vmem>>
      %dma_start3A_506 = arith.constant 0 : i32
      %dma_start3A_507 = tpu.memref_slice %arg10[%add3A_502, %dma_start3A_506] : memref<128x128xi32, #tpu.memory_space<vmem>> -> memref<1x128xi32, #tpu.memory_space<vmem>>
      %dma_start3A_508 = tpu.memref_squeeze %dma_start3A_507 : memref<1x128xi32, #tpu.memory_space<vmem>> -> memref<128xi32, #tpu.memory_space<vmem>>
      %dma_start3A_509 = arith.constant 0 : i32
      %dma_start3A_510 = arith.constant 0 : i32
      %dma_start3A_511 = tpu.memref_slice %arg8[%dma_start3A_509, %dma_start3A_510] : memref<16384x32xbf16, #tpu.memory_space<vmem_shared>> -> memref<16384x32xbf16, #tpu.memory_space<vmem_shared>>
      tpu.enqueue_indirect_dma source(%dma_start3A_505 : memref<128x32xbf16, #tpu.memory_space<vmem>>) target(%dma_start3A_511 : memref<16384x32xbf16, #tpu.memory_space<vmem_shared>>) offsets(%dma_start3A_508 : memref<128xi32, #tpu.memory_space<vmem>>) semaphore(%arg18 : memref<!tpu.dma_semaphore, #tpu.memory_space<semaphore_mem>>) {add = true}
      %mul3A_512 = arith.constant 8 : i32
      %mul3A_513 = arith.muli %add3A_202, %mul3A_512 : i32
      %add3A_514 = arith.constant 7 : i32
      %add3A_515 = arith.addi %mul3A_513, %add3A_514 : i32
      %dma_start3A_516 = arith.constant 896 : i32
      %dma_start3A_517 = arith.constant 0 : i32
      %dma_start3A_518 = tpu.memref_slice %arg12[%dma_start3A_516, %dma_start3A_517] : memref<1024x32xbf16, #tpu.memory_space<vmem>> -> memref<128x32xbf16, #tpu.memory_space<vmem>>
      %dma_start3A_519 = arith.constant 0 : i32
      %dma_start3A_520 = tpu.memref_slice %arg10[%add3A_515, %dma_start3A_519] : memref<128x128xi32, #tpu.memory_space<vmem>> -> memref<1x128xi32, #tpu.memory_space<vmem>>
      %dma_start3A_521 = tpu.memref_squeeze %dma_start3A_520 : memref<1x128xi32, #tpu.memory_space<vmem>> -> memref<128xi32, #tpu.memory_space<vmem>>
      %dma_start3A_522 = arith.constant 0 : i32
      %dma_start3A_523 = arith.constant 0 : i32
      %dma_start3A_524 = tpu.memref_slice %arg8[%dma_start3A_522, %dma_start3A_523] : memref<16384x32xbf16, #tpu.memory_space<vmem_shared>> -> memref<16384x32xbf16, #tpu.memory_space<vmem_shared>>
      tpu.enqueue_indirect_dma source(%dma_start3A_518 : memref<128x32xbf16, #tpu.memory_space<vmem>>) target(%dma_start3A_524 : memref<16384x32xbf16, #tpu.memory_space<vmem_shared>>) offsets(%dma_start3A_521 : memref<128xi32, #tpu.memory_space<vmem>>) semaphore(%arg18 : memref<!tpu.dma_semaphore, #tpu.memory_space<semaphore_mem>>) {add = true}
      %add3A_525 = arith.constant 1 : i32
      %add3A_526 = arith.addi %add3A_202, %add3A_525 : i32
      %mul3A_527 = arith.constant 8 : i32
      %mul3A_528 = arith.muli %add3A_526, %mul3A_527 : i32
      %add3A_529 = arith.constant 0 : i32
      %add3A_530 = arith.addi %mul3A_528, %add3A_529 : i32
      %dma_wait3A_531 = arith.constant 0 : i32
      %dma_wait3A_532 = arith.constant 0 : i32
      %dma_wait3A_533 = tpu.memref_slice %arg13[%dma_wait3A_531, %dma_wait3A_532] : memref<1024x32xbf16, #tpu.memory_space<vmem>> -> memref<128x32xbf16, #tpu.memory_space<vmem>>
      %dma_wait3A_534 = arith.constant 0 : i32
      %dma_wait3A_535 = tpu.memref_slice %arg9[%add3A_530, %dma_wait3A_534] : memref<128x128xi32, #tpu.memory_space<vmem>> -> memref<1x128xi32, #tpu.memory_space<vmem>>
      %dma_wait3A_536 = tpu.memref_squeeze %dma_wait3A_535 : memref<1x128xi32, #tpu.memory_space<vmem>> -> memref<128xi32, #tpu.memory_space<vmem>>
      %dma_wait3A_537 = arith.constant 0 : i32
      %dma_wait3A_538 = arith.constant 0 : i32
      %dma_wait3A_539 = tpu.memref_slice %arg2[%dma_wait3A_537, %dma_wait3A_538] : memref<32768x32xbf16, #tpu.memory_space<hbm>> -> memref<32768x32xbf16, #tpu.memory_space<hbm>>
      tpu.wait_indirect_dma semaphore(%arg17 : memref<!tpu.dma_semaphore, #tpu.memory_space<semaphore_mem>>) src(%dma_wait3A_539 : memref<32768x32xbf16, #tpu.memory_space<hbm>>) dst(%dma_wait3A_533 : memref<128x32xbf16, #tpu.memory_space<vmem>>)
      %mul3A_540 = arith.constant 8 : i32
      %mul3A_541 = arith.muli %add3A_526, %mul3A_540 : i32
      %add3A_542 = arith.constant 1 : i32
      %add3A_543 = arith.addi %mul3A_541, %add3A_542 : i32
      %dma_wait3A_544 = arith.constant 128 : i32
      %dma_wait3A_545 = arith.constant 0 : i32
      %dma_wait3A_546 = tpu.memref_slice %arg13[%dma_wait3A_544, %dma_wait3A_545] : memref<1024x32xbf16, #tpu.memory_space<vmem>> -> memref<128x32xbf16, #tpu.memory_space<vmem>>
      %dma_wait3A_547 = arith.constant 0 : i32
      %dma_wait3A_548 = tpu.memref_slice %arg9[%add3A_543, %dma_wait3A_547] : memref<128x128xi32, #tpu.memory_space<vmem>> -> memref<1x128xi32, #tpu.memory_space<vmem>>
      %dma_wait3A_549 = tpu.memref_squeeze %dma_wait3A_548 : memref<1x128xi32, #tpu.memory_space<vmem>> -> memref<128xi32, #tpu.memory_space<vmem>>
      %dma_wait3A_550 = arith.constant 0 : i32
      %dma_wait3A_551 = arith.constant 0 : i32
      %dma_wait3A_552 = tpu.memref_slice %arg2[%dma_wait3A_550, %dma_wait3A_551] : memref<32768x32xbf16, #tpu.memory_space<hbm>> -> memref<32768x32xbf16, #tpu.memory_space<hbm>>
      tpu.wait_indirect_dma semaphore(%arg17 : memref<!tpu.dma_semaphore, #tpu.memory_space<semaphore_mem>>) src(%dma_wait3A_552 : memref<32768x32xbf16, #tpu.memory_space<hbm>>) dst(%dma_wait3A_546 : memref<128x32xbf16, #tpu.memory_space<vmem>>)
      %mul3A_553 = arith.constant 8 : i32
      %mul3A_554 = arith.muli %add3A_526, %mul3A_553 : i32
      %add3A_555 = arith.constant 2 : i32
      %add3A_556 = arith.addi %mul3A_554, %add3A_555 : i32
      %dma_wait3A_557 = arith.constant 256 : i32
      %dma_wait3A_558 = arith.constant 0 : i32
      %dma_wait3A_559 = tpu.memref_slice %arg13[%dma_wait3A_557, %dma_wait3A_558] : memref<1024x32xbf16, #tpu.memory_space<vmem>> -> memref<128x32xbf16, #tpu.memory_space<vmem>>
      %dma_wait3A_560 = arith.constant 0 : i32
      %dma_wait3A_561 = tpu.memref_slice %arg9[%add3A_556, %dma_wait3A_560] : memref<128x128xi32, #tpu.memory_space<vmem>> -> memref<1x128xi32, #tpu.memory_space<vmem>>
      %dma_wait3A_562 = tpu.memref_squeeze %dma_wait3A_561 : memref<1x128xi32, #tpu.memory_space<vmem>> -> memref<128xi32, #tpu.memory_space<vmem>>
      %dma_wait3A_563 = arith.constant 0 : i32
      %dma_wait3A_564 = arith.constant 0 : i32
      %dma_wait3A_565 = tpu.memref_slice %arg2[%dma_wait3A_563, %dma_wait3A_564] : memref<32768x32xbf16, #tpu.memory_space<hbm>> -> memref<32768x32xbf16, #tpu.memory_space<hbm>>
      tpu.wait_indirect_dma semaphore(%arg17 : memref<!tpu.dma_semaphore, #tpu.memory_space<semaphore_mem>>) src(%dma_wait3A_565 : memref<32768x32xbf16, #tpu.memory_space<hbm>>) dst(%dma_wait3A_559 : memref<128x32xbf16, #tpu.memory_space<vmem>>)
      %mul3A_566 = arith.constant 8 : i32
      %mul3A_567 = arith.muli %add3A_526, %mul3A_566 : i32
      %add3A_568 = arith.constant 3 : i32
      %add3A_569 = arith.addi %mul3A_567, %add3A_568 : i32
      %dma_wait3A_570 = arith.constant 384 : i32
      %dma_wait3A_571 = arith.constant 0 : i32
      %dma_wait3A_572 = tpu.memref_slice %arg13[%dma_wait3A_570, %dma_wait3A_571] : memref<1024x32xbf16, #tpu.memory_space<vmem>> -> memref<128x32xbf16, #tpu.memory_space<vmem>>
      %dma_wait3A_573 = arith.constant 0 : i32
      %dma_wait3A_574 = tpu.memref_slice %arg9[%add3A_569, %dma_wait3A_573] : memref<128x128xi32, #tpu.memory_space<vmem>> -> memref<1x128xi32, #tpu.memory_space<vmem>>
      %dma_wait3A_575 = tpu.memref_squeeze %dma_wait3A_574 : memref<1x128xi32, #tpu.memory_space<vmem>> -> memref<128xi32, #tpu.memory_space<vmem>>
      %dma_wait3A_576 = arith.constant 0 : i32
      %dma_wait3A_577 = arith.constant 0 : i32
      %dma_wait3A_578 = tpu.memref_slice %arg2[%dma_wait3A_576, %dma_wait3A_577] : memref<32768x32xbf16, #tpu.memory_space<hbm>> -> memref<32768x32xbf16, #tpu.memory_space<hbm>>
      tpu.wait_indirect_dma semaphore(%arg17 : memref<!tpu.dma_semaphore, #tpu.memory_space<semaphore_mem>>) src(%dma_wait3A_578 : memref<32768x32xbf16, #tpu.memory_space<hbm>>) dst(%dma_wait3A_572 : memref<128x32xbf16, #tpu.memory_space<vmem>>)
      %mul3A_579 = arith.constant 8 : i32
      %mul3A_580 = arith.muli %add3A_526, %mul3A_579 : i32
      %add3A_581 = arith.constant 4 : i32
      %add3A_582 = arith.addi %mul3A_580, %add3A_581 : i32
      %dma_wait3A_583 = arith.constant 512 : i32
      %dma_wait3A_584 = arith.constant 0 : i32
      %dma_wait3A_585 = tpu.memref_slice %arg13[%dma_wait3A_583, %dma_wait3A_584] : memref<1024x32xbf16, #tpu.memory_space<vmem>> -> memref<128x32xbf16, #tpu.memory_space<vmem>>
      %dma_wait3A_586 = arith.constant 0 : i32
      %dma_wait3A_587 = tpu.memref_slice %arg9[%add3A_582, %dma_wait3A_586] : memref<128x128xi32, #tpu.memory_space<vmem>> -> memref<1x128xi32, #tpu.memory_space<vmem>>
      %dma_wait3A_588 = tpu.memref_squeeze %dma_wait3A_587 : memref<1x128xi32, #tpu.memory_space<vmem>> -> memref<128xi32, #tpu.memory_space<vmem>>
      %dma_wait3A_589 = arith.constant 0 : i32
      %dma_wait3A_590 = arith.constant 0 : i32
      %dma_wait3A_591 = tpu.memref_slice %arg2[%dma_wait3A_589, %dma_wait3A_590] : memref<32768x32xbf16, #tpu.memory_space<hbm>> -> memref<32768x32xbf16, #tpu.memory_space<hbm>>
      tpu.wait_indirect_dma semaphore(%arg17 : memref<!tpu.dma_semaphore, #tpu.memory_space<semaphore_mem>>) src(%dma_wait3A_591 : memref<32768x32xbf16, #tpu.memory_space<hbm>>) dst(%dma_wait3A_585 : memref<128x32xbf16, #tpu.memory_space<vmem>>)
      %mul3A_592 = arith.constant 8 : i32
      %mul3A_593 = arith.muli %add3A_526, %mul3A_592 : i32
      %add3A_594 = arith.constant 5 : i32
      %add3A_595 = arith.addi %mul3A_593, %add3A_594 : i32
      %dma_wait3A_596 = arith.constant 640 : i32
      %dma_wait3A_597 = arith.constant 0 : i32
      %dma_wait3A_598 = tpu.memref_slice %arg13[%dma_wait3A_596, %dma_wait3A_597] : memref<1024x32xbf16, #tpu.memory_space<vmem>> -> memref<128x32xbf16, #tpu.memory_space<vmem>>
      %dma_wait3A_599 = arith.constant 0 : i32
      %dma_wait3A_600 = tpu.memref_slice %arg9[%add3A_595, %dma_wait3A_599] : memref<128x128xi32, #tpu.memory_space<vmem>> -> memref<1x128xi32, #tpu.memory_space<vmem>>
      %dma_wait3A_601 = tpu.memref_squeeze %dma_wait3A_600 : memref<1x128xi32, #tpu.memory_space<vmem>> -> memref<128xi32, #tpu.memory_space<vmem>>
      %dma_wait3A_602 = arith.constant 0 : i32
      %dma_wait3A_603 = arith.constant 0 : i32
      %dma_wait3A_604 = tpu.memref_slice %arg2[%dma_wait3A_602, %dma_wait3A_603] : memref<32768x32xbf16, #tpu.memory_space<hbm>> -> memref<32768x32xbf16, #tpu.memory_space<hbm>>
      tpu.wait_indirect_dma semaphore(%arg17 : memref<!tpu.dma_semaphore, #tpu.memory_space<semaphore_mem>>) src(%dma_wait3A_604 : memref<32768x32xbf16, #tpu.memory_space<hbm>>) dst(%dma_wait3A_598 : memref<128x32xbf16, #tpu.memory_space<vmem>>)
      %mul3A_605 = arith.constant 8 : i32
      %mul3A_606 = arith.muli %add3A_526, %mul3A_605 : i32
      %add3A_607 = arith.constant 6 : i32
      %add3A_608 = arith.addi %mul3A_606, %add3A_607 : i32
      %dma_wait3A_609 = arith.constant 768 : i32
      %dma_wait3A_610 = arith.constant 0 : i32
      %dma_wait3A_611 = tpu.memref_slice %arg13[%dma_wait3A_609, %dma_wait3A_610] : memref<1024x32xbf16, #tpu.memory_space<vmem>> -> memref<128x32xbf16, #tpu.memory_space<vmem>>
      %dma_wait3A_612 = arith.constant 0 : i32
      %dma_wait3A_613 = tpu.memref_slice %arg9[%add3A_608, %dma_wait3A_612] : memref<128x128xi32, #tpu.memory_space<vmem>> -> memref<1x128xi32, #tpu.memory_space<vmem>>
      %dma_wait3A_614 = tpu.memref_squeeze %dma_wait3A_613 : memref<1x128xi32, #tpu.memory_space<vmem>> -> memref<128xi32, #tpu.memory_space<vmem>>
      %dma_wait3A_615 = arith.constant 0 : i32
      %dma_wait3A_616 = arith.constant 0 : i32
      %dma_wait3A_617 = tpu.memref_slice %arg2[%dma_wait3A_615, %dma_wait3A_616] : memref<32768x32xbf16, #tpu.memory_space<hbm>> -> memref<32768x32xbf16, #tpu.memory_space<hbm>>
      tpu.wait_indirect_dma semaphore(%arg17 : memref<!tpu.dma_semaphore, #tpu.memory_space<semaphore_mem>>) src(%dma_wait3A_617 : memref<32768x32xbf16, #tpu.memory_space<hbm>>) dst(%dma_wait3A_611 : memref<128x32xbf16, #tpu.memory_space<vmem>>)
      %mul3A_618 = arith.constant 8 : i32
      %mul3A_619 = arith.muli %add3A_526, %mul3A_618 : i32
      %add3A_620 = arith.constant 7 : i32
      %add3A_621 = arith.addi %mul3A_619, %add3A_620 : i32
      %dma_wait3A_622 = arith.constant 896 : i32
      %dma_wait3A_623 = arith.constant 0 : i32
      %dma_wait3A_624 = tpu.memref_slice %arg13[%dma_wait3A_622, %dma_wait3A_623] : memref<1024x32xbf16, #tpu.memory_space<vmem>> -> memref<128x32xbf16, #tpu.memory_space<vmem>>
      %dma_wait3A_625 = arith.constant 0 : i32
      %dma_wait3A_626 = tpu.memref_slice %arg9[%add3A_621, %dma_wait3A_625] : memref<128x128xi32, #tpu.memory_space<vmem>> -> memref<1x128xi32, #tpu.memory_space<vmem>>
      %dma_wait3A_627 = tpu.memref_squeeze %dma_wait3A_626 : memref<1x128xi32, #tpu.memory_space<vmem>> -> memref<128xi32, #tpu.memory_space<vmem>>
      %dma_wait3A_628 = arith.constant 0 : i32
      %dma_wait3A_629 = arith.constant 0 : i32
      %dma_wait3A_630 = tpu.memref_slice %arg2[%dma_wait3A_628, %dma_wait3A_629] : memref<32768x32xbf16, #tpu.memory_space<hbm>> -> memref<32768x32xbf16, #tpu.memory_space<hbm>>
      tpu.wait_indirect_dma semaphore(%arg17 : memref<!tpu.dma_semaphore, #tpu.memory_space<semaphore_mem>>) src(%dma_wait3A_630 : memref<32768x32xbf16, #tpu.memory_space<hbm>>) dst(%dma_wait3A_624 : memref<128x32xbf16, #tpu.memory_space<vmem>>)
      %add3A_631 = arith.constant 1 : i32
      %add3A_632 = arith.addi %add3A_202, %add3A_631 : i32
      %mul3A_633 = arith.constant 1024 : i32
      %mul3A_634 = arith.muli %add3A_632, %mul3A_633 : i32
      %multiple_of3A_635 = tpu.assume_multiple %mul3A_634, 1024 : i32
      %parallel_loop3A_636 = arith.constant 0 : i32
      %parallel_loop3A_637 = arith.constant 64 : i32
      %parallel_loop3A_638 = arith.constant 1 : i32
      scf.for %parallel_loop3A_855 = %parallel_loop3A_636 to %parallel_loop3A_637 step %parallel_loop3A_638  : i32 {
        %parallel_loop3A_856 = arith.constant 16 : i32
        %parallel_loop3A_857 = arith.muli %parallel_loop3A_855, %parallel_loop3A_856 : i32
        %parallel_loop3A_858 = tpu.memref_slice %arg11[%multiple_of3A_635] : memref<16384xf32, #tpu.memory_space<vmem>> -> memref<1024xf32, #tpu.memory_space<vmem>>
        %parallel_loop3A_859 = arith.index_cast %parallel_loop3A_857 : i32 to index
        %parallel_loop3A_860 = tpu.vector_load %parallel_loop3A_858[%parallel_loop3A_859] {strides = array<i32>} : memref<1024xf32, #tpu.memory_space<vmem>>, vector<16xf32>,
        %parallel_loop3A_861 = arith.constant 16 : i32
        %parallel_loop3A_862 = arith.muli %parallel_loop3A_855, %parallel_loop3A_861 : i32
        %parallel_loop3A_863 = arith.constant 0 : i32
        %parallel_loop3A_864 = arith.addi %parallel_loop3A_862, %parallel_loop3A_863 : i32
        %parallel_loop3A_865 = vector.extract_strided_slice %parallel_loop3A_860 {offsets = [0], sizes = [1], strides = [1]} : vector<16xf32> to vector<1xf32>
        %parallel_loop3A_866 = vector.extract %parallel_loop3A_865[0] : f32 from vector<1xf32>
        %parallel_loop3A_867 = vector.broadcast %parallel_loop3A_866 : f32 to vector<16xf32>
        %parallel_loop3A_868 = tpu.pack_subelements %parallel_loop3A_867, %parallel_loop3A_867 {pack_format = #tpu.pack_format<interleaved>, positions = array<i32: 0, 1>} : vector<16xf32>, vector<16xf32> -> vector<32xbf16>
        %parallel_loop3A_869 = arith.index_cast %parallel_loop3A_864 : i32 to index
        %parallel_loop3A_870 = arith.constant 0 : index
        %parallel_loop3A_871 = tpu.vector_load %arg13[%parallel_loop3A_869, %parallel_loop3A_870] {strides = array<i32>} : memref<1024x32xbf16, #tpu.memory_space<vmem>>, vector<32xbf16>,
        %parallel_loop3A_872 = arith.mulf %parallel_loop3A_871, %parallel_loop3A_868 : vector<32xbf16>
        %parallel_loop3A_873 = arith.index_cast %parallel_loop3A_864 : i32 to index
        %parallel_loop3A_874 = arith.constant 0 : index
        %parallel_loop3A_875 = tpu.vector_load %arg13[%parallel_loop3A_873, %parallel_loop3A_874] {strides = array<i32>} : memref<1024x32xbf16, #tpu.memory_space<vmem>>, vector<32xbf16>,
        tpu.vector_store %arg13[%parallel_loop3A_873, %parallel_loop3A_874], %parallel_loop3A_872 {strides = array<i32>} : memref<1024x32xbf16, #tpu.memory_space<vmem>>, vector<32xbf16>,
        %parallel_loop3A_876 = arith.constant 16 : i32
        %parallel_loop3A_877 = arith.muli %parallel_loop3A_855, %parallel_loop3A_876 : i32
        %parallel_loop3A_878 = arith.constant 1 : i32
        %parallel_loop3A_879 = arith.addi %parallel_loop3A_877, %parallel_loop3A_878 : i32
        %parallel_loop3A_880 = vector.extract_strided_slice %parallel_loop3A_860 {offsets = [1], sizes = [1], strides = [1]} : vector<16xf32> to vector<1xf32>
        %parallel_loop3A_881 = vector.extract %parallel_loop3A_880[0] : f32 from vector<1xf32>
        %parallel_loop3A_882 = vector.broadcast %parallel_loop3A_881 : f32 to vector<16xf32>
        %parallel_loop3A_883 = tpu.pack_subelements %parallel_loop3A_882, %parallel_loop3A_882 {pack_format = #tpu.pack_format<interleaved>, positions = array<i32: 0, 1>} : vector<16xf32>, vector<16xf32> -> vector<32xbf16>
        %parallel_loop3A_884 = arith.index_cast %parallel_loop3A_879 : i32 to index
        %parallel_loop3A_885 = arith.constant 0 : index
        %parallel_loop3A_886 = tpu.vector_load %arg13[%parallel_loop3A_884, %parallel_loop3A_885] {strides = array<i32>} : memref<1024x32xbf16, #tpu.memory_space<vmem>>, vector<32xbf16>,
        %parallel_loop3A_887 = arith.mulf %parallel_loop3A_886, %parallel_loop3A_883 : vector<32xbf16>
        %parallel_loop3A_888 = arith.index_cast %parallel_loop3A_879 : i32 to index
        %parallel_loop3A_889 = arith.constant 0 : index
        %parallel_loop3A_890 = tpu.vector_load %arg13[%parallel_loop3A_888, %parallel_loop3A_889] {strides = array<i32>} : memref<1024x32xbf16, #tpu.memory_space<vmem>>, vector<32xbf16>,
        tpu.vector_store %arg13[%parallel_loop3A_888, %parallel_loop3A_889], %parallel_loop3A_887 {strides = array<i32>} : memref<1024x32xbf16, #tpu.memory_space<vmem>>, vector<32xbf16>,
        %parallel_loop3A_891 = arith.constant 16 : i32
        %parallel_loop3A_892 = arith.muli %parallel_loop3A_855, %parallel_loop3A_891 : i32
        %parallel_loop3A_893 = arith.constant 2 : i32
        %parallel_loop3A_894 = arith.addi %parallel_loop3A_892, %parallel_loop3A_893 : i32
        %parallel_loop3A_895 = vector.extract_strided_slice %parallel_loop3A_860 {offsets = [2], sizes = [1], strides = [1]} : vector<16xf32> to vector<1xf32>
        %parallel_loop3A_896 = vector.extract %parallel_loop3A_895[0] : f32 from vector<1xf32>
        %parallel_loop3A_897 = vector.broadcast %parallel_loop3A_896 : f32 to vector<16xf32>
        %parallel_loop3A_898 = tpu.pack_subelements %parallel_loop3A_897, %parallel_loop3A_897 {pack_format = #tpu.pack_format<interleaved>, positions = array<i32: 0, 1>} : vector<16xf32>, vector<16xf32> -> vector<32xbf16>
        %parallel_loop3A_899 = arith.index_cast %parallel_loop3A_894 : i32 to index
        %parallel_loop3A_900 = arith.constant 0 : index
        %parallel_loop3A_901 = tpu.vector_load %arg13[%parallel_loop3A_899, %parallel_loop3A_900] {strides = array<i32>} : memref<1024x32xbf16, #tpu.memory_space<vmem>>, vector<32xbf16>,
        %parallel_loop3A_902 = arith.mulf %parallel_loop3A_901, %parallel_loop3A_898 : vector<32xbf16>
        %parallel_loop3A_903 = arith.index_cast %parallel_loop3A_894 : i32 to index
        %parallel_loop3A_904 = arith.constant 0 : index
        %parallel_loop3A_905 = tpu.vector_load %arg13[%parallel_loop3A_903, %parallel_loop3A_904] {strides = array<i32>} : memref<1024x32xbf16, #tpu.memory_space<vmem>>, vector<32xbf16>,
        tpu.vector_store %arg13[%parallel_loop3A_903, %parallel_loop3A_904], %parallel_loop3A_902 {strides = array<i32>} : memref<1024x32xbf16, #tpu.memory_space<vmem>>, vector<32xbf16>,
        %parallel_loop3A_906 = arith.constant 16 : i32
        %parallel_loop3A_907 = arith.muli %parallel_loop3A_855, %parallel_loop3A_906 : i32
        %parallel_loop3A_908 = arith.constant 3 : i32
        %parallel_loop3A_909 = arith.addi %parallel_loop3A_907, %parallel_loop3A_908 : i32
        %parallel_loop3A_910 = vector.extract_strided_slice %parallel_loop3A_860 {offsets = [3], sizes = [1], strides = [1]} : vector<16xf32> to vector<1xf32>
        %parallel_loop3A_911 = vector.extract %parallel_loop3A_910[0] : f32 from vector<1xf32>
        %parallel_loop3A_912 = vector.broadcast %parallel_loop3A_911 : f32 to vector<16xf32>
        %parallel_loop3A_913 = tpu.pack_subelements %parallel_loop3A_912, %parallel_loop3A_912 {pack_format = #tpu.pack_format<interleaved>, positions = array<i32: 0, 1>} : vector<16xf32>, vector<16xf32> -> vector<32xbf16>
        %parallel_loop3A_914 = arith.index_cast %parallel_loop3A_909 : i32 to index
        %parallel_loop3A_915 = arith.constant 0 : index
        %parallel_loop3A_916 = tpu.vector_load %arg13[%parallel_loop3A_914, %parallel_loop3A_915] {strides = array<i32>} : memref<1024x32xbf16, #tpu.memory_space<vmem>>, vector<32xbf16>,
        %parallel_loop3A_917 = arith.mulf %parallel_loop3A_916, %parallel_loop3A_913 : vector<32xbf16>
        %parallel_loop3A_918 = arith.index_cast %parallel_loop3A_909 : i32 to index
        %parallel_loop3A_919 = arith.constant 0 : index
        %parallel_loop3A_920 = tpu.vector_load %arg13[%parallel_loop3A_918, %parallel_loop3A_919] {strides = array<i32>} : memref<1024x32xbf16, #tpu.memory_space<vmem>>, vector<32xbf16>,
        tpu.vector_store %arg13[%parallel_loop3A_918, %parallel_loop3A_919], %parallel_loop3A_917 {strides = array<i32>} : memref<1024x32xbf16, #tpu.memory_space<vmem>>, vector<32xbf16>,
        %parallel_loop3A_921 = arith.constant 16 : i32
        %parallel_loop3A_922 = arith.muli %parallel_loop3A_855, %parallel_loop3A_921 : i32
        %parallel_loop3A_923 = arith.constant 4 : i32
        %parallel_loop3A_924 = arith.addi %parallel_loop3A_922, %parallel_loop3A_923 : i32
        %parallel_loop3A_925 = vector.extract_strided_slice %parallel_loop3A_860 {offsets = [4], sizes = [1], strides = [1]} : vector<16xf32> to vector<1xf32>
        %parallel_loop3A_926 = vector.extract %parallel_loop3A_925[0] : f32 from vector<1xf32>
        %parallel_loop3A_927 = vector.broadcast %parallel_loop3A_926 : f32 to vector<16xf32>
        %parallel_loop3A_928 = tpu.pack_subelements %parallel_loop3A_927, %parallel_loop3A_927 {pack_format = #tpu.pack_format<interleaved>, positions = array<i32: 0, 1>} : vector<16xf32>, vector<16xf32> -> vector<32xbf16>
        %parallel_loop3A_929 = arith.index_cast %parallel_loop3A_924 : i32 to index
        %parallel_loop3A_930 = arith.constant 0 : index
        %parallel_loop3A_931 = tpu.vector_load %arg13[%parallel_loop3A_929, %parallel_loop3A_930] {strides = array<i32>} : memref<1024x32xbf16, #tpu.memory_space<vmem>>, vector<32xbf16>,
        %parallel_loop3A_932 = arith.mulf %parallel_loop3A_931, %parallel_loop3A_928 : vector<32xbf16>
        %parallel_loop3A_933 = arith.index_cast %parallel_loop3A_924 : i32 to index
        %parallel_loop3A_934 = arith.constant 0 : index
        %parallel_loop3A_935 = tpu.vector_load %arg13[%parallel_loop3A_933, %parallel_loop3A_934] {strides = array<i32>} : memref<1024x32xbf16, #tpu.memory_space<vmem>>, vector<32xbf16>,
        tpu.vector_store %arg13[%parallel_loop3A_933, %parallel_loop3A_934], %parallel_loop3A_932 {strides = array<i32>} : memref<1024x32xbf16, #tpu.memory_space<vmem>>, vector<32xbf16>,
        %parallel_loop3A_936 = arith.constant 16 : i32
        %parallel_loop3A_937 = arith.muli %parallel_loop3A_855, %parallel_loop3A_936 : i32
        %parallel_loop3A_938 = arith.constant 5 : i32
        %parallel_loop3A_939 = arith.addi %parallel_loop3A_937, %parallel_loop3A_938 : i32
        %parallel_loop3A_940 = vector.extract_strided_slice %parallel_loop3A_860 {offsets = [5], sizes = [1], strides = [1]} : vector<16xf32> to vector<1xf32>
        %parallel_loop3A_941 = vector.extract %parallel_loop3A_940[0] : f32 from vector<1xf32>
        %parallel_loop3A_942 = vector.broadcast %parallel_loop3A_941 : f32 to vector<16xf32>
        %parallel_loop3A_943 = tpu.pack_subelements %parallel_loop3A_942, %parallel_loop3A_942 {pack_format = #tpu.pack_format<interleaved>, positions = array<i32: 0, 1>} : vector<16xf32>, vector<16xf32> -> vector<32xbf16>
        %parallel_loop3A_944 = arith.index_cast %parallel_loop3A_939 : i32 to index
        %parallel_loop3A_945 = arith.constant 0 : index
        %parallel_loop3A_946 = tpu.vector_load %arg13[%parallel_loop3A_944, %parallel_loop3A_945] {strides = array<i32>} : memref<1024x32xbf16, #tpu.memory_space<vmem>>, vector<32xbf16>,
        %parallel_loop3A_947 = arith.mulf %parallel_loop3A_946, %parallel_loop3A_943 : vector<32xbf16>
        %parallel_loop3A_948 = arith.index_cast %parallel_loop3A_939 : i32 to index
        %parallel_loop3A_949 = arith.constant 0 : index
        %parallel_loop3A_950 = tpu.vector_load %arg13[%parallel_loop3A_948, %parallel_loop3A_949] {strides = array<i32>} : memref<1024x32xbf16, #tpu.memory_space<vmem>>, vector<32xbf16>,
        tpu.vector_store %arg13[%parallel_loop3A_948, %parallel_loop3A_949], %parallel_loop3A_947 {strides = array<i32>} : memref<1024x32xbf16, #tpu.memory_space<vmem>>, vector<32xbf16>,
        %parallel_loop3A_951 = arith.constant 16 : i32
        %parallel_loop3A_952 = arith.muli %parallel_loop3A_855, %parallel_loop3A_951 : i32
        %parallel_loop3A_953 = arith.constant 6 : i32
        %parallel_loop3A_954 = arith.addi %parallel_loop3A_952, %parallel_loop3A_953 : i32
        %parallel_loop3A_955 = vector.extract_strided_slice %parallel_loop3A_860 {offsets = [6], sizes = [1], strides = [1]} : vector<16xf32> to vector<1xf32>
        %parallel_loop3A_956 = vector.extract %parallel_loop3A_955[0] : f32 from vector<1xf32>
        %parallel_loop3A_957 = vector.broadcast %parallel_loop3A_956 : f32 to vector<16xf32>
        %parallel_loop3A_958 = tpu.pack_subelements %parallel_loop3A_957, %parallel_loop3A_957 {pack_format = #tpu.pack_format<interleaved>, positions = array<i32: 0, 1>} : vector<16xf32>, vector<16xf32> -> vector<32xbf16>
        %parallel_loop3A_959 = arith.index_cast %parallel_loop3A_954 : i32 to index
        %parallel_loop3A_960 = arith.constant 0 : index
        %parallel_loop3A_961 = tpu.vector_load %arg13[%parallel_loop3A_959, %parallel_loop3A_960] {strides = array<i32>} : memref<1024x32xbf16, #tpu.memory_space<vmem>>, vector<32xbf16>,
        %parallel_loop3A_962 = arith.mulf %parallel_loop3A_961, %parallel_loop3A_958 : vector<32xbf16>
        %parallel_loop3A_963 = arith.index_cast %parallel_loop3A_954 : i32 to index
        %parallel_loop3A_964 = arith.constant 0 : index
        %parallel_loop3A_965 = tpu.vector_load %arg13[%parallel_loop3A_963, %parallel_loop3A_964] {strides = array<i32>} : memref<1024x32xbf16, #tpu.memory_space<vmem>>, vector<32xbf16>,
        tpu.vector_store %arg13[%parallel_loop3A_963, %parallel_loop3A_964], %parallel_loop3A_962 {strides = array<i32>} : memref<1024x32xbf16, #tpu.memory_space<vmem>>, vector<32xbf16>,
        %parallel_loop3A_966 = arith.constant 16 : i32
        %parallel_loop3A_967 = arith.muli %parallel_loop3A_855, %parallel_loop3A_966 : i32
        %parallel_loop3A_968 = arith.constant 7 : i32
        %parallel_loop3A_969 = arith.addi %parallel_loop3A_967, %parallel_loop3A_968 : i32
        %parallel_loop3A_970 = vector.extract_strided_slice %parallel_loop3A_860 {offsets = [7], sizes = [1], strides = [1]} : vector<16xf32> to vector<1xf32>
        %parallel_loop3A_971 = vector.extract %parallel_loop3A_970[0] : f32 from vector<1xf32>
        %parallel_loop3A_972 = vector.broadcast %parallel_loop3A_971 : f32 to vector<16xf32>
        %parallel_loop3A_973 = tpu.pack_subelements %parallel_loop3A_972, %parallel_loop3A_972 {pack_format = #tpu.pack_format<interleaved>, positions = array<i32: 0, 1>} : vector<16xf32>, vector<16xf32> -> vector<32xbf16>
        %parallel_loop3A_974 = arith.index_cast %parallel_loop3A_969 : i32 to index
        %parallel_loop3A_975 = arith.constant 0 : index
        %parallel_loop3A_976 = tpu.vector_load %arg13[%parallel_loop3A_974, %parallel_loop3A_975] {strides = array<i32>} : memref<1024x32xbf16, #tpu.memory_space<vmem>>, vector<32xbf16>,
        %parallel_loop3A_977 = arith.mulf %parallel_loop3A_976, %parallel_loop3A_973 : vector<32xbf16>
        %parallel_loop3A_978 = arith.index_cast %parallel_loop3A_969 : i32 to index
        %parallel_loop3A_979 = arith.constant 0 : index
        %parallel_loop3A_980 = tpu.vector_load %arg13[%parallel_loop3A_978, %parallel_loop3A_979] {strides = array<i32>} : memref<1024x32xbf16, #tpu.memory_space<vmem>>, vector<32xbf16>,
        tpu.vector_store %arg13[%parallel_loop3A_978, %parallel_loop3A_979], %parallel_loop3A_977 {strides = array<i32>} : memref<1024x32xbf16, #tpu.memory_space<vmem>>, vector<32xbf16>,
        %parallel_loop3A_981 = arith.constant 16 : i32
        %parallel_loop3A_982 = arith.muli %parallel_loop3A_855, %parallel_loop3A_981 : i32
        %parallel_loop3A_983 = arith.constant 8 : i32
        %parallel_loop3A_984 = arith.addi %parallel_loop3A_982, %parallel_loop3A_983 : i32
        %parallel_loop3A_985 = vector.extract_strided_slice %parallel_loop3A_860 {offsets = [8], sizes = [1], strides = [1]} : vector<16xf32> to vector<1xf32>
        %parallel_loop3A_986 = vector.extract %parallel_loop3A_985[0] : f32 from vector<1xf32>
        %parallel_loop3A_987 = vector.broadcast %parallel_loop3A_986 : f32 to vector<16xf32>
        %parallel_loop3A_988 = tpu.pack_subelements %parallel_loop3A_987, %parallel_loop3A_987 {pack_format = #tpu.pack_format<interleaved>, positions = array<i32: 0, 1>} : vector<16xf32>, vector<16xf32> -> vector<32xbf16>
        %parallel_loop3A_989 = arith.index_cast %parallel_loop3A_984 : i32 to index
        %parallel_loop3A_990 = arith.constant 0 : index
        %parallel_loop3A_991 = tpu.vector_load %arg13[%parallel_loop3A_989, %parallel_loop3A_990] {strides = array<i32>} : memref<1024x32xbf16, #tpu.memory_space<vmem>>, vector<32xbf16>,
        %parallel_loop3A_992 = arith.mulf %parallel_loop3A_991, %parallel_loop3A_988 : vector<32xbf16>
        %parallel_loop3A_993 = arith.index_cast %parallel_loop3A_984 : i32 to index
        %parallel_loop3A_994 = arith.constant 0 : index
        %parallel_loop3A_995 = tpu.vector_load %arg13[%parallel_loop3A_993, %parallel_loop3A_994] {strides = array<i32>} : memref<1024x32xbf16, #tpu.memory_space<vmem>>, vector<32xbf16>,
        tpu.vector_store %arg13[%parallel_loop3A_993, %parallel_loop3A_994], %parallel_loop3A_992 {strides = array<i32>} : memref<1024x32xbf16, #tpu.memory_space<vmem>>, vector<32xbf16>,
        %parallel_loop3A_996 = arith.constant 16 : i32
        %parallel_loop3A_997 = arith.muli %parallel_loop3A_855, %parallel_loop3A_996 : i32
        %parallel_loop3A_998 = arith.constant 9 : i32
        %parallel_loop3A_999 = arith.addi %parallel_loop3A_997, %parallel_loop3A_998 : i32
        %parallel_loop3A_1000 = vector.extract_strided_slice %parallel_loop3A_860 {offsets = [9], sizes = [1], strides = [1]} : vector<16xf32> to vector<1xf32>
        %parallel_loop3A_1001 = vector.extract %parallel_loop3A_1000[0] : f32 from vector<1xf32>
        %parallel_loop3A_1002 = vector.broadcast %parallel_loop3A_1001 : f32 to vector<16xf32>
        %parallel_loop3A_1003 = tpu.pack_subelements %parallel_loop3A_1002, %parallel_loop3A_1002 {pack_format = #tpu.pack_format<interleaved>, positions = array<i32: 0, 1>} : vector<16xf32>, vector<16xf32> -> vector<32xbf16>
        %parallel_loop3A_1004 = arith.index_cast %parallel_loop3A_999 : i32 to index
        %parallel_loop3A_1005 = arith.constant 0 : index
        %parallel_loop3A_1006 = tpu.vector_load %arg13[%parallel_loop3A_1004, %parallel_loop3A_1005] {strides = array<i32>} : memref<1024x32xbf16, #tpu.memory_space<vmem>>, vector<32xbf16>,
        %parallel_loop3A_1007 = arith.mulf %parallel_loop3A_1006, %parallel_loop3A_1003 : vector<32xbf16>
        %parallel_loop3A_1008 = arith.index_cast %parallel_loop3A_999 : i32 to index
        %parallel_loop3A_1009 = arith.constant 0 : index
        %parallel_loop3A_1010 = tpu.vector_load %arg13[%parallel_loop3A_1008, %parallel_loop3A_1009] {strides = array<i32>} : memref<1024x32xbf16, #tpu.memory_space<vmem>>, vector<32xbf16>,
        tpu.vector_store %arg13[%parallel_loop3A_1008, %parallel_loop3A_1009], %parallel_loop3A_1007 {strides = array<i32>} : memref<1024x32xbf16, #tpu.memory_space<vmem>>, vector<32xbf16>,
        %parallel_loop3A_1011 = arith.constant 16 : i32
        %parallel_loop3A_1012 = arith.muli %parallel_loop3A_855, %parallel_loop3A_1011 : i32
        %parallel_loop3A_1013 = arith.constant 10 : i32
        %parallel_loop3A_1014 = arith.addi %parallel_loop3A_1012, %parallel_loop3A_1013 : i32
        %parallel_loop3A_1015 = vector.extract_strided_slice %parallel_loop3A_860 {offsets = [10], sizes = [1], strides = [1]} : vector<16xf32> to vector<1xf32>
        %parallel_loop3A_1016 = vector.extract %parallel_loop3A_1015[0] : f32 from vector<1xf32>
        %parallel_loop3A_1017 = vector.broadcast %parallel_loop3A_1016 : f32 to vector<16xf32>
        %parallel_loop3A_1018 = tpu.pack_subelements %parallel_loop3A_1017, %parallel_loop3A_1017 {pack_format = #tpu.pack_format<interleaved>, positions = array<i32: 0, 1>} : vector<16xf32>, vector<16xf32> -> vector<32xbf16>
        %parallel_loop3A_1019 = arith.index_cast %parallel_loop3A_1014 : i32 to index
        %parallel_loop3A_1020 = arith.constant 0 : index
        %parallel_loop3A_1021 = tpu.vector_load %arg13[%parallel_loop3A_1019, %parallel_loop3A_1020] {strides = array<i32>} : memref<1024x32xbf16, #tpu.memory_space<vmem>>, vector<32xbf16>,
        %parallel_loop3A_1022 = arith.mulf %parallel_loop3A_1021, %parallel_loop3A_1018 : vector<32xbf16>
        %parallel_loop3A_1023 = arith.index_cast %parallel_loop3A_1014 : i32 to index
        %parallel_loop3A_1024 = arith.constant 0 : index
        %parallel_loop3A_1025 = tpu.vector_load %arg13[%parallel_loop3A_1023, %parallel_loop3A_1024] {strides = array<i32>} : memref<1024x32xbf16, #tpu.memory_space<vmem>>, vector<32xbf16>,
        tpu.vector_store %arg13[%parallel_loop3A_1023, %parallel_loop3A_1024], %parallel_loop3A_1022 {strides = array<i32>} : memref<1024x32xbf16, #tpu.memory_space<vmem>>, vector<32xbf16>,
        %parallel_loop3A_1026 = arith.constant 16 : i32
        %parallel_loop3A_1027 = arith.muli %parallel_loop3A_855, %parallel_loop3A_1026 : i32
        %parallel_loop3A_1028 = arith.constant 11 : i32
        %parallel_loop3A_1029 = arith.addi %parallel_loop3A_1027, %parallel_loop3A_1028 : i32
        %parallel_loop3A_1030 = vector.extract_strided_slice %parallel_loop3A_860 {offsets = [11], sizes = [1], strides = [1]} : vector<16xf32> to vector<1xf32>
        %parallel_loop3A_1031 = vector.extract %parallel_loop3A_1030[0] : f32 from vector<1xf32>
        %parallel_loop3A_1032 = vector.broadcast %parallel_loop3A_1031 : f32 to vector<16xf32>
        %parallel_loop3A_1033 = tpu.pack_subelements %parallel_loop3A_1032, %parallel_loop3A_1032 {pack_format = #tpu.pack_format<interleaved>, positions = array<i32: 0, 1>} : vector<16xf32>, vector<16xf32> -> vector<32xbf16>
        %parallel_loop3A_1034 = arith.index_cast %parallel_loop3A_1029 : i32 to index
        %parallel_loop3A_1035 = arith.constant 0 : index
        %parallel_loop3A_1036 = tpu.vector_load %arg13[%parallel_loop3A_1034, %parallel_loop3A_1035] {strides = array<i32>} : memref<1024x32xbf16, #tpu.memory_space<vmem>>, vector<32xbf16>,
        %parallel_loop3A_1037 = arith.mulf %parallel_loop3A_1036, %parallel_loop3A_1033 : vector<32xbf16>
        %parallel_loop3A_1038 = arith.index_cast %parallel_loop3A_1029 : i32 to index
        %parallel_loop3A_1039 = arith.constant 0 : index
        %parallel_loop3A_1040 = tpu.vector_load %arg13[%parallel_loop3A_1038, %parallel_loop3A_1039] {strides = array<i32>} : memref<1024x32xbf16, #tpu.memory_space<vmem>>, vector<32xbf16>,
        tpu.vector_store %arg13[%parallel_loop3A_1038, %parallel_loop3A_1039], %parallel_loop3A_1037 {strides = array<i32>} : memref<1024x32xbf16, #tpu.memory_space<vmem>>, vector<32xbf16>,
        %parallel_loop3A_1041 = arith.constant 16 : i32
        %parallel_loop3A_1042 = arith.muli %parallel_loop3A_855, %parallel_loop3A_1041 : i32
        %parallel_loop3A_1043 = arith.constant 12 : i32
        %parallel_loop3A_1044 = arith.addi %parallel_loop3A_1042, %parallel_loop3A_1043 : i32
        %parallel_loop3A_1045 = vector.extract_strided_slice %parallel_loop3A_860 {offsets = [12], sizes = [1], strides = [1]} : vector<16xf32> to vector<1xf32>
        %parallel_loop3A_1046 = vector.extract %parallel_loop3A_1045[0] : f32 from vector<1xf32>
        %parallel_loop3A_1047 = vector.broadcast %parallel_loop3A_1046 : f32 to vector<16xf32>
        %parallel_loop3A_1048 = tpu.pack_subelements %parallel_loop3A_1047, %parallel_loop3A_1047 {pack_format = #tpu.pack_format<interleaved>, positions = array<i32: 0, 1>} : vector<16xf32>, vector<16xf32> -> vector<32xbf16>
        %parallel_loop3A_1049 = arith.index_cast %parallel_loop3A_1044 : i32 to index
        %parallel_loop3A_1050 = arith.constant 0 : index
        %parallel_loop3A_1051 = tpu.vector_load %arg13[%parallel_loop3A_1049, %parallel_loop3A_1050] {strides = array<i32>} : memref<1024x32xbf16, #tpu.memory_space<vmem>>, vector<32xbf16>,
        %parallel_loop3A_1052 = arith.mulf %parallel_loop3A_1051, %parallel_loop3A_1048 : vector<32xbf16>
        %parallel_loop3A_1053 = arith.index_cast %parallel_loop3A_1044 : i32 to index
        %parallel_loop3A_1054 = arith.constant 0 : index
        %parallel_loop3A_1055 = tpu.vector_load %arg13[%parallel_loop3A_1053, %parallel_loop3A_1054] {strides = array<i32>} : memref<1024x32xbf16, #tpu.memory_space<vmem>>, vector<32xbf16>,
        tpu.vector_store %arg13[%parallel_loop3A_1053, %parallel_loop3A_1054], %parallel_loop3A_1052 {strides = array<i32>} : memref<1024x32xbf16, #tpu.memory_space<vmem>>, vector<32xbf16>,
        %parallel_loop3A_1056 = arith.constant 16 : i32
        %parallel_loop3A_1057 = arith.muli %parallel_loop3A_855, %parallel_loop3A_1056 : i32
        %parallel_loop3A_1058 = arith.constant 13 : i32
        %parallel_loop3A_1059 = arith.addi %parallel_loop3A_1057, %parallel_loop3A_1058 : i32
        %parallel_loop3A_1060 = vector.extract_strided_slice %parallel_loop3A_860 {offsets = [13], sizes = [1], strides = [1]} : vector<16xf32> to vector<1xf32>
        %parallel_loop3A_1061 = vector.extract %parallel_loop3A_1060[0] : f32 from vector<1xf32>
        %parallel_loop3A_1062 = vector.broadcast %parallel_loop3A_1061 : f32 to vector<16xf32>
        %parallel_loop3A_1063 = tpu.pack_subelements %parallel_loop3A_1062, %parallel_loop3A_1062 {pack_format = #tpu.pack_format<interleaved>, positions = array<i32: 0, 1>} : vector<16xf32>, vector<16xf32> -> vector<32xbf16>
        %parallel_loop3A_1064 = arith.index_cast %parallel_loop3A_1059 : i32 to index
        %parallel_loop3A_1065 = arith.constant 0 : index
        %parallel_loop3A_1066 = tpu.vector_load %arg13[%parallel_loop3A_1064, %parallel_loop3A_1065] {strides = array<i32>} : memref<1024x32xbf16, #tpu.memory_space<vmem>>, vector<32xbf16>,
        %parallel_loop3A_1067 = arith.mulf %parallel_loop3A_1066, %parallel_loop3A_1063 : vector<32xbf16>
        %parallel_loop3A_1068 = arith.index_cast %parallel_loop3A_1059 : i32 to index
        %parallel_loop3A_1069 = arith.constant 0 : index
        %parallel_loop3A_1070 = tpu.vector_load %arg13[%parallel_loop3A_1068, %parallel_loop3A_1069] {strides = array<i32>} : memref<1024x32xbf16, #tpu.memory_space<vmem>>, vector<32xbf16>,
        tpu.vector_store %arg13[%parallel_loop3A_1068, %parallel_loop3A_1069], %parallel_loop3A_1067 {strides = array<i32>} : memref<1024x32xbf16, #tpu.memory_space<vmem>>, vector<32xbf16>,
        %parallel_loop3A_1071 = arith.constant 16 : i32
        %parallel_loop3A_1072 = arith.muli %parallel_loop3A_855, %parallel_loop3A_1071 : i32
        %parallel_loop3A_1073 = arith.constant 14 : i32
        %parallel_loop3A_1074 = arith.addi %parallel_loop3A_1072, %parallel_loop3A_1073 : i32
        %parallel_loop3A_1075 = vector.extract_strided_slice %parallel_loop3A_860 {offsets = [14], sizes = [1], strides = [1]} : vector<16xf32> to vector<1xf32>
        %parallel_loop3A_1076 = vector.extract %parallel_loop3A_1075[0] : f32 from vector<1xf32>
        %parallel_loop3A_1077 = vector.broadcast %parallel_loop3A_1076 : f32 to vector<16xf32>
        %parallel_loop3A_1078 = tpu.pack_subelements %parallel_loop3A_1077, %parallel_loop3A_1077 {pack_format = #tpu.pack_format<interleaved>, positions = array<i32: 0, 1>} : vector<16xf32>, vector<16xf32> -> vector<32xbf16>
        %parallel_loop3A_1079 = arith.index_cast %parallel_loop3A_1074 : i32 to index
        %parallel_loop3A_1080 = arith.constant 0 : index
        %parallel_loop3A_1081 = tpu.vector_load %arg13[%parallel_loop3A_1079, %parallel_loop3A_1080] {strides = array<i32>} : memref<1024x32xbf16, #tpu.memory_space<vmem>>, vector<32xbf16>,
        %parallel_loop3A_1082 = arith.mulf %parallel_loop3A_1081, %parallel_loop3A_1078 : vector<32xbf16>
        %parallel_loop3A_1083 = arith.index_cast %parallel_loop3A_1074 : i32 to index
        %parallel_loop3A_1084 = arith.constant 0 : index
        %parallel_loop3A_1085 = tpu.vector_load %arg13[%parallel_loop3A_1083, %parallel_loop3A_1084] {strides = array<i32>} : memref<1024x32xbf16, #tpu.memory_space<vmem>>, vector<32xbf16>,
        tpu.vector_store %arg13[%parallel_loop3A_1083, %parallel_loop3A_1084], %parallel_loop3A_1082 {strides = array<i32>} : memref<1024x32xbf16, #tpu.memory_space<vmem>>, vector<32xbf16>,
        %parallel_loop3A_1086 = arith.constant 16 : i32
        %parallel_loop3A_1087 = arith.muli %parallel_loop3A_855, %parallel_loop3A_1086 : i32
        %parallel_loop3A_1088 = arith.constant 15 : i32
        %parallel_loop3A_1089 = arith.addi %parallel_loop3A_1087, %parallel_loop3A_1088 : i32
        %parallel_loop3A_1090 = vector.extract_strided_slice %parallel_loop3A_860 {offsets = [15], sizes = [1], strides = [1]} : vector<16xf32> to vector<1xf32>
        %parallel_loop3A_1091 = vector.extract %parallel_loop3A_1090[0] : f32 from vector<1xf32>
        %parallel_loop3A_1092 = vector.broadcast %parallel_loop3A_1091 : f32 to vector<16xf32>
        %parallel_loop3A_1093 = tpu.pack_subelements %parallel_loop3A_1092, %parallel_loop3A_1092 {pack_format = #tpu.pack_format<interleaved>, positions = array<i32: 0, 1>} : vector<16xf32>, vector<16xf32> -> vector<32xbf16>
        %parallel_loop3A_1094 = arith.index_cast %parallel_loop3A_1089 : i32 to index
        %parallel_loop3A_1095 = arith.constant 0 : index
        %parallel_loop3A_1096 = tpu.vector_load %arg13[%parallel_loop3A_1094, %parallel_loop3A_1095] {strides = array<i32>} : memref<1024x32xbf16, #tpu.memory_space<vmem>>, vector<32xbf16>,
        %parallel_loop3A_1097 = arith.mulf %parallel_loop3A_1096, %parallel_loop3A_1093 : vector<32xbf16>
        %parallel_loop3A_1098 = arith.index_cast %parallel_loop3A_1089 : i32 to index
        %parallel_loop3A_1099 = arith.constant 0 : index
        %parallel_loop3A_1100 = tpu.vector_load %arg13[%parallel_loop3A_1098, %parallel_loop3A_1099] {strides = array<i32>} : memref<1024x32xbf16, #tpu.memory_space<vmem>>, vector<32xbf16>,
        tpu.vector_store %arg13[%parallel_loop3A_1098, %parallel_loop3A_1099], %parallel_loop3A_1097 {strides = array<i32>} : memref<1024x32xbf16, #tpu.memory_space<vmem>>, vector<32xbf16>,
      } {sc.loop_unroll_factor = 1 : i64, sc.parallel_access}
      %mul3A_639 = arith.constant 8 : i32
      %mul3A_640 = arith.muli %add3A_202, %mul3A_639 : i32
      %add3A_641 = arith.constant 0 : i32
      %add3A_642 = arith.addi %mul3A_640, %add3A_641 : i32
      %dma_wait3A_643 = arith.constant 0 : i32
      %dma_wait3A_644 = arith.constant 0 : i32
      %dma_wait3A_645 = tpu.memref_slice %arg12[%dma_wait3A_643, %dma_wait3A_644] : memref<1024x32xbf16, #tpu.memory_space<vmem>> -> memref<128x32xbf16, #tpu.memory_space<vmem>>
      %dma_wait3A_646 = arith.constant 0 : i32
      %dma_wait3A_647 = tpu.memref_slice %arg10[%add3A_642, %dma_wait3A_646] : memref<128x128xi32, #tpu.memory_space<vmem>> -> memref<1x128xi32, #tpu.memory_space<vmem>>
      %dma_wait3A_648 = tpu.memref_squeeze %dma_wait3A_647 : memref<1x128xi32, #tpu.memory_space<vmem>> -> memref<128xi32, #tpu.memory_space<vmem>>
      %dma_wait3A_649 = arith.constant 0 : i32
      %dma_wait3A_650 = arith.constant 0 : i32
      %dma_wait3A_651 = tpu.memref_slice %arg8[%dma_wait3A_649, %dma_wait3A_650] : memref<16384x32xbf16, #tpu.memory_space<vmem_shared>> -> memref<16384x32xbf16, #tpu.memory_space<vmem_shared>>
      tpu.wait_indirect_dma semaphore(%arg18 : memref<!tpu.dma_semaphore, #tpu.memory_space<semaphore_mem>>) src(%dma_wait3A_645 : memref<128x32xbf16, #tpu.memory_space<vmem>>) dst(%dma_wait3A_651 : memref<16384x32xbf16, #tpu.memory_space<vmem_shared>>)
      %mul3A_652 = arith.constant 8 : i32
      %mul3A_653 = arith.muli %add3A_202, %mul3A_652 : i32
      %add3A_654 = arith.constant 1 : i32
      %add3A_655 = arith.addi %mul3A_653, %add3A_654 : i32
      %dma_wait3A_656 = arith.constant 128 : i32
      %dma_wait3A_657 = arith.constant 0 : i32
      %dma_wait3A_658 = tpu.memref_slice %arg12[%dma_wait3A_656, %dma_wait3A_657] : memref<1024x32xbf16, #tpu.memory_space<vmem>> -> memref<128x32xbf16, #tpu.memory_space<vmem>>
      %dma_wait3A_659 = arith.constant 0 : i32
      %dma_wait3A_660 = tpu.memref_slice %arg10[%add3A_655, %dma_wait3A_659] : memref<128x128xi32, #tpu.memory_space<vmem>> -> memref<1x128xi32, #tpu.memory_space<vmem>>
      %dma_wait3A_661 = tpu.memref_squeeze %dma_wait3A_660 : memref<1x128xi32, #tpu.memory_space<vmem>> -> memref<128xi32, #tpu.memory_space<vmem>>
      %dma_wait3A_662 = arith.constant 0 : i32
      %dma_wait3A_663 = arith.constant 0 : i32
      %dma_wait3A_664 = tpu.memref_slice %arg8[%dma_wait3A_662, %dma_wait3A_663] : memref<16384x32xbf16, #tpu.memory_space<vmem_shared>> -> memref<16384x32xbf16, #tpu.memory_space<vmem_shared>>
      tpu.wait_indirect_dma semaphore(%arg18 : memref<!tpu.dma_semaphore, #tpu.memory_space<semaphore_mem>>) src(%dma_wait3A_658 : memref<128x32xbf16, #tpu.memory_space<vmem>>) dst(%dma_wait3A_664 : memref<16384x32xbf16, #tpu.memory_space<vmem_shared>>)
      %mul3A_665 = arith.constant 8 : i32
      %mul3A_666 = arith.muli %add3A_202, %mul3A_665 : i32
      %add3A_667 = arith.constant 2 : i32
      %add3A_668 = arith.addi %mul3A_666, %add3A_667 : i32
      %dma_wait3A_669 = arith.constant 256 : i32
      %dma_wait3A_670 = arith.constant 0 : i32
      %dma_wait3A_671 = tpu.memref_slice %arg12[%dma_wait3A_669, %dma_wait3A_670] : memref<1024x32xbf16, #tpu.memory_space<vmem>> -> memref<128x32xbf16, #tpu.memory_space<vmem>>
      %dma_wait3A_672 = arith.constant 0 : i32
      %dma_wait3A_673 = tpu.memref_slice %arg10[%add3A_668, %dma_wait3A_672] : memref<128x128xi32, #tpu.memory_space<vmem>> -> memref<1x128xi32, #tpu.memory_space<vmem>>
      %dma_wait3A_674 = tpu.memref_squeeze %dma_wait3A_673 : memref<1x128xi32, #tpu.memory_space<vmem>> -> memref<128xi32, #tpu.memory_space<vmem>>
      %dma_wait3A_675 = arith.constant 0 : i32
      %dma_wait3A_676 = arith.constant 0 : i32
      %dma_wait3A_677 = tpu.memref_slice %arg8[%dma_wait3A_675, %dma_wait3A_676] : memref<16384x32xbf16, #tpu.memory_space<vmem_shared>> -> memref<16384x32xbf16, #tpu.memory_space<vmem_shared>>
      tpu.wait_indirect_dma semaphore(%arg18 : memref<!tpu.dma_semaphore, #tpu.memory_space<semaphore_mem>>) src(%dma_wait3A_671 : memref<128x32xbf16, #tpu.memory_space<vmem>>) dst(%dma_wait3A_677 : memref<16384x32xbf16, #tpu.memory_space<vmem_shared>>)
      %mul3A_678 = arith.constant 8 : i32
      %mul3A_679 = arith.muli %add3A_202, %mul3A_678 : i32
      %add3A_680 = arith.constant 3 : i32
      %add3A_681 = arith.addi %mul3A_679, %add3A_680 : i32
      %dma_wait3A_682 = arith.constant 384 : i32
      %dma_wait3A_683 = arith.constant 0 : i32
      %dma_wait3A_684 = tpu.memref_slice %arg12[%dma_wait3A_682, %dma_wait3A_683] : memref<1024x32xbf16, #tpu.memory_space<vmem>> -> memref<128x32xbf16, #tpu.memory_space<vmem>>
      %dma_wait3A_685 = arith.constant 0 : i32
      %dma_wait3A_686 = tpu.memref_slice %arg10[%add3A_681, %dma_wait3A_685] : memref<128x128xi32, #tpu.memory_space<vmem>> -> memref<1x128xi32, #tpu.memory_space<vmem>>
      %dma_wait3A_687 = tpu.memref_squeeze %dma_wait3A_686 : memref<1x128xi32, #tpu.memory_space<vmem>> -> memref<128xi32, #tpu.memory_space<vmem>>
      %dma_wait3A_688 = arith.constant 0 : i32
      %dma_wait3A_689 = arith.constant 0 : i32
      %dma_wait3A_690 = tpu.memref_slice %arg8[%dma_wait3A_688, %dma_wait3A_689] : memref<16384x32xbf16, #tpu.memory_space<vmem_shared>> -> memref<16384x32xbf16, #tpu.memory_space<vmem_shared>>
      tpu.wait_indirect_dma semaphore(%arg18 : memref<!tpu.dma_semaphore, #tpu.memory_space<semaphore_mem>>) src(%dma_wait3A_684 : memref<128x32xbf16, #tpu.memory_space<vmem>>) dst(%dma_wait3A_690 : memref<16384x32xbf16, #tpu.memory_space<vmem_shared>>)
      %mul3A_691 = arith.constant 8 : i32
      %mul3A_692 = arith.muli %add3A_202, %mul3A_691 : i32
      %add3A_693 = arith.constant 4 : i32
      %add3A_694 = arith.addi %mul3A_692, %add3A_693 : i32
      %dma_wait3A_695 = arith.constant 512 : i32
      %dma_wait3A_696 = arith.constant 0 : i32
      %dma_wait3A_697 = tpu.memref_slice %arg12[%dma_wait3A_695, %dma_wait3A_696] : memref<1024x32xbf16, #tpu.memory_space<vmem>> -> memref<128x32xbf16, #tpu.memory_space<vmem>>
      %dma_wait3A_698 = arith.constant 0 : i32
      %dma_wait3A_699 = tpu.memref_slice %arg10[%add3A_694, %dma_wait3A_698] : memref<128x128xi32, #tpu.memory_space<vmem>> -> memref<1x128xi32, #tpu.memory_space<vmem>>
      %dma_wait3A_700 = tpu.memref_squeeze %dma_wait3A_699 : memref<1x128xi32, #tpu.memory_space<vmem>> -> memref<128xi32, #tpu.memory_space<vmem>>
      %dma_wait3A_701 = arith.constant 0 : i32
      %dma_wait3A_702 = arith.constant 0 : i32
      %dma_wait3A_703 = tpu.memref_slice %arg8[%dma_wait3A_701, %dma_wait3A_702] : memref<16384x32xbf16, #tpu.memory_space<vmem_shared>> -> memref<16384x32xbf16, #tpu.memory_space<vmem_shared>>
      tpu.wait_indirect_dma semaphore(%arg18 : memref<!tpu.dma_semaphore, #tpu.memory_space<semaphore_mem>>) src(%dma_wait3A_697 : memref<128x32xbf16, #tpu.memory_space<vmem>>) dst(%dma_wait3A_703 : memref<16384x32xbf16, #tpu.memory_space<vmem_shared>>)
      %mul3A_704 = arith.constant 8 : i32
      %mul3A_705 = arith.muli %add3A_202, %mul3A_704 : i32
      %add3A_706 = arith.constant 5 : i32
      %add3A_707 = arith.addi %mul3A_705, %add3A_706 : i32
      %dma_wait3A_708 = arith.constant 640 : i32
      %dma_wait3A_709 = arith.constant 0 : i32
      %dma_wait3A_710 = tpu.memref_slice %arg12[%dma_wait3A_708, %dma_wait3A_709] : memref<1024x32xbf16, #tpu.memory_space<vmem>> -> memref<128x32xbf16, #tpu.memory_space<vmem>>
      %dma_wait3A_711 = arith.constant 0 : i32
      %dma_wait3A_712 = tpu.memref_slice %arg10[%add3A_707, %dma_wait3A_711] : memref<128x128xi32, #tpu.memory_space<vmem>> -> memref<1x128xi32, #tpu.memory_space<vmem>>
      %dma_wait3A_713 = tpu.memref_squeeze %dma_wait3A_712 : memref<1x128xi32, #tpu.memory_space<vmem>> -> memref<128xi32, #tpu.memory_space<vmem>>
      %dma_wait3A_714 = arith.constant 0 : i32
      %dma_wait3A_715 = arith.constant 0 : i32
      %dma_wait3A_716 = tpu.memref_slice %arg8[%dma_wait3A_714, %dma_wait3A_715] : memref<16384x32xbf16, #tpu.memory_space<vmem_shared>> -> memref<16384x32xbf16, #tpu.memory_space<vmem_shared>>
      tpu.wait_indirect_dma semaphore(%arg18 : memref<!tpu.dma_semaphore, #tpu.memory_space<semaphore_mem>>) src(%dma_wait3A_710 : memref<128x32xbf16, #tpu.memory_space<vmem>>) dst(%dma_wait3A_716 : memref<16384x32xbf16, #tpu.memory_space<vmem_shared>>)
      %mul3A_717 = arith.constant 8 : i32
      %mul3A_718 = arith.muli %add3A_202, %mul3A_717 : i32
      %add3A_719 = arith.constant 6 : i32
      %add3A_720 = arith.addi %mul3A_718, %add3A_719 : i32
      %dma_wait3A_721 = arith.constant 768 : i32
      %dma_wait3A_722 = arith.constant 0 : i32
      %dma_wait3A_723 = tpu.memref_slice %arg12[%dma_wait3A_721, %dma_wait3A_722] : memref<1024x32xbf16, #tpu.memory_space<vmem>> -> memref<128x32xbf16, #tpu.memory_space<vmem>>
      %dma_wait3A_724 = arith.constant 0 : i32
      %dma_wait3A_725 = tpu.memref_slice %arg10[%add3A_720, %dma_wait3A_724] : memref<128x128xi32, #tpu.memory_space<vmem>> -> memref<1x128xi32, #tpu.memory_space<vmem>>
      %dma_wait3A_726 = tpu.memref_squeeze %dma_wait3A_725 : memref<1x128xi32, #tpu.memory_space<vmem>> -> memref<128xi32, #tpu.memory_space<vmem>>
      %dma_wait3A_727 = arith.constant 0 : i32
      %dma_wait3A_728 = arith.constant 0 : i32
      %dma_wait3A_729 = tpu.memref_slice %arg8[%dma_wait3A_727, %dma_wait3A_728] : memref<16384x32xbf16, #tpu.memory_space<vmem_shared>> -> memref<16384x32xbf16, #tpu.memory_space<vmem_shared>>
      tpu.wait_indirect_dma semaphore(%arg18 : memref<!tpu.dma_semaphore, #tpu.memory_space<semaphore_mem>>) src(%dma_wait3A_723 : memref<128x32xbf16, #tpu.memory_space<vmem>>) dst(%dma_wait3A_729 : memref<16384x32xbf16, #tpu.memory_space<vmem_shared>>)
      %mul3A_730 = arith.constant 8 : i32
      %mul3A_731 = arith.muli %add3A_202, %mul3A_730 : i32
      %add3A_732 = arith.constant 7 : i32
      %add3A_733 = arith.addi %mul3A_731, %add3A_732 : i32
      %dma_wait3A_734 = arith.constant 896 : i32
      %dma_wait3A_735 = arith.constant 0 : i32
      %dma_wait3A_736 = tpu.memref_slice %arg12[%dma_wait3A_734, %dma_wait3A_735] : memref<1024x32xbf16, #tpu.memory_space<vmem>> -> memref<128x32xbf16, #tpu.memory_space<vmem>>
      %dma_wait3A_737 = arith.constant 0 : i32
      %dma_wait3A_738 = tpu.memref_slice %arg10[%add3A_733, %dma_wait3A_737] : memref<128x128xi32, #tpu.memory_space<vmem>> -> memref<1x128xi32, #tpu.memory_space<vmem>>
      %dma_wait3A_739 = tpu.memref_squeeze %dma_wait3A_738 : memref<1x128xi32, #tpu.memory_space<vmem>> -> memref<128xi32, #tpu.memory_space<vmem>>
      %dma_wait3A_740 = arith.constant 0 : i32
      %dma_wait3A_741 = arith.constant 0 : i32
      %dma_wait3A_742 = tpu.memref_slice %arg8[%dma_wait3A_740, %dma_wait3A_741] : memref<16384x32xbf16, #tpu.memory_space<vmem_shared>> -> memref<16384x32xbf16, #tpu.memory_space<vmem_shared>>
      tpu.wait_indirect_dma semaphore(%arg18 : memref<!tpu.dma_semaphore, #tpu.memory_space<semaphore_mem>>) src(%dma_wait3A_736 : memref<128x32xbf16, #tpu.memory_space<vmem>>) dst(%dma_wait3A_742 : memref<16384x32xbf16, #tpu.memory_space<vmem_shared>>)
      %add3A_743 = arith.constant 2 : i32
      %add3A_744 = arith.addi %add3A_202, %add3A_743 : i32
      %lt3A = arith.constant 16 : i32
      %lt3A_745 = arith.cmpi slt, %add3A_744, %lt3A : i32
      %convert_element_type3A_746 = arith.extui %lt3A_745 : i1 to i32
      %cond3A_747 = arith.constant 0 : i32
      %cond3A_748 = arith.cmpi ne, %convert_element_type3A_746, %cond3A_747 : i32
      scf.if %cond3A_748 {
        %add3A_855 = arith.constant 2 : i32
        %add3A_856 = arith.addi %add3A_202, %add3A_855 : i32
        %mul3A_857 = arith.constant 8 : i32
        %mul3A_858 = arith.muli %add3A_856, %mul3A_857 : i32
        %add3A_859 = arith.constant 0 : i32
        %add3A_860 = arith.addi %mul3A_858, %add3A_859 : i32
        %dma_start3A_861 = arith.constant 0 : i32
        %dma_start3A_862 = arith.constant 0 : i32
        %dma_start3A_863 = tpu.memref_slice %arg12[%dma_start3A_861, %dma_start3A_862] : memref<1024x32xbf16, #tpu.memory_space<vmem>> -> memref<128x32xbf16, #tpu.memory_space<vmem>>
        %dma_start3A_864 = arith.constant 0 : i32
        %dma_start3A_865 = tpu.memref_slice %arg9[%add3A_860, %dma_start3A_864] : memref<128x128xi32, #tpu.memory_space<vmem>> -> memref<1x128xi32, #tpu.memory_space<vmem>>
        %dma_start3A_866 = tpu.memref_squeeze %dma_start3A_865 : memref<1x128xi32, #tpu.memory_space<vmem>> -> memref<128xi32, #tpu.memory_space<vmem>>
        %dma_start3A_867 = arith.constant 0 : i32
        %dma_start3A_868 = arith.constant 0 : i32
        %dma_start3A_869 = tpu.memref_slice %arg2[%dma_start3A_867, %dma_start3A_868] : memref<32768x32xbf16, #tpu.memory_space<hbm>> -> memref<32768x32xbf16, #tpu.memory_space<hbm>>
        tpu.enqueue_indirect_dma source(%dma_start3A_869 : memref<32768x32xbf16, #tpu.memory_space<hbm>>) target(%dma_start3A_863 : memref<128x32xbf16, #tpu.memory_space<vmem>>) offsets(%dma_start3A_866 : memref<128xi32, #tpu.memory_space<vmem>>) semaphore(%arg16 : memref<!tpu.dma_semaphore, #tpu.memory_space<semaphore_mem>>)
        %mul3A_870 = arith.constant 8 : i32
        %mul3A_871 = arith.muli %add3A_856, %mul3A_870 : i32
        %add3A_872 = arith.constant 1 : i32
        %add3A_873 = arith.addi %mul3A_871, %add3A_872 : i32
        %dma_start3A_874 = arith.constant 128 : i32
        %dma_start3A_875 = arith.constant 0 : i32
        %dma_start3A_876 = tpu.memref_slice %arg12[%dma_start3A_874, %dma_start3A_875] : memref<1024x32xbf16, #tpu.memory_space<vmem>> -> memref<128x32xbf16, #tpu.memory_space<vmem>>
        %dma_start3A_877 = arith.constant 0 : i32
        %dma_start3A_878 = tpu.memref_slice %arg9[%add3A_873, %dma_start3A_877] : memref<128x128xi32, #tpu.memory_space<vmem>> -> memref<1x128xi32, #tpu.memory_space<vmem>>
        %dma_start3A_879 = tpu.memref_squeeze %dma_start3A_878 : memref<1x128xi32, #tpu.memory_space<vmem>> -> memref<128xi32, #tpu.memory_space<vmem>>
        %dma_start3A_880 = arith.constant 0 : i32
        %dma_start3A_881 = arith.constant 0 : i32
        %dma_start3A_882 = tpu.memref_slice %arg2[%dma_start3A_880, %dma_start3A_881] : memref<32768x32xbf16, #tpu.memory_space<hbm>> -> memref<32768x32xbf16, #tpu.memory_space<hbm>>
        tpu.enqueue_indirect_dma source(%dma_start3A_882 : memref<32768x32xbf16, #tpu.memory_space<hbm>>) target(%dma_start3A_876 : memref<128x32xbf16, #tpu.memory_space<vmem>>) offsets(%dma_start3A_879 : memref<128xi32, #tpu.memory_space<vmem>>) semaphore(%arg16 : memref<!tpu.dma_semaphore, #tpu.memory_space<semaphore_mem>>)
        %mul3A_883 = arith.constant 8 : i32
        %mul3A_884 = arith.muli %add3A_856, %mul3A_883 : i32
        %add3A_885 = arith.constant 2 : i32
        %add3A_886 = arith.addi %mul3A_884, %add3A_885 : i32
        %dma_start3A_887 = arith.constant 256 : i32
        %dma_start3A_888 = arith.constant 0 : i32
        %dma_start3A_889 = tpu.memref_slice %arg12[%dma_start3A_887, %dma_start3A_888] : memref<1024x32xbf16, #tpu.memory_space<vmem>> -> memref<128x32xbf16, #tpu.memory_space<vmem>>
        %dma_start3A_890 = arith.constant 0 : i32
        %dma_start3A_891 = tpu.memref_slice %arg9[%add3A_886, %dma_start3A_890] : memref<128x128xi32, #tpu.memory_space<vmem>> -> memref<1x128xi32, #tpu.memory_space<vmem>>
        %dma_start3A_892 = tpu.memref_squeeze %dma_start3A_891 : memref<1x128xi32, #tpu.memory_space<vmem>> -> memref<128xi32, #tpu.memory_space<vmem>>
        %dma_start3A_893 = arith.constant 0 : i32
        %dma_start3A_894 = arith.constant 0 : i32
        %dma_start3A_895 = tpu.memref_slice %arg2[%dma_start3A_893, %dma_start3A_894] : memref<32768x32xbf16, #tpu.memory_space<hbm>> -> memref<32768x32xbf16, #tpu.memory_space<hbm>>
        tpu.enqueue_indirect_dma source(%dma_start3A_895 : memref<32768x32xbf16, #tpu.memory_space<hbm>>) target(%dma_start3A_889 : memref<128x32xbf16, #tpu.memory_space<vmem>>) offsets(%dma_start3A_892 : memref<128xi32, #tpu.memory_space<vmem>>) semaphore(%arg16 : memref<!tpu.dma_semaphore, #tpu.memory_space<semaphore_mem>>)
        %mul3A_896 = arith.constant 8 : i32
        %mul3A_897 = arith.muli %add3A_856, %mul3A_896 : i32
        %add3A_898 = arith.constant 3 : i32
        %add3A_899 = arith.addi %mul3A_897, %add3A_898 : i32
        %dma_start3A_900 = arith.constant 384 : i32
        %dma_start3A_901 = arith.constant 0 : i32
        %dma_start3A_902 = tpu.memref_slice %arg12[%dma_start3A_900, %dma_start3A_901] : memref<1024x32xbf16, #tpu.memory_space<vmem>> -> memref<128x32xbf16, #tpu.memory_space<vmem>>
        %dma_start3A_903 = arith.constant 0 : i32
        %dma_start3A_904 = tpu.memref_slice %arg9[%add3A_899, %dma_start3A_903] : memref<128x128xi32, #tpu.memory_space<vmem>> -> memref<1x128xi32, #tpu.memory_space<vmem>>
        %dma_start3A_905 = tpu.memref_squeeze %dma_start3A_904 : memref<1x128xi32, #tpu.memory_space<vmem>> -> memref<128xi32, #tpu.memory_space<vmem>>
        %dma_start3A_906 = arith.constant 0 : i32
        %dma_start3A_907 = arith.constant 0 : i32
        %dma_start3A_908 = tpu.memref_slice %arg2[%dma_start3A_906, %dma_start3A_907] : memref<32768x32xbf16, #tpu.memory_space<hbm>> -> memref<32768x32xbf16, #tpu.memory_space<hbm>>
        tpu.enqueue_indirect_dma source(%dma_start3A_908 : memref<32768x32xbf16, #tpu.memory_space<hbm>>) target(%dma_start3A_902 : memref<128x32xbf16, #tpu.memory_space<vmem>>) offsets(%dma_start3A_905 : memref<128xi32, #tpu.memory_space<vmem>>) semaphore(%arg16 : memref<!tpu.dma_semaphore, #tpu.memory_space<semaphore_mem>>)
        %mul3A_909 = arith.constant 8 : i32
        %mul3A_910 = arith.muli %add3A_856, %mul3A_909 : i32
        %add3A_911 = arith.constant 4 : i32
        %add3A_912 = arith.addi %mul3A_910, %add3A_911 : i32
        %dma_start3A_913 = arith.constant 512 : i32
        %dma_start3A_914 = arith.constant 0 : i32
        %dma_start3A_915 = tpu.memref_slice %arg12[%dma_start3A_913, %dma_start3A_914] : memref<1024x32xbf16, #tpu.memory_space<vmem>> -> memref<128x32xbf16, #tpu.memory_space<vmem>>
        %dma_start3A_916 = arith.constant 0 : i32
        %dma_start3A_917 = tpu.memref_slice %arg9[%add3A_912, %dma_start3A_916] : memref<128x128xi32, #tpu.memory_space<vmem>> -> memref<1x128xi32, #tpu.memory_space<vmem>>
        %dma_start3A_918 = tpu.memref_squeeze %dma_start3A_917 : memref<1x128xi32, #tpu.memory_space<vmem>> -> memref<128xi32, #tpu.memory_space<vmem>>
        %dma_start3A_919 = arith.constant 0 : i32
        %dma_start3A_920 = arith.constant 0 : i32
        %dma_start3A_921 = tpu.memref_slice %arg2[%dma_start3A_919, %dma_start3A_920] : memref<32768x32xbf16, #tpu.memory_space<hbm>> -> memref<32768x32xbf16, #tpu.memory_space<hbm>>
        tpu.enqueue_indirect_dma source(%dma_start3A_921 : memref<32768x32xbf16, #tpu.memory_space<hbm>>) target(%dma_start3A_915 : memref<128x32xbf16, #tpu.memory_space<vmem>>) offsets(%dma_start3A_918 : memref<128xi32, #tpu.memory_space<vmem>>) semaphore(%arg16 : memref<!tpu.dma_semaphore, #tpu.memory_space<semaphore_mem>>)
        %mul3A_922 = arith.constant 8 : i32
        %mul3A_923 = arith.muli %add3A_856, %mul3A_922 : i32
        %add3A_924 = arith.constant 5 : i32
        %add3A_925 = arith.addi %mul3A_923, %add3A_924 : i32
        %dma_start3A_926 = arith.constant 640 : i32
        %dma_start3A_927 = arith.constant 0 : i32
        %dma_start3A_928 = tpu.memref_slice %arg12[%dma_start3A_926, %dma_start3A_927] : memref<1024x32xbf16, #tpu.memory_space<vmem>> -> memref<128x32xbf16, #tpu.memory_space<vmem>>
        %dma_start3A_929 = arith.constant 0 : i32
        %dma_start3A_930 = tpu.memref_slice %arg9[%add3A_925, %dma_start3A_929] : memref<128x128xi32, #tpu.memory_space<vmem>> -> memref<1x128xi32, #tpu.memory_space<vmem>>
        %dma_start3A_931 = tpu.memref_squeeze %dma_start3A_930 : memref<1x128xi32, #tpu.memory_space<vmem>> -> memref<128xi32, #tpu.memory_space<vmem>>
        %dma_start3A_932 = arith.constant 0 : i32
        %dma_start3A_933 = arith.constant 0 : i32
        %dma_start3A_934 = tpu.memref_slice %arg2[%dma_start3A_932, %dma_start3A_933] : memref<32768x32xbf16, #tpu.memory_space<hbm>> -> memref<32768x32xbf16, #tpu.memory_space<hbm>>
        tpu.enqueue_indirect_dma source(%dma_start3A_934 : memref<32768x32xbf16, #tpu.memory_space<hbm>>) target(%dma_start3A_928 : memref<128x32xbf16, #tpu.memory_space<vmem>>) offsets(%dma_start3A_931 : memref<128xi32, #tpu.memory_space<vmem>>) semaphore(%arg16 : memref<!tpu.dma_semaphore, #tpu.memory_space<semaphore_mem>>)
        %mul3A_935 = arith.constant 8 : i32
        %mul3A_936 = arith.muli %add3A_856, %mul3A_935 : i32
        %add3A_937 = arith.constant 6 : i32
        %add3A_938 = arith.addi %mul3A_936, %add3A_937 : i32
        %dma_start3A_939 = arith.constant 768 : i32
        %dma_start3A_940 = arith.constant 0 : i32
        %dma_start3A_941 = tpu.memref_slice %arg12[%dma_start3A_939, %dma_start3A_940] : memref<1024x32xbf16, #tpu.memory_space<vmem>> -> memref<128x32xbf16, #tpu.memory_space<vmem>>
        %dma_start3A_942 = arith.constant 0 : i32
        %dma_start3A_943 = tpu.memref_slice %arg9[%add3A_938, %dma_start3A_942] : memref<128x128xi32, #tpu.memory_space<vmem>> -> memref<1x128xi32, #tpu.memory_space<vmem>>
        %dma_start3A_944 = tpu.memref_squeeze %dma_start3A_943 : memref<1x128xi32, #tpu.memory_space<vmem>> -> memref<128xi32, #tpu.memory_space<vmem>>
        %dma_start3A_945 = arith.constant 0 : i32
        %dma_start3A_946 = arith.constant 0 : i32
        %dma_start3A_947 = tpu.memref_slice %arg2[%dma_start3A_945, %dma_start3A_946] : memref<32768x32xbf16, #tpu.memory_space<hbm>> -> memref<32768x32xbf16, #tpu.memory_space<hbm>>
        tpu.enqueue_indirect_dma source(%dma_start3A_947 : memref<32768x32xbf16, #tpu.memory_space<hbm>>) target(%dma_start3A_941 : memref<128x32xbf16, #tpu.memory_space<vmem>>) offsets(%dma_start3A_944 : memref<128xi32, #tpu.memory_space<vmem>>) semaphore(%arg16 : memref<!tpu.dma_semaphore, #tpu.memory_space<semaphore_mem>>)
        %mul3A_948 = arith.constant 8 : i32
        %mul3A_949 = arith.muli %add3A_856, %mul3A_948 : i32
        %add3A_950 = arith.constant 7 : i32
        %add3A_951 = arith.addi %mul3A_949, %add3A_950 : i32
        %dma_start3A_952 = arith.constant 896 : i32
        %dma_start3A_953 = arith.constant 0 : i32
        %dma_start3A_954 = tpu.memref_slice %arg12[%dma_start3A_952, %dma_start3A_953] : memref<1024x32xbf16, #tpu.memory_space<vmem>> -> memref<128x32xbf16, #tpu.memory_space<vmem>>
        %dma_start3A_955 = arith.constant 0 : i32
        %dma_start3A_956 = tpu.memref_slice %arg9[%add3A_951, %dma_start3A_955] : memref<128x128xi32, #tpu.memory_space<vmem>> -> memref<1x128xi32, #tpu.memory_space<vmem>>
        %dma_start3A_957 = tpu.memref_squeeze %dma_start3A_956 : memref<1x128xi32, #tpu.memory_space<vmem>> -> memref<128xi32, #tpu.memory_space<vmem>>
        %dma_start3A_958 = arith.constant 0 : i32
        %dma_start3A_959 = arith.constant 0 : i32
        %dma_start3A_960 = tpu.memref_slice %arg2[%dma_start3A_958, %dma_start3A_959] : memref<32768x32xbf16, #tpu.memory_space<hbm>> -> memref<32768x32xbf16, #tpu.memory_space<hbm>>
        tpu.enqueue_indirect_dma source(%dma_start3A_960 : memref<32768x32xbf16, #tpu.memory_space<hbm>>) target(%dma_start3A_954 : memref<128x32xbf16, #tpu.memory_space<vmem>>) offsets(%dma_start3A_957 : memref<128xi32, #tpu.memory_space<vmem>>) semaphore(%arg16 : memref<!tpu.dma_semaphore, #tpu.memory_space<semaphore_mem>>)
      } else {
      }
      %add3A_749 = arith.constant 1 : i32
      %add3A_750 = arith.addi %add3A_202, %add3A_749 : i32
      %mul3A_751 = arith.constant 8 : i32
      %mul3A_752 = arith.muli %add3A_750, %mul3A_751 : i32
      %add3A_753 = arith.constant 0 : i32
      %add3A_754 = arith.addi %mul3A_752, %add3A_753 : i32
      %dma_start3A_755 = arith.constant 0 : i32
      %dma_start3A_756 = arith.constant 0 : i32
      %dma_start3A_757 = tpu.memref_slice %arg13[%dma_start3A_755, %dma_start3A_756] : memref<1024x32xbf16, #tpu.memory_space<vmem>> -> memref<128x32xbf16, #tpu.memory_space<vmem>>
      %dma_start3A_758 = arith.constant 0 : i32
      %dma_start3A_759 = tpu.memref_slice %arg10[%add3A_754, %dma_start3A_758] : memref<128x128xi32, #tpu.memory_space<vmem>> -> memref<1x128xi32, #tpu.memory_space<vmem>>
      %dma_start3A_760 = tpu.memref_squeeze %dma_start3A_759 : memref<1x128xi32, #tpu.memory_space<vmem>> -> memref<128xi32, #tpu.memory_space<vmem>>
      %dma_start3A_761 = arith.constant 0 : i32
      %dma_start3A_762 = arith.constant 0 : i32
      %dma_start3A_763 = tpu.memref_slice %arg8[%dma_start3A_761, %dma_start3A_762] : memref<16384x32xbf16, #tpu.memory_space<vmem_shared>> -> memref<16384x32xbf16, #tpu.memory_space<vmem_shared>>
      tpu.enqueue_indirect_dma source(%dma_start3A_757 : memref<128x32xbf16, #tpu.memory_space<vmem>>) target(%dma_start3A_763 : memref<16384x32xbf16, #tpu.memory_space<vmem_shared>>) offsets(%dma_start3A_760 : memref<128xi32, #tpu.memory_space<vmem>>) semaphore(%arg19 : memref<!tpu.dma_semaphore, #tpu.memory_space<semaphore_mem>>) {add = true}
      %mul3A_764 = arith.constant 8 : i32
      %mul3A_765 = arith.muli %add3A_750, %mul3A_764 : i32
      %add3A_766 = arith.constant 1 : i32
      %add3A_767 = arith.addi %mul3A_765, %add3A_766 : i32
      %dma_start3A_768 = arith.constant 128 : i32
      %dma_start3A_769 = arith.constant 0 : i32
      %dma_start3A_770 = tpu.memref_slice %arg13[%dma_start3A_768, %dma_start3A_769] : memref<1024x32xbf16, #tpu.memory_space<vmem>> -> memref<128x32xbf16, #tpu.memory_space<vmem>>
      %dma_start3A_771 = arith.constant 0 : i32
      %dma_start3A_772 = tpu.memref_slice %arg10[%add3A_767, %dma_start3A_771] : memref<128x128xi32, #tpu.memory_space<vmem>> -> memref<1x128xi32, #tpu.memory_space<vmem>>
      %dma_start3A_773 = tpu.memref_squeeze %dma_start3A_772 : memref<1x128xi32, #tpu.memory_space<vmem>> -> memref<128xi32, #tpu.memory_space<vmem>>
      %dma_start3A_774 = arith.constant 0 : i32
      %dma_start3A_775 = arith.constant 0 : i32
      %dma_start3A_776 = tpu.memref_slice %arg8[%dma_start3A_774, %dma_start3A_775] : memref<16384x32xbf16, #tpu.memory_space<vmem_shared>> -> memref<16384x32xbf16, #tpu.memory_space<vmem_shared>>
      tpu.enqueue_indirect_dma source(%dma_start3A_770 : memref<128x32xbf16, #tpu.memory_space<vmem>>) target(%dma_start3A_776 : memref<16384x32xbf16, #tpu.memory_space<vmem_shared>>) offsets(%dma_start3A_773 : memref<128xi32, #tpu.memory_space<vmem>>) semaphore(%arg19 : memref<!tpu.dma_semaphore, #tpu.memory_space<semaphore_mem>>) {add = true}
      %mul3A_777 = arith.constant 8 : i32
      %mul3A_778 = arith.muli %add3A_750, %mul3A_777 : i32
      %add3A_779 = arith.constant 2 : i32
      %add3A_780 = arith.addi %mul3A_778, %add3A_779 : i32
      %dma_start3A_781 = arith.constant 256 : i32
      %dma_start3A_782 = arith.constant 0 : i32
      %dma_start3A_783 = tpu.memref_slice %arg13[%dma_start3A_781, %dma_start3A_782] : memref<1024x32xbf16, #tpu.memory_space<vmem>> -> memref<128x32xbf16, #tpu.memory_space<vmem>>
      %dma_start3A_784 = arith.constant 0 : i32
      %dma_start3A_785 = tpu.memref_slice %arg10[%add3A_780, %dma_start3A_784] : memref<128x128xi32, #tpu.memory_space<vmem>> -> memref<1x128xi32, #tpu.memory_space<vmem>>
      %dma_start3A_786 = tpu.memref_squeeze %dma_start3A_785 : memref<1x128xi32, #tpu.memory_space<vmem>> -> memref<128xi32, #tpu.memory_space<vmem>>
      %dma_start3A_787 = arith.constant 0 : i32
      %dma_start3A_788 = arith.constant 0 : i32
      %dma_start3A_789 = tpu.memref_slice %arg8[%dma_start3A_787, %dma_start3A_788] : memref<16384x32xbf16, #tpu.memory_space<vmem_shared>> -> memref<16384x32xbf16, #tpu.memory_space<vmem_shared>>
      tpu.enqueue_indirect_dma source(%dma_start3A_783 : memref<128x32xbf16, #tpu.memory_space<vmem>>) target(%dma_start3A_789 : memref<16384x32xbf16, #tpu.memory_space<vmem_shared>>) offsets(%dma_start3A_786 : memref<128xi32, #tpu.memory_space<vmem>>) semaphore(%arg19 : memref<!tpu.dma_semaphore, #tpu.memory_space<semaphore_mem>>) {add = true}
      %mul3A_790 = arith.constant 8 : i32
      %mul3A_791 = arith.muli %add3A_750, %mul3A_790 : i32
      %add3A_792 = arith.constant 3 : i32
      %add3A_793 = arith.addi %mul3A_791, %add3A_792 : i32
      %dma_start3A_794 = arith.constant 384 : i32
      %dma_start3A_795 = arith.constant 0 : i32
      %dma_start3A_796 = tpu.memref_slice %arg13[%dma_start3A_794, %dma_start3A_795] : memref<1024x32xbf16, #tpu.memory_space<vmem>> -> memref<128x32xbf16, #tpu.memory_space<vmem>>
      %dma_start3A_797 = arith.constant 0 : i32
      %dma_start3A_798 = tpu.memref_slice %arg10[%add3A_793, %dma_start3A_797] : memref<128x128xi32, #tpu.memory_space<vmem>> -> memref<1x128xi32, #tpu.memory_space<vmem>>
      %dma_start3A_799 = tpu.memref_squeeze %dma_start3A_798 : memref<1x128xi32, #tpu.memory_space<vmem>> -> memref<128xi32, #tpu.memory_space<vmem>>
      %dma_start3A_800 = arith.constant 0 : i32
      %dma_start3A_801 = arith.constant 0 : i32
      %dma_start3A_802 = tpu.memref_slice %arg8[%dma_start3A_800, %dma_start3A_801] : memref<16384x32xbf16, #tpu.memory_space<vmem_shared>> -> memref<16384x32xbf16, #tpu.memory_space<vmem_shared>>
      tpu.enqueue_indirect_dma source(%dma_start3A_796 : memref<128x32xbf16, #tpu.memory_space<vmem>>) target(%dma_start3A_802 : memref<16384x32xbf16, #tpu.memory_space<vmem_shared>>) offsets(%dma_start3A_799 : memref<128xi32, #tpu.memory_space<vmem>>) semaphore(%arg19 : memref<!tpu.dma_semaphore, #tpu.memory_space<semaphore_mem>>) {add = true}
      %mul3A_803 = arith.constant 8 : i32
      %mul3A_804 = arith.muli %add3A_750, %mul3A_803 : i32
      %add3A_805 = arith.constant 4 : i32
      %add3A_806 = arith.addi %mul3A_804, %add3A_805 : i32
      %dma_start3A_807 = arith.constant 512 : i32
      %dma_start3A_808 = arith.constant 0 : i32
      %dma_start3A_809 = tpu.memref_slice %arg13[%dma_start3A_807, %dma_start3A_808] : memref<1024x32xbf16, #tpu.memory_space<vmem>> -> memref<128x32xbf16, #tpu.memory_space<vmem>>
      %dma_start3A_810 = arith.constant 0 : i32
      %dma_start3A_811 = tpu.memref_slice %arg10[%add3A_806, %dma_start3A_810] : memref<128x128xi32, #tpu.memory_space<vmem>> -> memref<1x128xi32, #tpu.memory_space<vmem>>
      %dma_start3A_812 = tpu.memref_squeeze %dma_start3A_811 : memref<1x128xi32, #tpu.memory_space<vmem>> -> memref<128xi32, #tpu.memory_space<vmem>>
      %dma_start3A_813 = arith.constant 0 : i32
      %dma_start3A_814 = arith.constant 0 : i32
      %dma_start3A_815 = tpu.memref_slice %arg8[%dma_start3A_813, %dma_start3A_814] : memref<16384x32xbf16, #tpu.memory_space<vmem_shared>> -> memref<16384x32xbf16, #tpu.memory_space<vmem_shared>>
      tpu.enqueue_indirect_dma source(%dma_start3A_809 : memref<128x32xbf16, #tpu.memory_space<vmem>>) target(%dma_start3A_815 : memref<16384x32xbf16, #tpu.memory_space<vmem_shared>>) offsets(%dma_start3A_812 : memref<128xi32, #tpu.memory_space<vmem>>) semaphore(%arg19 : memref<!tpu.dma_semaphore, #tpu.memory_space<semaphore_mem>>) {add = true}
      %mul3A_816 = arith.constant 8 : i32
      %mul3A_817 = arith.muli %add3A_750, %mul3A_816 : i32
      %add3A_818 = arith.constant 5 : i32
      %add3A_819 = arith.addi %mul3A_817, %add3A_818 : i32
      %dma_start3A_820 = arith.constant 640 : i32
      %dma_start3A_821 = arith.constant 0 : i32
      %dma_start3A_822 = tpu.memref_slice %arg13[%dma_start3A_820, %dma_start3A_821] : memref<1024x32xbf16, #tpu.memory_space<vmem>> -> memref<128x32xbf16, #tpu.memory_space<vmem>>
      %dma_start3A_823 = arith.constant 0 : i32
      %dma_start3A_824 = tpu.memref_slice %arg10[%add3A_819, %dma_start3A_823] : memref<128x128xi32, #tpu.memory_space<vmem>> -> memref<1x128xi32, #tpu.memory_space<vmem>>
      %dma_start3A_825 = tpu.memref_squeeze %dma_start3A_824 : memref<1x128xi32, #tpu.memory_space<vmem>> -> memref<128xi32, #tpu.memory_space<vmem>>
      %dma_start3A_826 = arith.constant 0 : i32
      %dma_start3A_827 = arith.constant 0 : i32
      %dma_start3A_828 = tpu.memref_slice %arg8[%dma_start3A_826, %dma_start3A_827] : memref<16384x32xbf16, #tpu.memory_space<vmem_shared>> -> memref<16384x32xbf16, #tpu.memory_space<vmem_shared>>
      tpu.enqueue_indirect_dma source(%dma_start3A_822 : memref<128x32xbf16, #tpu.memory_space<vmem>>) target(%dma_start3A_828 : memref<16384x32xbf16, #tpu.memory_space<vmem_shared>>) offsets(%dma_start3A_825 : memref<128xi32, #tpu.memory_space<vmem>>) semaphore(%arg19 : memref<!tpu.dma_semaphore, #tpu.memory_space<semaphore_mem>>) {add = true}
      %mul3A_829 = arith.constant 8 : i32
      %mul3A_830 = arith.muli %add3A_750, %mul3A_829 : i32
      %add3A_831 = arith.constant 6 : i32
      %add3A_832 = arith.addi %mul3A_830, %add3A_831 : i32
      %dma_start3A_833 = arith.constant 768 : i32
      %dma_start3A_834 = arith.constant 0 : i32
      %dma_start3A_835 = tpu.memref_slice %arg13[%dma_start3A_833, %dma_start3A_834] : memref<1024x32xbf16, #tpu.memory_space<vmem>> -> memref<128x32xbf16, #tpu.memory_space<vmem>>
      %dma_start3A_836 = arith.constant 0 : i32
      %dma_start3A_837 = tpu.memref_slice %arg10[%add3A_832, %dma_start3A_836] : memref<128x128xi32, #tpu.memory_space<vmem>> -> memref<1x128xi32, #tpu.memory_space<vmem>>
      %dma_start3A_838 = tpu.memref_squeeze %dma_start3A_837 : memref<1x128xi32, #tpu.memory_space<vmem>> -> memref<128xi32, #tpu.memory_space<vmem>>
      %dma_start3A_839 = arith.constant 0 : i32
      %dma_start3A_840 = arith.constant 0 : i32
      %dma_start3A_841 = tpu.memref_slice %arg8[%dma_start3A_839, %dma_start3A_840] : memref<16384x32xbf16, #tpu.memory_space<vmem_shared>> -> memref<16384x32xbf16, #tpu.memory_space<vmem_shared>>
      tpu.enqueue_indirect_dma source(%dma_start3A_835 : memref<128x32xbf16, #tpu.memory_space<vmem>>) target(%dma_start3A_841 : memref<16384x32xbf16, #tpu.memory_space<vmem_shared>>) offsets(%dma_start3A_838 : memref<128xi32, #tpu.memory_space<vmem>>) semaphore(%arg19 : memref<!tpu.dma_semaphore, #tpu.memory_space<semaphore_mem>>) {add = true}
      %mul3A_842 = arith.constant 8 : i32
      %mul3A_843 = arith.muli %add3A_750, %mul3A_842 : i32
      %add3A_844 = arith.constant 7 : i32
      %add3A_845 = arith.addi %mul3A_843, %add3A_844 : i32
      %dma_start3A_846 = arith.constant 896 : i32
      %dma_start3A_847 = arith.constant 0 : i32
      %dma_start3A_848 = tpu.memref_slice %arg13[%dma_start3A_846, %dma_start3A_847] : memref<1024x32xbf16, #tpu.memory_space<vmem>> -> memref<128x32xbf16, #tpu.memory_space<vmem>>
      %dma_start3A_849 = arith.constant 0 : i32
      %dma_start3A_850 = tpu.memref_slice %arg10[%add3A_845, %dma_start3A_849] : memref<128x128xi32, #tpu.memory_space<vmem>> -> memref<1x128xi32, #tpu.memory_space<vmem>>
      %dma_start3A_851 = tpu.memref_squeeze %dma_start3A_850 : memref<1x128xi32, #tpu.memory_space<vmem>> -> memref<128xi32, #tpu.memory_space<vmem>>
      %dma_start3A_852 = arith.constant 0 : i32
      %dma_start3A_853 = arith.constant 0 : i32
      %dma_start3A_854 = tpu.memref_slice %arg8[%dma_start3A_852, %dma_start3A_853] : memref<16384x32xbf16, #tpu.memory_space<vmem_shared>> -> memref<16384x32xbf16, #tpu.memory_space<vmem_shared>>
      tpu.enqueue_indirect_dma source(%dma_start3A_848 : memref<128x32xbf16, #tpu.memory_space<vmem>>) target(%dma_start3A_854 : memref<16384x32xbf16, #tpu.memory_space<vmem_shared>>) offsets(%dma_start3A_851 : memref<128xi32, #tpu.memory_space<vmem>>) semaphore(%arg19 : memref<!tpu.dma_semaphore, #tpu.memory_space<semaphore_mem>>) {add = true}
    }
    %scan3A_116 = arith.constant 8 : i32
    %dma_wait3A_117 = arith.constant 120 : i32
    %dma_wait3A_118 = arith.constant 0 : i32
    %dma_wait3A_119 = arith.constant 0 : i32
    %dma_wait3A_120 = tpu.memref_slice %arg13[%dma_wait3A_118, %dma_wait3A_119] : memref<1024x32xbf16, #tpu.memory_space<vmem>> -> memref<128x32xbf16, #tpu.memory_space<vmem>>
    %dma_wait3A_121 = arith.constant 0 : i32
    %dma_wait3A_122 = tpu.memref_slice %arg10[%dma_wait3A_117, %dma_wait3A_121] : memref<128x128xi32, #tpu.memory_space<vmem>> -> memref<1x128xi32, #tpu.memory_space<vmem>>
    %dma_wait3A_123 = tpu.memref_squeeze %dma_wait3A_122 : memref<1x128xi32, #tpu.memory_space<vmem>> -> memref<128xi32, #tpu.memory_space<vmem>>
    %dma_wait3A_124 = arith.constant 0 : i32
    %dma_wait3A_125 = arith.constant 0 : i32
    %dma_wait3A_126 = tpu.memref_slice %arg8[%dma_wait3A_124, %dma_wait3A_125] : memref<16384x32xbf16, #tpu.memory_space<vmem_shared>> -> memref<16384x32xbf16, #tpu.memory_space<vmem_shared>>
    tpu.wait_indirect_dma semaphore(%arg19 : memref<!tpu.dma_semaphore, #tpu.memory_space<semaphore_mem>>) src(%dma_wait3A_120 : memref<128x32xbf16, #tpu.memory_space<vmem>>) dst(%dma_wait3A_126 : memref<16384x32xbf16, #tpu.memory_space<vmem_shared>>)
    %dma_wait3A_127 = arith.constant 121 : i32
    %dma_wait3A_128 = arith.constant 128 : i32
    %dma_wait3A_129 = arith.constant 0 : i32
    %dma_wait3A_130 = tpu.memref_slice %arg13[%dma_wait3A_128, %dma_wait3A_129] : memref<1024x32xbf16, #tpu.memory_space<vmem>> -> memref<128x32xbf16, #tpu.memory_space<vmem>>
    %dma_wait3A_131 = arith.constant 0 : i32
    %dma_wait3A_132 = tpu.memref_slice %arg10[%dma_wait3A_127, %dma_wait3A_131] : memref<128x128xi32, #tpu.memory_space<vmem>> -> memref<1x128xi32, #tpu.memory_space<vmem>>
    %dma_wait3A_133 = tpu.memref_squeeze %dma_wait3A_132 : memref<1x128xi32, #tpu.memory_space<vmem>> -> memref<128xi32, #tpu.memory_space<vmem>>
    %dma_wait3A_134 = arith.constant 0 : i32
    %dma_wait3A_135 = arith.constant 0 : i32
    %dma_wait3A_136 = tpu.memref_slice %arg8[%dma_wait3A_134, %dma_wait3A_135] : memref<16384x32xbf16, #tpu.memory_space<vmem_shared>> -> memref<16384x32xbf16, #tpu.memory_space<vmem_shared>>
    tpu.wait_indirect_dma semaphore(%arg19 : memref<!tpu.dma_semaphore, #tpu.memory_space<semaphore_mem>>) src(%dma_wait3A_130 : memref<128x32xbf16, #tpu.memory_space<vmem>>) dst(%dma_wait3A_136 : memref<16384x32xbf16, #tpu.memory_space<vmem_shared>>)
    %dma_wait3A_137 = arith.constant 122 : i32
    %dma_wait3A_138 = arith.constant 256 : i32
    %dma_wait3A_139 = arith.constant 0 : i32
    %dma_wait3A_140 = tpu.memref_slice %arg13[%dma_wait3A_138, %dma_wait3A_139] : memref<1024x32xbf16, #tpu.memory_space<vmem>> -> memref<128x32xbf16, #tpu.memory_space<vmem>>
    %dma_wait3A_141 = arith.constant 0 : i32
    %dma_wait3A_142 = tpu.memref_slice %arg10[%dma_wait3A_137, %dma_wait3A_141] : memref<128x128xi32, #tpu.memory_space<vmem>> -> memref<1x128xi32, #tpu.memory_space<vmem>>
    %dma_wait3A_143 = tpu.memref_squeeze %dma_wait3A_142 : memref<1x128xi32, #tpu.memory_space<vmem>> -> memref<128xi32, #tpu.memory_space<vmem>>
    %dma_wait3A_144 = arith.constant 0 : i32
    %dma_wait3A_145 = arith.constant 0 : i32
    %dma_wait3A_146 = tpu.memref_slice %arg8[%dma_wait3A_144, %dma_wait3A_145] : memref<16384x32xbf16, #tpu.memory_space<vmem_shared>> -> memref<16384x32xbf16, #tpu.memory_space<vmem_shared>>
    tpu.wait_indirect_dma semaphore(%arg19 : memref<!tpu.dma_semaphore, #tpu.memory_space<semaphore_mem>>) src(%dma_wait3A_140 : memref<128x32xbf16, #tpu.memory_space<vmem>>) dst(%dma_wait3A_146 : memref<16384x32xbf16, #tpu.memory_space<vmem_shared>>)
    %dma_wait3A_147 = arith.constant 123 : i32
    %dma_wait3A_148 = arith.constant 384 : i32
    %dma_wait3A_149 = arith.constant 0 : i32
    %dma_wait3A_150 = tpu.memref_slice %arg13[%dma_wait3A_148, %dma_wait3A_149] : memref<1024x32xbf16, #tpu.memory_space<vmem>> -> memref<128x32xbf16, #tpu.memory_space<vmem>>
    %dma_wait3A_151 = arith.constant 0 : i32
    %dma_wait3A_152 = tpu.memref_slice %arg10[%dma_wait3A_147, %dma_wait3A_151] : memref<128x128xi32, #tpu.memory_space<vmem>> -> memref<1x128xi32, #tpu.memory_space<vmem>>
    %dma_wait3A_153 = tpu.memref_squeeze %dma_wait3A_152 : memref<1x128xi32, #tpu.memory_space<vmem>> -> memref<128xi32, #tpu.memory_space<vmem>>
    %dma_wait3A_154 = arith.constant 0 : i32
    %dma_wait3A_155 = arith.constant 0 : i32
    %dma_wait3A_156 = tpu.memref_slice %arg8[%dma_wait3A_154, %dma_wait3A_155] : memref<16384x32xbf16, #tpu.memory_space<vmem_shared>> -> memref<16384x32xbf16, #tpu.memory_space<vmem_shared>>
    tpu.wait_indirect_dma semaphore(%arg19 : memref<!tpu.dma_semaphore, #tpu.memory_space<semaphore_mem>>) src(%dma_wait3A_150 : memref<128x32xbf16, #tpu.memory_space<vmem>>) dst(%dma_wait3A_156 : memref<16384x32xbf16, #tpu.memory_space<vmem_shared>>)
    %dma_wait3A_157 = arith.constant 124 : i32
    %dma_wait3A_158 = arith.constant 512 : i32
    %dma_wait3A_159 = arith.constant 0 : i32
    %dma_wait3A_160 = tpu.memref_slice %arg13[%dma_wait3A_158, %dma_wait3A_159] : memref<1024x32xbf16, #tpu.memory_space<vmem>> -> memref<128x32xbf16, #tpu.memory_space<vmem>>
    %dma_wait3A_161 = arith.constant 0 : i32
    %dma_wait3A_162 = tpu.memref_slice %arg10[%dma_wait3A_157, %dma_wait3A_161] : memref<128x128xi32, #tpu.memory_space<vmem>> -> memref<1x128xi32, #tpu.memory_space<vmem>>
    %dma_wait3A_163 = tpu.memref_squeeze %dma_wait3A_162 : memref<1x128xi32, #tpu.memory_space<vmem>> -> memref<128xi32, #tpu.memory_space<vmem>>
    %dma_wait3A_164 = arith.constant 0 : i32
    %dma_wait3A_165 = arith.constant 0 : i32
    %dma_wait3A_166 = tpu.memref_slice %arg8[%dma_wait3A_164, %dma_wait3A_165] : memref<16384x32xbf16, #tpu.memory_space<vmem_shared>> -> memref<16384x32xbf16, #tpu.memory_space<vmem_shared>>
    tpu.wait_indirect_dma semaphore(%arg19 : memref<!tpu.dma_semaphore, #tpu.memory_space<semaphore_mem>>) src(%dma_wait3A_160 : memref<128x32xbf16, #tpu.memory_space<vmem>>) dst(%dma_wait3A_166 : memref<16384x32xbf16, #tpu.memory_space<vmem_shared>>)
    %dma_wait3A_167 = arith.constant 125 : i32
    %dma_wait3A_168 = arith.constant 640 : i32
    %dma_wait3A_169 = arith.constant 0 : i32
    %dma_wait3A_170 = tpu.memref_slice %arg13[%dma_wait3A_168, %dma_wait3A_169] : memref<1024x32xbf16, #tpu.memory_space<vmem>> -> memref<128x32xbf16, #tpu.memory_space<vmem>>
    %dma_wait3A_171 = arith.constant 0 : i32
    %dma_wait3A_172 = tpu.memref_slice %arg10[%dma_wait3A_167, %dma_wait3A_171] : memref<128x128xi32, #tpu.memory_space<vmem>> -> memref<1x128xi32, #tpu.memory_space<vmem>>
    %dma_wait3A_173 = tpu.memref_squeeze %dma_wait3A_172 : memref<1x128xi32, #tpu.memory_space<vmem>> -> memref<128xi32, #tpu.memory_space<vmem>>
    %dma_wait3A_174 = arith.constant 0 : i32
    %dma_wait3A_175 = arith.constant 0 : i32
    %dma_wait3A_176 = tpu.memref_slice %arg8[%dma_wait3A_174, %dma_wait3A_175] : memref<16384x32xbf16, #tpu.memory_space<vmem_shared>> -> memref<16384x32xbf16, #tpu.memory_space<vmem_shared>>
    tpu.wait_indirect_dma semaphore(%arg19 : memref<!tpu.dma_semaphore, #tpu.memory_space<semaphore_mem>>) src(%dma_wait3A_170 : memref<128x32xbf16, #tpu.memory_space<vmem>>) dst(%dma_wait3A_176 : memref<16384x32xbf16, #tpu.memory_space<vmem_shared>>)
    %dma_wait3A_177 = arith.constant 126 : i32
    %dma_wait3A_178 = arith.constant 768 : i32
    %dma_wait3A_179 = arith.constant 0 : i32
    %dma_wait3A_180 = tpu.memref_slice %arg13[%dma_wait3A_178, %dma_wait3A_179] : memref<1024x32xbf16, #tpu.memory_space<vmem>> -> memref<128x32xbf16, #tpu.memory_space<vmem>>
    %dma_wait3A_181 = arith.constant 0 : i32
    %dma_wait3A_182 = tpu.memref_slice %arg10[%dma_wait3A_177, %dma_wait3A_181] : memref<128x128xi32, #tpu.memory_space<vmem>> -> memref<1x128xi32, #tpu.memory_space<vmem>>
    %dma_wait3A_183 = tpu.memref_squeeze %dma_wait3A_182 : memref<1x128xi32, #tpu.memory_space<vmem>> -> memref<128xi32, #tpu.memory_space<vmem>>
    %dma_wait3A_184 = arith.constant 0 : i32
    %dma_wait3A_185 = arith.constant 0 : i32
    %dma_wait3A_186 = tpu.memref_slice %arg8[%dma_wait3A_184, %dma_wait3A_185] : memref<16384x32xbf16, #tpu.memory_space<vmem_shared>> -> memref<16384x32xbf16, #tpu.memory_space<vmem_shared>>
    tpu.wait_indirect_dma semaphore(%arg19 : memref<!tpu.dma_semaphore, #tpu.memory_space<semaphore_mem>>) src(%dma_wait3A_180 : memref<128x32xbf16, #tpu.memory_space<vmem>>) dst(%dma_wait3A_186 : memref<16384x32xbf16, #tpu.memory_space<vmem_shared>>)
    %dma_wait3A_187 = arith.constant 127 : i32
    %dma_wait3A_188 = arith.constant 896 : i32
    %dma_wait3A_189 = arith.constant 0 : i32
    %dma_wait3A_190 = tpu.memref_slice %arg13[%dma_wait3A_188, %dma_wait3A_189] : memref<1024x32xbf16, #tpu.memory_space<vmem>> -> memref<128x32xbf16, #tpu.memory_space<vmem>>
    %dma_wait3A_191 = arith.constant 0 : i32
    %dma_wait3A_192 = tpu.memref_slice %arg10[%dma_wait3A_187, %dma_wait3A_191] : memref<128x128xi32, #tpu.memory_space<vmem>> -> memref<1x128xi32, #tpu.memory_space<vmem>>
    %dma_wait3A_193 = tpu.memref_squeeze %dma_wait3A_192 : memref<1x128xi32, #tpu.memory_space<vmem>> -> memref<128xi32, #tpu.memory_space<vmem>>
    %dma_wait3A_194 = arith.constant 0 : i32
    %dma_wait3A_195 = arith.constant 0 : i32
    %dma_wait3A_196 = tpu.memref_slice %arg8[%dma_wait3A_194, %dma_wait3A_195] : memref<16384x32xbf16, #tpu.memory_space<vmem_shared>> -> memref<16384x32xbf16, #tpu.memory_space<vmem_shared>>
    tpu.wait_indirect_dma semaphore(%arg19 : memref<!tpu.dma_semaphore, #tpu.memory_space<semaphore_mem>>) src(%dma_wait3A_190 : memref<128x32xbf16, #tpu.memory_space<vmem>>) dst(%dma_wait3A_196 : memref<16384x32xbf16, #tpu.memory_space<vmem_shared>>)
    %barrier3A_197 = arith.constant 0 : index
    tpu.barrier barrier_id(%barrier3A_197)
    "tpu.region"() ({
      %run_scoped3A = tpu.sem_alloc : memref<!tpu.dma_semaphore, #tpu.memory_space<semaphore_mem>>
      %dma_start3A_198 = arith.constant 0 : i32
      %dma_start3A_199 = tpu.memref_slice %arg7[%arg0, %multiple_of3A_15, %dma_start3A_198] : memref<2x16384x32xbf16, #tpu.memory_space<hbm>> -> memref<1x1024x32xbf16, #tpu.memory_space<hbm>>
      %dma_start3A_200 = tpu.memref_squeeze %dma_start3A_199 : memref<1x1024x32xbf16, #tpu.memory_space<hbm>> -> memref<1024x32xbf16, #tpu.memory_space<hbm>>
      %dma_start3A_201 = arith.constant 0 : i32
      %dma_start3A_202 = tpu.memref_slice %arg8[%multiple_of3A_15, %dma_start3A_201] : memref<16384x32xbf16, #tpu.memory_space<vmem_shared>> -> memref<1024x32xbf16, #tpu.memory_space<vmem_shared>>
      tpu.enqueue_dma source(%dma_start3A_202 : memref<1024x32xbf16, #tpu.memory_space<vmem_shared>>) target(%dma_start3A_200 : memref<1024x32xbf16, #tpu.memory_space<hbm>>) target_semaphore(%run_scoped3A : memref<!tpu.dma_semaphore, #tpu.memory_space<semaphore_mem>>)
      %dma_wait3A_203 = arith.constant 0 : i32
      %dma_wait3A_204 = tpu.memref_slice %arg7[%arg0, %multiple_of3A_15, %dma_wait3A_203] : memref<2x16384x32xbf16, #tpu.memory_space<hbm>> -> memref<1x1024x32xbf16, #tpu.memory_space<hbm>>
      %dma_wait3A_205 = tpu.memref_squeeze %dma_wait3A_204 : memref<1x1024x32xbf16, #tpu.memory_space<hbm>> -> memref<1024x32xbf16, #tpu.memory_space<hbm>>
      %dma_wait3A_206 = arith.constant 0 : i32
      %dma_wait3A_207 = tpu.memref_slice %arg8[%multiple_of3A_15, %dma_wait3A_206] : memref<16384x32xbf16, #tpu.memory_space<vmem_shared>> -> memref<1024x32xbf16, #tpu.memory_space<vmem_shared>>
      tpu.wait_dma2 semaphore(%run_scoped3A : memref<!tpu.dma_semaphore, #tpu.memory_space<semaphore_mem>>) src(%dma_wait3A_207 : memref<1024x32xbf16, #tpu.memory_space<vmem_shared>>) dst(%dma_wait3A_205 : memref<1024x32xbf16, #tpu.memory_space<hbm>>)
      tpu.yield
    }) : () -> ()
    return
  }
}

</mosaic_0001>

<sc_bundles>
// kernel: kernel.3.cloned.1.call-start
scs
__scs_entry_jumppad:
0x0: {  	(pc) =	sbr.rel $0x88, $3  }
0x1: {  	(tag) =	ssettag $0x0;
	lr =	simm.s32 $0x1  }
0x2: {  	[smem:$0x3F9C] =	sst lr;
	_ =	strace $0xD0000000  }
0x3: {  	_ = 	snop  }
0x4: {  	_ = 	snop  }
0x5: {  	_ = 	snop  }
0x6: {  	_ = 	snop  }
0x7: {  	_ = 	snop  }
__scs_overlays_trampoline_lowered:
0x8: {  	[smem:$0x3FAB] =	sst s0  }
0x9: {  	[smem:$0x3FAC] =	sst s1  }
0xa: {  	[smem:$0x3FAD] =	sst s2  }
0xb: {  	[smem:$0x3FAE] =	sst s3  }
0xc: {  	[smem:$0x3FAF] =	sst s4  }
0xd: {  	[smem:$0x3FB0] =	sst s5  }
0xe: {  	[smem:$0x3FB1] =	sst s6  }
0xf: {  	[smem:$0x3FB2] =	sst s7  }
0x10: {  	[smem:$0x3FB3] =	sst s8  }
0x11: {  	[smem:$0x3FB4] =	sst s9;
	s0 =	simm.s32 @!p0 $0x0  }
0x12: {  	s1 =	sld [smem:$0x3F9A];
	s0 =	simm.s32 @p0 $0x1  }
0x13: {  	[smem:$0x3FB5] =	sst s0;
	s0 =	simm.s32 @!p1 $0x0  }
0x14: {  	s2 =	sld [smem:$0x3F99];
	s0 =	simm.s32 @p1 $0x1  }
0x15: {  	[smem:$0x3FB6] =	sst s0;
	s0 =	simm.s32 @!p2 $0x0  }
0x16: {  	s3 =	sld [smem:$0x3FDB];
	s0 =	simm.s32 @p2 $0x1  }
0x17: {  	s4 =	simm.s32 $0x1BF5;
	[smem:$0x3FB8] =	sst s0  }
0x18: {  	s0 =	sld [smem:$0x3F9B];
	_ =	swait.ge [sflag:s4], $0x0  }
0x19: {  	s7 =	sld [smem:$0x3F9C]  }
0x1a: {  	s8 =	sadd.s32 $0xFFFFE003, lr  }
0x1b: {  	s9 =	sadd.s32 $0xFFFFFEF7, lr;
	s5 =	simm.s32 $0xFFFFFFFF;
	p2 =	slt.u32 s8, $0xFFFFF086  }
0x1c: {  	p1 =	slt.u32 s9, $0xF7A;
	s5 =	simm.s32 @!p2 $0x0  }
0x1d: {  	s5 =	simm.s32 @p1 $0x1;
	p0 =	seq.s32 s7, s2  }
0x1e: {  	s7 =	smul.u32 @!p0 $0xF7A, s2;
	p2 =	seq.s32 @!p0 s5, $0x0  }
0x1f: {  	s9 =	smul.u32 $0xF7A, s1;
	s8 =	simm.s32 @!p0 $0x1BF5;
	p2 =	por !p2, p0  }
0x20: {  	[sflag:s8] =	ssyncset.s32 @!p0 $0xFFFFF086;
	s6 =	sadd.s32 @!p0 s3, s7;
	s7 =	simm.s32 @!p0 $0x108  }
0x21: {  	s3 =	sadd.s32 s3, s9;
	s6 =	sadd.s32 @!p0 $0x88, s6;
	s7 =	simm.s32 @p2 $0x1082  }
0x22: {  	[simem:s7], [sflag:s8] =	dma.local @!p0 [hbm:s6], $0xF7A  }
0x23: {  	s9 =	sor.u32 $0xD0000000, s2;
	s6 =	simm.s32 $0x108;
	_ =	swait.ge @!p0 [sflag:s8], $0x0  }
0x24: {  	s3 =	sadd.s32 $0x88, s3;
	s6 =	simm.s32 @!p1 $0x1082;
	[sflag:s4] =	ssyncset.s32 $0xFFFFF086  }
0x25: {  	[simem:s6], [sflag:s4] =	dma.local [hbm:s3], $0xF7A  }
0x26: {  	[smem:$0x3F9C] =	sst s1;
	(tag) =	ssettag s2;
	_ =	strace s9  }
0x27: {  	s1 =	sld [smem:$0x3FAC]  }
0x28: {  	s2 =	sld [smem:$0x3FAD]  }
0x29: {  	s4 =	sld [smem:$0x3FAF]  }
0x2a: {  	p0 =	seq.s32 s5, $0x0;
	s5 =	sld [smem:$0x3FB0]  }
0x2b: {  	s6 =	sld [smem:$0x3FB1]  }
0x2c: {  	s7 =	sld [smem:$0x3FB2]  }
0x2d: {  	s3 =	simm.s32 $0x108;
	s8 =	sld [smem:$0x3FB3]  }
0x2e: {  	s3 =	simm.s32 @!p0 $0x1082;
	s9 =	sld [smem:$0x3FB4]  }
0x2f: {  	lr =	sadd.s32 s0, s3;
	s0 =	sld [smem:$0x3FAB]  }
0x30: {  	s3 =	sld [smem:$0x3FAE]  }
0x31: {  	[smem:$0x3FB7] =	sst s10  }
0x32: {  	s10 =	sld [smem:$0x3FB5];
	_ =	sdelay $0x3  }
0x33: {  	p0 =	seq.s32 s10, $0x1;
	s10 =	sld [smem:$0x3FB7];
	_ =	sdelay $0x3  }
0x34: {  	[smem:$0x3FB7] =	sst s10  }
0x35: {  	s10 =	sld [smem:$0x3FB6];
	_ =	sdelay $0x3  }
0x36: {  	p1 =	seq.s32 s10, $0x1;
	s10 =	sld [smem:$0x3FB7];
	_ =	sdelay $0x3  }
0x37: {  	[smem:$0x3FB7] =	sst s10  }
0x38: {  	s10 =	sld [smem:$0x3FB8]  }
0x39: {  	_ = 	snop;
	(pc) =	sbr.ind lr, $3  }
0x3a: {  	_ = 	snop  }
0x3b: {  	_ = 	snop  }
0x3c: {  	p2 =	seq.s32 s10, $0x1;
	s10 =	sld [smem:$0x3FB7]  }
0x3d: {  	_ =	shalt  }
0x3e: {  	_ =	shalt  }
0x3f: {  	_ =	shalt  }
0x40: {  	_ =	shalt  }
0x41: {  	_ =	shalt  }
0x42: {  	_ =	shalt  }
0x43: {  	_ =	shalt  }
0x44: {  	_ =	shalt  }
0x45: {  	_ =	shalt  }
0x46: {  	_ =	shalt  }
0x47: {  	_ =	shalt  }
0x48: {  	_ =	shalt  }
0x49: {  	_ =	shalt  }
0x4a: {  	_ =	shalt  }
0x4b: {  	_ =	shalt  }
0x4c: {  	_ =	shalt  }
0x4d: {  	_ =	shalt  }
0x4e: {  	_ =	shalt  }
0x4f: {  	_ =	shalt  }
0x50: {  	_ =	shalt  }
0x51: {  	_ =	shalt  }
0x52: {  	_ =	shalt  }
0x53: {  	_ =	shalt  }
0x54: {  	_ =	shalt  }
0x55: {  	_ =	shalt  }
0x56: {  	_ =	shalt  }
0x57: {  	_ =	shalt  }
0x58: {  	_ =	shalt  }
0x59: {  	_ =	shalt  }
0x5a: {  	_ =	shalt  }
0x5b: {  	_ =	shalt  }
0x5c: {  	_ =	shalt  }
0x5d: {  	_ =	shalt  }
0x5e: {  	_ =	shalt  }
0x5f: {  	_ =	shalt  }
0x60: {  	_ =	shalt  }
0x61: {  	_ =	shalt  }
0x62: {  	_ =	shalt  }
0x63: {  	_ =	shalt  }
0x64: {  	_ =	shalt  }
0x65: {  	_ =	shalt  }
0x66: {  	_ =	shalt  }
0x67: {  	_ =	shalt  }
0x68: {  	_ =	shalt  }
0x69: {  	_ =	shalt  }
0x6a: {  	_ =	shalt  }
0x6b: {  	_ =	shalt  }
0x6c: {  	_ =	shalt  }
0x6d: {  	_ =	shalt  }
0x6e: {  	_ =	shalt  }
0x6f: {  	_ =	shalt  }
0x70: {  	_ =	shalt  }
0x71: {  	_ =	shalt  }
0x72: {  	_ =	shalt  }
0x73: {  	_ =	shalt  }
0x74: {  	_ =	shalt  }
0x75: {  	_ =	shalt  }
0x76: {  	_ =	shalt  }
0x77: {  	_ =	shalt  }
0x78: {  	_ =	shalt  }
0x79: {  	_ =	shalt  }
0x7a: {  	_ =	shalt  }
0x7b: {  	_ =	shalt  }
0x7c: {  	_ =	shalt  }
0x7d: {  	_ =	shalt  }
0x7e: {  	_ =	shalt  }
0x7f: {  	_ =	shalt  }
0x80: {  	_ =	shalt  }
0x81: {  	_ =	shalt  }
0x82: {  	_ =	shalt  }
0x83: {  	_ =	shalt  }
0x84: {  	_ =	shalt  }
0x85: {  	_ =	shalt  }
0x86: {  	_ =	shalt  }
0x87: {  	_ =	shalt  }
.Lfunc_end0:
.L_simem_size_0:
called_computation_lowered:
.L_overlay_start_0:
0x88: {  	s2 =	sld [smem:$0x3FD9]  }
0x89: {  	s3 =	sld [smem:$0x3FFE];
	_ =	sdelay $0x1  }
0x8a: {  	s1 =	srdreg.scid  }
0x8b: {  	s0 =	sand.u32 $0x1, s1  }
0x8c: {  	s17 =	sshll.u32 s0, $0xA;
	s2 =	sadd.s32 s3, s2  }
0x8d: {  	s2 =	sadd.s32 s2, s17  }
0x8e: {  	[smem:$0x3FC3] =	sst s2  }
0x8f: {  	_ = 	snop  }
0x90: {  	s2 =	sld [smem:$0x3FC8]  }
0x91: {  	s18 =	sld [smem:$0x3FC7]  }
0x92: {  	s4 =	sld [smem:$0x3FC6]  }
0x93: {  	s5 =	sld [smem:$0x3FC5]  }
0x94: {  	s6 =	sld [smem:$0x3FD0];
	(tm) =	ssettm $0x1  }
0x95: {  	s7 =	sld [smem:$0x3FFB];
	_ =	sdelay $0x3  }
0x96: {  	_ =	strace s7  }
0x97: {  	s7 =	sld [smem:$0x3FFC];
	_ =	sdelay $0x3  }
0x98: {  	_ =	strace s7  }
0x99: {  	s7 =	sld [smem:$0x3FFD];
	_ =	sdelay $0x3  }
0x9a: {  	_ =	strace s7  }
0x9b: {  	_ =	strace $0x8FFFFFFF  }
0x9c: {  	s19 =	sld [smem:$0x3FDB];
	_ =	sdelay $0x1  }
0x9d: {  	s8 =	simm.s32 $_scs_section_size  }
0x9e: {  	s9 =	simm.s32 $_size__tile_overlayer_lowered;
	s10 =	simm.s32 $_tile_overlayer_lowered  }
0x9f: {  	s22 =	simm.s32 $0x1BFF;
	s21 =	sshll.u32 s10, $0x1;
	s7 =	sadd.s32 s8, s19  }
0xa0: {  	s11 =	simm.s32 $0x0;
	s20 =	sshll.u32 s9, $0x1;
	s9 =	sadd.s32 s21, s7  }
0xa1: {  	[timem:s11], [sflag:s22] =	dma.local [hbm:s9], s20  }
0xa2: {  	_ =	swait.ge [sflag:s22], s20  }
0xa3: {  	s8 =	ssub.s32 $0x0, s20;
	[sflag:s22] =	ssyncset.done $0x0  }
0xa4: {  	[sflag:s22] =	ssyncadd.s32 s8;
	_ =	sdelay $0x1  }
0xa5: {  	s23 =	simm.s32 $0x1B8B  }
0xa6: {  	_ =	swait.ge [sflag:s23], $0x1  }
0xa7: {  	[sflag:s23] =	ssyncset.done $0x0  }
0xa8: {  	s25 =	simm.s32 $0x1B8E;
	s24 =	sld [smem:$0x3FFE];
	[sflag:s23] =	ssyncadd.s32 $0xFFFFFFFF  }
0xa9: {  	s26 =	simm.s32 $execute0_lowered;
	[smem:$0x3FD2] =	sst s25  }
0xaa: {  	s9 =	sshll.u32 s26, $0x1;
	_ =	strace $0x80000046;
	[dreg:$0x1] =	wrdreg $0xFFFFFFFF  }
0xab: {  	s28 =	simm.s32 $_size_execute0_lowered;
	s7 =	sadd.s32 s7, s9;
	[dreg:$0x0] =	wrdreg $0x0  }
0xac: {  	s9 =	sshll.u32 s28, $0x1;
	[dreg:$0x2] =	wrdreg s7  }
0xad: {  	[dreg:$0x3] =	wrdreg s9  }
0xae: {  	[dreg:$0x4] =	wrdreg $0xC0  }
0xaf: {  	_ =	task [dreg:s11], $0x5FFFF  }
0xb0: {  	[dreg:$0x1] =	wrdreg $0xFFFFFFFF  }
0xb1: {  	[dreg:$0x0] =	wrdreg $0x60  }
0xb2: {  	[dreg:$0x2] =	wrdreg s6  }
0xb3: {  	[dreg:$0x3] =	wrdreg s18  }
0xb4: {  	[dreg:$0x4] =	wrdreg s2  }
0xb5: {  	[dreg:$0x5] =	wrdreg s4  }
0xb6: {  	[dreg:$0x6] =	wrdreg s5  }
0xb7: {  	[dreg:$0x7] =	wrdreg s24  }
0xb8: {  	[dreg:$0x8] =	wrdreg $0x0  }
0xb9: {  	[dreg:$0x9] =	wrdreg $0x9  }
0xba: {  	_ =	task.clear_ibuf [dreg:s11], $0xAFFFF;
	_ =	strace $0x90000046  }
0xbb: {  	s29 =	simm.s32 $0x9;
	_ =	strace $0x80000048  }
0xbc: {  	_ =	swait.ge [sflag:s29], $0x1  }
0xbd: {  	[sflag:s29] =	ssyncadd.s32 $0xFFFFFFFF  }
0xbe: {  	_ =	strace $0x90000048  }
0xbf: {  	_ =	sfence  }
0xc0: {  	s30 =	sld [smem:$0x0];
	_ =	sdelay $0x2  }
0xc1: {  	s31 =	sshll.u32 s1, $0xD;
	s1 =	sshrl.u32 s1, $0x2  }
0xc2: {  	s3 =	sand.u32 $0x4000, s31;
	s1 =	sadd.s32 s1, s30  }
0xc3: {  	s0 =	sor.u32 s3, s0;
	s1 =	sshll.u32 s1, $0x11  }
0xc4: {  	s0 =	sor.u32 s1, s0  }
0xc5: {  	s0 =	sadd.s32 $0x8F2B, s0  }
0xc6: {  	[sflag:s0] =	ssyncadd.remote.s32 $0x1  }
0xc7: {  	_ =	sfence.sel $0xFFFF  }
0xc8: {  	[dreg:$0x0] =	wrdreg $0xFFFFFFFF;
	(pc) =	sbr.abs _section_cstart, $3  }
0xc9: {  	[dreg:$0x1] =	wrdreg $0xFFFFFFFF  }
0xca: {  	_ =	task.clear_ibuf [dreg:s11], $0x2FFFF;
	_ =	strace $0x9FFFFFFF  }
0xcb: {  	(tm) =	ssettm $0x7FFFFFFF  }
tec
execute0_lowered:
.L_overlay_start_1:
0x0: {  	(tag) =	ssettag $0x1  }
0x1: {  	s0 =	rddreg [dreg:$0x0]  }
0x2: {  	s1 =	rddreg [dreg:$0x1]  }
0x3: {  	s2 =	rddreg [dreg:$0x2]  }
0x4: {  	s4 =	rddreg [dreg:$0x3]  }
0x5: {  	s5 =	rddreg [dreg:$0x4]  }
0x6: {  	s6 =	rddreg [dreg:$0x5]  }
0x7: {  	s3 =	rddreg [dreg:$0x6]  }
0x8: {  	s7 =	srdreg.scid;
	s12 =	stileid.u32;
	s10 =	simm.s32 $0x0  }
0x9: {  	s17 =	simm.s32 $0x10000;
	s15 =	simm.s32 $0x14000;
	s26 =	simm.s32 $0x16000  }
0xa: {  	s29 =	simm.s32 $0x16800;
	s31 =	simm.s32 $0x17000;
	s13 =	simm.s32 $0x17800  }
0xb: {  	s7 =	sand.u32 $0x1, s7;
	s8 =	sshll.u32 s12, $0xF;
	[smem:$0x7FF] =	sst s10  }
0xc: {  	s20 =	sshll.u32 s12, $0xB;
	s22 =	sshll.u32 s12, $0x7;
	s12 =	simm.s32 $0x3  }
0xd: {  	s9 =	sshll.u32 s7, $0x13;
	s18 =	ssub.s32 $0x2, s7;
	_ =	strace $0x80000047  }
0xe: {  	s1 =	sadd.s32 s1, s20;
	s21 =	sadd.s32 s2, s20;
	s23 =	sadd.s32 s4, s20  }
0xf: {  	s24 =	sshrl.u32 s8, $0x1;
	s25 =	sshll.u32 s7, $0xE;
	s7 =	simm.s32 $0x4000  }
0x10: {  	s20 =	simm.s32 $0x14800;
	s2 =	simm.s32 $0x2;
	[dreg:$0x8] =	wrdreg s1  }
0x11: {  	s4 =	simm.s32 $0x0;
	s9 =	sor.u32 s8, s9;
	[dreg:$0x9] =	wrdreg s21  }
0x12: {  	s11 =	sshrl.u32 s18, $0x1;
	[dreg:$0xa] =	wrdreg s23;
	s1 =	sadd.s32 s5, s22  }
0x13: {  	s8 =	sadd.s32 s24, s3;
	s22 =	simm.s32 $0x15000;
	s24 =	simm.s32 $0x15800  }
0x14: {  	s9 =	sshrl.u32 s9, $0x4;
	s19 =	ssub.s32 s18, s11;
	[dreg:$0xb] =	wrdreg s1  }
0x15: {  	[dreg:$0xc] =	wrdreg s8;
	s6 =	sadd.s32 s9, s6;
	s30 =	smax.u32 s19, $0x1  }
0x16: {  	s5 =	simm.s32 $0x4;
	s28 =	sadd.s32 $0x400, s6;
	[dreg:$0xe] =	wrdreg s30  }
0x17: {  	v0 =	vmov s25;
	s9 =	simm.s32 $0x6;
	s19 =	simm.s32 $0x80;
	[dreg:$0xd] =	wrdreg s28  }
.LBB2_1:
0x18: {  	[dreg:$0xf] =	wrdreg s4  }
0x19: {  	s1 =	simm.s32 $0x0;
	s16 =	rddreg [dreg:$0x8]  }
0x1a: {  	[tilespmem:s7], [sflag:$0x1] =	stream.linear.gather [hbm4b:s16+s1], $0x4000, $0x38;
	[tilespmem:$0x18400] =	vst v63  }
0x1b: {  	s18 =	rddreg [dreg:$0x9];
	s6 =	simm.s32 $0x8000  }
0x1c: {  	[tilespmem:s6], [sflag:$0x1] =	stream.linear.gather [hbm4b:s18+s1], $0x4000, $0x38;
	[tilespmem:$0x18400] =	vst v63  }
0x1d: {  	s21 =	rddreg [dreg:$0xa];
	s23 =	simm.s32 $0xC000  }
0x1e: {  	[tilespmem:s23], [sflag:$0x1] =	stream.linear.gather [hbm4b:s21+s1], $0x4000, $0x38;
	[tilespmem:$0x18400] =	vst v63  }
0x1f: {  	s25 =	rddreg [dreg:$0xb];
	s28 =	simm.s32 $0x18000  }
0x20: {  	[tilespmem:s28], [sflag:$0x6] =	stream.linear.gather [hbm4b:s25+s1], $0x400, $0x38;
	[tilespmem:$0x18400] =	vst v63  }
0x21: {  	_ =	swait.ge [sflag:s9], $0x400  }
0x22: {  	[sflag:s9] =	ssyncset.done $0x0  }
0x23: {  	s30 =	simm.s32 $0x0;
	[sflag:s9] =	ssyncadd.s32 $0xFFFFFC00  }
0x24: {  	v1 =	vld [tilespmem:s30+$0x18000];
	_ =	sdelay $0x4  }
0x25: {  	v2 =	vbroadcast v1, $0x0;
	v3 =	vbroadcast v1, $0xF  }
0x26: {  	v4 =	vbroadcast v1, $0x1;
	v5 =	vbroadcast v1, $0x2  }
0x27: {  	s4 =	simm.s32 $0x10080;
	v6 =	vbroadcast v1, $0x3;
	v7 =	vbroadcast v1, $0x4;
	v3 =	vpack.i.f32.bf16 v3, v3  }
0x28: {  	v8 =	vbroadcast v1, $0x5;
	v9 =	vbroadcast v1, $0x6;
	v2 =	vpack.i.f32.bf16 v2, v2;
	[tilespmem:s4+$0x70] =	vst v3  }
0x29: {  	v10 =	vbroadcast v1, $0x8;
	v11 =	vbroadcast v1, $0xA;
	[tilespmem:s4+$0xFFFFFF80] =	vst v2;
	v2 =	vpack.i.f32.bf16 v4, v4  }
0x2a: {  	v12 =	vbroadcast v1, $0xB;
	v13 =	vbroadcast v1, $0xC;
	[tilespmem:s4+$0xFFFFFF90] =	vst v2;
	v2 =	vpack.i.f32.bf16 v5, v5  }
0x2b: {  	v14 =	vbroadcast v1, $0xD;
	v3 =	vbroadcast v1, $0x7;
	[tilespmem:s4+$0xFFFFFFA0] =	vst v2;
	v2 =	vpack.i.f32.bf16 v6, v6  }
0x2c: {  	v5 =	vbroadcast v1, $0x9;
	v1 =	vbroadcast v1, $0xE;
	[tilespmem:s4+$0xFFFFFFB0] =	vst v2;
	v2 =	vpack.i.f32.bf16 v7, v7  }
0x2d: {  	v4 =	vpack.i.f32.bf16 v3, v3;
	v6 =	vpack.i.f32.bf16 v10, v10;
	v7 =	vpack.i.f32.bf16 v9, v9;
	[tilespmem:s4+$0xFFFFFFC0] =	vst v2  }
0x2e: {  	v3 =	vpack.i.f32.bf16 v11, v11;
	v5 =	vpack.i.f32.bf16 v5, v5;
	v2 =	vpack.i.f32.bf16 v8, v8;
	[tilespmem:s4+$0xFFFFFFE0] =	vst v7  }
0x2f: {  	s6 =	simm.s32 $0x10;
	s1 =	simm.s32 $0x80;
	v8 =	vpack.i.f32.bf16 v12, v12;
	v7 =	vpack.i.f32.bf16 v13, v13;
	[tilespmem:s4+$0xFFFFFFD0] =	vst v2;
	v2 =	vpack.i.f32.bf16 v14, v14  }
.LBB2_2:
0x30: {  	p0 =	sne.s32 s1, $0xFC0;
	v9 =	vld [tilespmem:s6+$0x18000];
	[tilespmem:s4+$0xFFFFFFF0] =	vst v4;
	v1 =	vpack.i.f32.bf16 v1, v1  }
0x31: {  	[tilespmem:s4+$0x0] =	vst v6  }
0x32: {  	[tilespmem:s4+$0x10] =	vst v5  }
0x33: {  	[tilespmem:s4+$0x20] =	vst v3  }
0x34: {  	[tilespmem:s4+$0x30] =	vst v8  }
0x35: {  	v3 =	vbroadcast v9, $0x0;
	v4 =	vbroadcast v9, $0xF;
	[tilespmem:s4+$0x40] =	vst v7  }
0x36: {  	v5 =	vbroadcast v9, $0x1;
	v6 =	vbroadcast v9, $0x2;
	[tilespmem:s4+$0x50] =	vst v2  }
0x37: {  	v7 =	vbroadcast v9, $0x4;
	v2 =	vbroadcast v9, $0x3;
	v4 =	vpack.i.f32.bf16 v4, v4;
	[tilespmem:s4+$0x60] =	vst v1;
	s4 =	sadd.s32 $0x100, s4  }
0x38: {  	v8 =	vbroadcast v9, $0x6;
	v1 =	vpack.i.f32.bf16 v3, v3;
	v3 =	vbroadcast v9, $0x5;
	[tilespmem:s4+$0x70] =	vst v4  }
0x39: {  	v4 =	vbroadcast v9, $0x7;
	[tilespmem:s4+$0xFFFFFF80] =	vst v1;
	v1 =	vpack.i.f32.bf16 v5, v5;
	v5 =	vbroadcast v9, $0x8  }
0x3a: {  	v10 =	vbroadcast v9, $0x9;
	v11 =	vbroadcast v9, $0xA;
	[tilespmem:s4+$0xFFFFFF90] =	vst v1;
	v1 =	vpack.i.f32.bf16 v6, v6  }
.Ltmp0:
0x3b: {  	v12 =	vbroadcast v9, $0xC;
	[tilespmem:s4+$0xFFFFFFA0] =	vst v1;
	v1 =	vpack.i.f32.bf16 v2, v2;
	v2 =	vbroadcast v9, $0xB;
	(pc) =	sbr.rel @p0 .LBB2_2-.Ltmp0, $4  }
0x3c: {  	v13 =	vbroadcast v9, $0xD;
	v6 =	vpack.i.f32.bf16 v7, v7;
	[tilespmem:s4+$0xFFFFFFB0] =	vst v1;
	v1 =	vbroadcast v9, $0xE  }
0x3d: {  	v3 =	vpack.i.f32.bf16 v3, v3;
	v7 =	vpack.i.f32.bf16 v8, v8;
	v4 =	vpack.i.f32.bf16 v4, v4;
	[tilespmem:s4+$0xFFFFFFC0] =	vst v6  }
0x3e: {  	v6 =	vpack.i.f32.bf16 v5, v5;
	v5 =	vpack.i.f32.bf16 v10, v10;
	[tilespmem:s4+$0xFFFFFFD0] =	vst v3;
	v3 =	vpack.i.f32.bf16 v11, v11  }
0x3f: {  	s6 =	sshra.s32 s1, $0x2;
	s1 =	sadd.s32 $0x40, s1;
	v8 =	vpack.i.f32.bf16 v2, v2;
	v2 =	vpack.i.f32.bf16 v13, v13;
	[tilespmem:s4+$0xFFFFFFE0] =	vst v7;
	v7 =	vpack.i.f32.bf16 v12, v12  }
0x40: {  	v9 =	vld [tilespmem:s6+$0x18000];
	[tilespmem:s4+$0xFFFFFFF0] =	vst v4  }
0x41: {  	[tilespmem:s4+$0x0] =	vst v6  }
0x42: {  	[tilespmem:s4+$0x10] =	vst v5  }
0x43: {  	[tilespmem:s4+$0x20] =	vst v3  }
0x44: {  	[tilespmem:s4+$0x30] =	vst v8  }
0x45: {  	[tilespmem:s4+$0x40] =	vst v7;
	v3 =	vbroadcast v9, $0xF  }
0x46: {  	v1 =	vpack.i.f32.bf16 v1, v1;
	[tilespmem:s4+$0x50] =	vst v2;
	v4 =	vbroadcast v9, $0x0  }
0x47: {  	s1 =	sadd.s32 $0x100, s4;
	[tilespmem:s4+$0x60] =	vst v1;
	v2 =	vbroadcast v9, $0x1;
	v3 =	vpack.i.f32.bf16 v3, v3  }
0x48: {  	v1 =	vbroadcast v9, $0x2;
	v4 =	vpack.i.f32.bf16 v4, v4;
	[tilespmem:s1+$0x70] =	vst v3  }
0x49: {  	v2 =	vpack.i.f32.bf16 v2, v2;
	v3 =	vbroadcast v9, $0x3;
	[tilespmem:s1+$0xFFFFFF80] =	vst v4  }
0x4a: {  	v1 =	vpack.i.f32.bf16 v1, v1;
	v4 =	vbroadcast v9, $0x4;
	[tilespmem:s1+$0xFFFFFF90] =	vst v2  }
0x4b: {  	v2 =	vbroadcast v9, $0x5;
	[tilespmem:s1+$0xFFFFFFA0] =	vst v1;
	v1 =	vpack.i.f32.bf16 v3, v3  }
0x4c: {  	v3 =	vbroadcast v9, $0x6;
	[tilespmem:s1+$0xFFFFFFB0] =	vst v1;
	v1 =	vpack.i.f32.bf16 v4, v4  }
0x4d: {  	v4 =	vbroadcast v9, $0x7;
	[tilespmem:s1+$0xFFFFFFC0] =	vst v1;
	v1 =	vpack.i.f32.bf16 v2, v2  }
0x4e: {  	v2 =	vbroadcast v9, $0x8;
	v3 =	vpack.i.f32.bf16 v3, v3;
	[tilespmem:s1+$0xFFFFFFD0] =	vst v1  }
0x4f: {  	v1 =	vbroadcast v9, $0x9;
	v4 =	vpack.i.f32.bf16 v4, v4;
	[tilespmem:s1+$0xFFFFFFE0] =	vst v3  }
0x50: {  	v3 =	vbroadcast v9, $0xA;
	v2 =	vpack.i.f32.bf16 v2, v2;
	[tilespmem:s1+$0xFFFFFFF0] =	vst v4  }
0x51: {  	v4 =	vbroadcast v9, $0xB;
	v1 =	vpack.i.f32.bf16 v1, v1;
	[tilespmem:s1+$0x0] =	vst v2  }
0x52: {  	v2 =	vbroadcast v9, $0xC;
	v3 =	vpack.i.f32.bf16 v3, v3;
	[tilespmem:s1+$0x10] =	vst v1  }
0x53: {  	v1 =	vbroadcast v9, $0xD;
	v4 =	vpack.i.f32.bf16 v4, v4;
	[tilespmem:s1+$0x20] =	vst v3  }
0x54: {  	v3 =	vbroadcast v9, $0xE;
	v2 =	vpack.i.f32.bf16 v2, v2;
	[tilespmem:s1+$0x30] =	vst v4  }
0x55: {  	v1 =	vpack.i.f32.bf16 v1, v1;
	[tilespmem:s1+$0x40] =	vst v2  }
0x56: {  	v2 =	vpack.i.f32.bf16 v3, v3;
	[tilespmem:s1+$0x50] =	vst v1  }
0x57: {  	[tilespmem:s1+$0x60] =	vst v2  }
0x58: {  	[spmem:s8] =	stream.linear.scatter [tilespmem:s17], [sflag:$0x6], $0x4000, $0x38;
	[tilespmem:$0x18400] =	vst v63  }
0x59: {  	_ =	swait.ge [sflag:s9], $0x4000  }
0x5a: {  	[sflag:s9] =	ssyncset.done $0x0  }
0x5b: {  	s30 =	simm.s32 $0x1;
	[sflag:s9] =	ssyncadd.s32 $0xFFFFC000  }
0x5c: {  	_ =	swait.ge [sflag:s30], $0x4000  }
0x5d: {  	[sflag:s30] =	ssyncset.done $0x0  }
0x5e: {  	[sflag:s30] =	ssyncadd.s32 $0xFFFFC000  }
0x5f: {  	_ =	swait.ge [sflag:s30], $0x4000  }
0x60: {  	[sflag:s30] =	ssyncset.done $0x0  }
0x61: {  	[sflag:s30] =	ssyncadd.s32 $0xFFFFC000  }
0x62: {  	_ =	swait.ge [sflag:s30], $0x4000  }
0x63: {  	[sflag:s30] =	ssyncset.done $0x0  }
0x64: {  	s4 =	simm.s32 $0x4080;
	[sflag:s30] =	ssyncadd.s32 $0xFFFFC000  }
0x65: {  	v2 =	vld [tilespmem:s4+$0xFFFFFF90]  }
0x66: {  	v1 =	vld [tilespmem:s4+$0x70]  }
0x67: {  	v3 =	vld [tilespmem:s4+$0xFFFFFFA0]  }
0x68: {  	v6 =	vld [tilespmem:s4+$0xFFFFFFD0]  }
0x69: {  	v4 =	vld [tilespmem:s4+$0xFFFFFFB0]  }
0x6a: {  	v5 =	vld [tilespmem:s4+$0xFFFFFFC0];
	v2 =	vadd.s32 v0, v2  }
0x6b: {  	v8 =	vld [tilespmem:s4+$0xFFFFFFF0];
	v1 =	vadd.s32 v0, v1;
	[tilespmem:s4+$0xFFFFFF90] =	vst v2  }
0x6c: {  	v7 =	vld [tilespmem:s4+$0xFFFFFFE0];
	[tilespmem:s4+$0x70] =	vst v1;
	v1 =	vadd.s32 v0, v3  }
0x6d: {  	v3 =	vld [tilespmem:s4+$0x0];
	v2 =	vadd.s32 v0, v6;
	[tilespmem:s4+$0xFFFFFFA0] =	vst v1  }
0x6e: {  	v1 =	vadd.s32 v0, v4;
	v4 =	vld [tilespmem:s4+$0x10];
	[tilespmem:s4+$0xFFFFFFD0] =	vst v2  }
0x6f: {  	v63 =	vld [tilespmem:s4+$0x20];
	[tilespmem:s4+$0xFFFFFFB0] =	vst v1;
	v1 =	vadd.s32 v0, v5  }
0x70: {  	v6 =	vadd.s32 v0, v8;
	[tilespmem:s4+$0xFFFFFFC0] =	vst v1;
	v1 =	vld [tilespmem:s4+$0x30]  }
0x71: {  	v2 =	vld [tilespmem:s4+$0x40];
	[tilespmem:s4+$0xFFFFFFF0] =	vst v6;
	v5 =	vadd.s32 v0, v7  }
0x72: {  	[tilespmem:s4+$0xFFFFFFE0] =	vst v5;
	v5 =	vadd.s32 v0, v3;
	v3 =	vld [tilespmem:s4+$0x50]  }
0x73: {  	[tilespmem:s4+$0x0] =	vst v5;
	v6 =	vadd.s32 v0, v4;
	v4 =	vld [tilespmem:s4+$0x60]  }
0x74: {  	s6 =	simm.s32 $0x4180;
	s1 =	simm.s32 $0x0;
	v5 =	vld [tilespmem:s4+$0xFFFFFF80];
	[tilespmem:s4+$0x10] =	vst v6;
	v6 =	vadd.s32 v0, v63  }
.LBB2_4:
0x75: {  	v7 =	vld [tilespmem:s6+$0x70];
	s1 =	sadd.s32 $0x2, s1;
	[tilespmem:s4+$0x20] =	vst v6;
	v1 =	vadd.s32 v0, v1  }
0x76: {  	v6 =	vld [tilespmem:s6+$0xFFFFFF90];
	p0 =	slt.u32 s1, $0x7E;
	[tilespmem:s4+$0x30] =	vst v1;
	v1 =	vadd.s32 v0, v2  }
0x77: {  	v2 =	vld [tilespmem:s6+$0xFFFFFFA0];
	[tilespmem:s4+$0x40] =	vst v1;
	v1 =	vadd.s32 v0, v3  }
0x78: {  	v3 =	vld [tilespmem:s6+$0xFFFFFFB0];
	[tilespmem:s4+$0x50] =	vst v1;
	v1 =	vadd.s32 v0, v4  }
0x79: {  	v4 =	vld [tilespmem:s6+$0xFFFFFFC0];
	v5 =	vadd.s32 v0, v5;
	[tilespmem:s4+$0x60] =	vst v1  }
0x7a: {  	v1 =	vld [tilespmem:s6+$0xFFFFFFD0];
	v7 =	vadd.s32 v0, v7;
	[tilespmem:s4+$0xFFFFFF80] =	vst v5;
	s4 =	smov.u32 s6  }
0x7b: {  	v5 =	vadd.s32 v0, v6;
	v6 =	vld [tilespmem:s6+$0xFFFFFFE0];
	[tilespmem:s6+$0x70] =	vst v7  }
0x7c: {  	[tilespmem:s6+$0xFFFFFF90] =	vst v5;
	v2 =	vadd.s32 v0, v2;
	v5 =	vld [tilespmem:s6+$0xFFFFFFF0]  }
0x7d: {  	[tilespmem:s6+$0xFFFFFFA0] =	vst v2;
	v2 =	vadd.s32 v0, v3;
	v3 =	vld [tilespmem:s6+$0x0]  }
0x7e: {  	[tilespmem:s6+$0xFFFFFFB0] =	vst v2;
	v2 =	vadd.s32 v0, v4;
	v4 =	vld [tilespmem:s6+$0x10]  }
0x7f: {  	[tilespmem:s6+$0xFFFFFFC0] =	vst v2;
	v1 =	vadd.s32 v0, v1;
	v7 =	vld [tilespmem:s6+$0x20]  }
.Ltmp1:
0x80: {  	[tilespmem:s6+$0xFFFFFFD0] =	vst v1;
	v2 =	vadd.s32 v0, v6;
	v1 =	vld [tilespmem:s6+$0x30];
	(pc) =	sbr.rel @p0 .LBB2_4-.Ltmp1, $4  }
0x81: {  	[tilespmem:s6+$0xFFFFFFE0] =	vst v2;
	v5 =	vadd.s32 v0, v5;
	v2 =	vld [tilespmem:s6+$0x40]  }
0x82: {  	[tilespmem:s6+$0xFFFFFFF0] =	vst v5;
	v5 =	vadd.s32 v0, v3;
	v3 =	vld [tilespmem:s6+$0x50]  }
0x83: {  	[tilespmem:s6+$0x0] =	vst v5;
	v6 =	vadd.s32 v0, v4;
	v4 =	vld [tilespmem:s6+$0x60]  }
0x84: {  	s6 =	sadd.s32 $0x100, s6;
	v5 =	vld [tilespmem:s4+$0xFFFFFF80];
	[tilespmem:s4+$0x10] =	vst v6;
	v6 =	vadd.s32 v0, v7  }
0x85: {  	[tilespmem:s4+$0x20] =	vst v6;
	v1 =	vadd.s32 v0, v1  }
0x86: {  	[tilespmem:s4+$0x30] =	vst v1;
	v1 =	vadd.s32 v0, v2  }
0x87: {  	[tilespmem:s4+$0x40] =	vst v1;
	v1 =	vadd.s32 v0, v3  }
0x88: {  	[tilespmem:s4+$0x50] =	vst v1;
	v1 =	vadd.s32 v0, v4  }
0x89: {  	v2 =	vadd.s32 v0, v5;
	[tilespmem:s4+$0x60] =	vst v1  }
0x8a: {  	[tilespmem:s4+$0xFFFFFF80] =	vst v2  }
0x8b: {  	[bflag:$0x0] =	sbarrier.arrive $0xFFFF  }
0x8c: {  	[tilespmem:s17], [sflag:$0x2] =	stream.indirect.gather [hbm4b:s0+s19], $0x10, s7, s19, $0xb8;
	[tilespmem:$0x18400] =	vst v63  }
0x8d: {  	s1 =	simm.s32 $0x4080;
	s7 =	simm.s32 $0x10800  }
0x8e: {  	[tilespmem:s7], [sflag:$0x2] =	stream.indirect.gather [hbm4b:s0+s19], $0x10, s1, s19, $0xb8;
	[tilespmem:$0x18400] =	vst v63  }
0x8f: {  	s8 =	simm.s32 $0x4100;
	s9 =	simm.s32 $0x11000  }
0x90: {  	[tilespmem:s9], [sflag:$0x2] =	stream.indirect.gather [hbm4b:s0+s19], $0x10, s8, s19, $0xb8;
	[tilespmem:$0x18400] =	vst v63  }
0x91: {  	s10 =	simm.s32 $0x4180;
	s11 =	simm.s32 $0x11800  }
0x92: {  	[tilespmem:s11], [sflag:$0x2] =	stream.indirect.gather [hbm4b:s0+s19], $0x10, s10, s19, $0xb8;
	[tilespmem:$0x18400] =	vst v63  }
0x93: {  	s14 =	simm.s32 $0x4200;
	s16 =	simm.s32 $0x12000  }
0x94: {  	[tilespmem:s16], [sflag:$0x2] =	stream.indirect.gather [hbm4b:s0+s19], $0x10, s14, s19, $0xb8;
	[tilespmem:$0x18400] =	vst v63  }
0x95: {  	s18 =	simm.s32 $0x4280;
	s21 =	simm.s32 $0x12800;
	s23 =	simm.s32 $0x4300  }
0x96: {  	[tilespmem:s21], [sflag:$0x2] =	stream.indirect.gather [hbm4b:s0+s19], $0x10, s18, s19, $0xb8;
	[tilespmem:$0x18400] =	vst v63  }
0x97: {  	s25 =	simm.s32 $0x13000;
	s28 =	simm.s32 $0x4380;
	s30 =	simm.s32 $0x13800  }
0x98: {  	[tilespmem:s25], [sflag:$0x2] =	stream.indirect.gather [hbm4b:s0+s19], $0x10, s23, s19, $0xb8;
	[tilespmem:$0x18400] =	vst v63  }
0x99: {  	s8 =	simm.s32 $0x0;
	s10 =	simm.s32 $0xC000;
	s11 =	simm.s32 $0xC400  }
0x9a: {  	[tilespmem:s30], [sflag:$0x2] =	stream.indirect.gather [hbm4b:s0+s19], $0x10, s28, s19, $0xb8;
	[tilespmem:$0x18400] =	vst v63  }
.LBB2_6:
0x9b: {  	p0 =	seq.s32 s8, $0x0  }
0x9c: {  	s4 =	simm.s32 @!p0 $0x5  }
0x9d: {  	_ =	swait.ge @!p0 [sflag:s4], $0x800  }
0x9e: {  	[sflag:s4] =	ssyncset.done @!p0 $0x0  }
0x9f: {  	[sflag:s4] =	ssyncadd.s32 @!p0 $0xFFFFF800  }
0xa0: {  	_ =	swait.ge @!p0 [sflag:s4], $0x800  }
0xa1: {  	[sflag:s4] =	ssyncset.done @!p0 $0x0  }
0xa2: {  	[sflag:s4] =	ssyncadd.s32 @!p0 $0xFFFFF800  }
0xa3: {  	_ =	swait.ge @!p0 [sflag:s4], $0x800  }
0xa4: {  	[sflag:s4] =	ssyncset.done @!p0 $0x0  }
0xa5: {  	[sflag:s4] =	ssyncadd.s32 @!p0 $0xFFFFF800  }
0xa6: {  	_ =	swait.ge @!p0 [sflag:s4], $0x800  }
0xa7: {  	[sflag:s4] =	ssyncset.done @!p0 $0x0  }
0xa8: {  	[sflag:s4] =	ssyncadd.s32 @!p0 $0xFFFFF800  }
0xa9: {  	_ =	swait.ge @!p0 [sflag:s4], $0x800  }
0xaa: {  	[sflag:s4] =	ssyncset.done @!p0 $0x0  }
0xab: {  	[sflag:s4] =	ssyncadd.s32 @!p0 $0xFFFFF800  }
0xac: {  	_ =	swait.ge @!p0 [sflag:s4], $0x800  }
0xad: {  	[sflag:s4] =	ssyncset.done @!p0 $0x0  }
0xae: {  	[sflag:s4] =	ssyncadd.s32 @!p0 $0xFFFFF800  }
0xaf: {  	_ =	swait.ge @!p0 [sflag:s4], $0x800  }
0xb0: {  	[sflag:s4] =	ssyncset.done @!p0 $0x0  }
0xb1: {  	[sflag:s4] =	ssyncadd.s32 @!p0 $0xFFFFF800  }
0xb2: {  	s1 =	sshll.u32 s8, $0x1;
	_ =	swait.ge @!p0 [sflag:s4], $0x800  }
0xb3: {  	s1 =	sshll.u32 s1, $0xA;
	[sflag:s4] =	ssyncset.done @!p0 $0x0  }
0xb4: {  	s6 =	sadd.s32 $0x4400, s1;
	[sflag:s4] =	ssyncadd.s32 @!p0 $0xFFFFF800  }
0xb5: {  	[tilespmem:s15], [sflag:$0x3] =	stream.indirect.gather [hbm4b:s0+s19], $0x10, s6, s19, $0xb8;
	[tilespmem:$0x18400] =	vst v63  }
0xb6: {  	s7 =	sadd.s32 $0x4480, s1  }
0xb7: {  	[tilespmem:s20], [sflag:$0x3] =	stream.indirect.gather [hbm4b:s0+s19], $0x10, s7, s19, $0xb8;
	[tilespmem:$0x18400] =	vst v63  }
0xb8: {  	s9 =	sadd.s32 $0x4500, s1  }
0xb9: {  	[tilespmem:s22], [sflag:$0x3] =	stream.indirect.gather [hbm4b:s0+s19], $0x10, s9, s19, $0xb8;
	[tilespmem:$0x18400] =	vst v63  }
0xba: {  	s14 =	sadd.s32 $0x4580, s1  }
0xbb: {  	[tilespmem:s24], [sflag:$0x3] =	stream.indirect.gather [hbm4b:s0+s19], $0x10, s14, s19, $0xb8;
	[tilespmem:$0x18400] =	vst v63  }
0xbc: {  	s16 =	sadd.s32 $0x4600, s1  }
0xbd: {  	[tilespmem:s26], [sflag:$0x3] =	stream.indirect.gather [hbm4b:s0+s19], $0x10, s16, s19, $0xb8;
	[tilespmem:$0x18400] =	vst v63  }
0xbe: {  	s18 =	sadd.s32 $0x4680, s1  }
0xbf: {  	[tilespmem:s29], [sflag:$0x3] =	stream.indirect.gather [hbm4b:s0+s19], $0x10, s18, s19, $0xb8;
	[tilespmem:$0x18400] =	vst v63  }
0xc0: {  	s21 =	sadd.s32 $0x4700, s1  }
0xc1: {  	[tilespmem:s31], [sflag:$0x3] =	stream.indirect.gather [hbm4b:s0+s19], $0x10, s21, s19, $0xb8;
	[tilespmem:$0x18400] =	vst v63  }
0xc2: {  	s23 =	sadd.s32 $0x4780, s1  }
0xc3: {  	[tilespmem:s13], [sflag:$0x3] =	stream.indirect.gather [hbm4b:s0+s19], $0x10, s23, s19, $0xb8;
	[tilespmem:$0x18400] =	vst v63  }
0xc4: {  	_ =	swait.ge [sflag:s2], $0x800  }
0xc5: {  	[sflag:s2] =	ssyncset.done $0x0  }
0xc6: {  	[sflag:s2] =	ssyncadd.s32 $0xFFFFF800  }
0xc7: {  	_ =	swait.ge [sflag:s2], $0x800  }
0xc8: {  	[sflag:s2] =	ssyncset.done $0x0  }
0xc9: {  	[sflag:s2] =	ssyncadd.s32 $0xFFFFF800  }
0xca: {  	_ =	swait.ge [sflag:s2], $0x800  }
0xcb: {  	[sflag:s2] =	ssyncset.done $0x0  }
0xcc: {  	[sflag:s2] =	ssyncadd.s32 $0xFFFFF800  }
0xcd: {  	_ =	swait.ge [sflag:s2], $0x800  }
0xce: {  	[sflag:s2] =	ssyncset.done $0x0  }
0xcf: {  	[sflag:s2] =	ssyncadd.s32 $0xFFFFF800  }
0xd0: {  	_ =	swait.ge [sflag:s2], $0x800  }
0xd1: {  	[sflag:s2] =	ssyncset.done $0x0  }
0xd2: {  	[sflag:s2] =	ssyncadd.s32 $0xFFFFF800  }
0xd3: {  	_ =	swait.ge [sflag:s2], $0x800  }
0xd4: {  	[sflag:s2] =	ssyncset.done $0x0  }
0xd5: {  	[sflag:s2] =	ssyncadd.s32 $0xFFFFF800  }
0xd6: {  	_ =	swait.ge [sflag:s2], $0x800  }
0xd7: {  	[sflag:s2] =	ssyncset.done $0x0  }
0xd8: {  	v4 =	vmov s10;
	[sflag:s2] =	ssyncadd.s32 $0xFFFFF800  }
0xd9: {  	_ =	swait.ge [sflag:s2], $0x800  }
0xda: {  	[sflag:s2] =	ssyncset.done $0x0  }
0xdb: {  	s28 =	simm.s32 $0x10080;
	[sflag:s2] =	ssyncadd.s32 $0xFFFFF800  }
0xdc: {  	s25 =	simm.s32 $0x0;
	v1 =	vld [tilespmem:s28+$0xFFFFFFB0]  }
0xdd: {  	v3 =	vld.idx.msk [tilespmem:v4+s25+$0x0 ss:$0x1], $0xffff  }
0xde: {  	v5 =	vld [tilespmem:s28+$0x70]  }
0xdf: {  	v13 =	vld [tilespmem:s28+$0xFFFFFFE0]  }
0xe0: {  	v12 =	vld [tilespmem:s28+$0x60]  }
0xe1: {  	v19 =	vld [tilespmem:s28+$0xFFFFFF80]  }
0xe2: {  	v6 =	vld [tilespmem:s28+$0xFFFFFF90];
	v8 =	vbroadcast v3, $0x0;
	v20 =	vbroadcast v3, $0x5  }
0xe3: {  	v2 =	vld [tilespmem:s28+$0xFFFFFFA0];
	v10 =	vbroadcast v3, $0x2;
	v17 =	vbroadcast v3, $0x9  }
0xe4: {  	v7 =	vld [tilespmem:s28+$0x50];
	v11 =	vbroadcast v3, $0x4;
	v15 =	vbroadcast v3, $0xE  }
0xe5: {  	v21 =	vld [tilespmem:s28+$0x10];
	v9 =	vbroadcast v3, $0x1;
	v27 =	vbroadcast v3, $0x6  }
0xe6: {  	v26 =	vld [tilespmem:s28+$0x20];
	v22 =	vbroadcast v3, $0x8;
	v29 =	vbroadcast v3, $0xA  }
0xe7: {  	v14 =	vld [tilespmem:s28+$0xFFFFFFC0];
	v24 =	vbroadcast v3, $0xC;
	v25 =	vpack.i.f32.bf16 v8, v8;
	v8 =	vpack.i.f32.bf16 v10, v10  }
0xe8: {  	v10 =	vbroadcast v3, $0x3;
	v28 =	vpack.i.f32.bf16 v15, v15;
	v15 =	vld [tilespmem:s28+$0x0];
	v16 =	vpack.i.f32.bf16 v11, v11  }
0xe9: {  	s30 =	simm.s32 $0x40;
	s4 =	sor.u32 $0x480, s1;
	v18 =	vld [tilespmem:s28+$0x40];
	v11 =	vbroadcast v3, $0xD;
	v22 =	vpack.i.f32.bf16 v22, v22;
	v23 =	vpack.i.f32.bf16 v17, v17  }
0xea: {  	s6 =	sor.u32 $0x500, s1;
	s7 =	sor.u32 $0x780, s1;
	s9 =	sor.u32 $0x400, s1;
	v17 =	vld [tilespmem:s28+$0xFFFFFFF0];
	v23 =	vmul.bf16 v21, v23;
	v21 =	vpack.i.f32.bf16 v29, v29;
	v28 =	vmul.bf16 v12, v28  }
0xeb: {  	s16 =	sor.u32 $0x600, s1;
	s18 =	sor.u32 $0x580, s1;
	s21 =	sor.u32 $0x700, s1;
	v27 =	vpack.i.f32.bf16 v27, v27;
	v12 =	vld [tilespmem:s28+$0x30];
	v25 =	vmul.bf16 v19, v25;
	v26 =	vmul.bf16 v26, v21  }
0xec: {  	s23 =	sor.u32 $0x680, s1;
	s1 =	simm.s32 $0x10180;
	s25 =	sshll.u32 s8, $0xD;
	v20 =	vpack.i.f32.bf16 v20, v20;
	v19 =	vld [tilespmem:s28+$0xFFFFFFD0];
	v13 =	vmul.bf16 v13, v27;
	v21 =	vbroadcast v3, $0xB;
	[tilespmem:s28+$0x60] =	vst v28  }
.LBB2_7:
0xed: {  	s14 =	sshra.s32 s30, $0x2;
	v27 =	vld [tilespmem:s1+$0xFFFFFFB0];
	p0 =	sne.s32 s30, $0xFC0;
	s30 =	sadd.s32 $0x40, s30;
	v28 =	vbroadcast v3, $0x7;
	v15 =	vmul.bf16 v15, v22;
	[tilespmem:s28+$0x20] =	vst v26;
	v22 =	vpack.i.f32.bf16 v24, v24  }
0xee: {  	v10 =	vpack.i.f32.bf16 v10, v10;
	v14 =	vmul.bf16 v14, v16;
	v16 =	vbroadcast v3, $0xF;
	[tilespmem:s28+$0xFFFFFF80] =	vst v25;
	v3 =	vld.idx.msk [tilespmem:v4+s14+$0x0 ss:$0x1], $0xffff  }
0xef: {  	v11 =	vpack.i.f32.bf16 v11, v11;
	v18 =	vmul.bf16 v18, v22;
	v24 =	vld [tilespmem:s1+$0x70];
	v25 =	vpack.i.f32.bf16 v28, v28;
	[tilespmem:s28+$0x10] =	vst v23  }
0xf0: {  	v9 =	vpack.i.f32.bf16 v9, v9;
	v11 =	vmul.bf16 v7, v11;
	v28 =	vld [tilespmem:s1+$0xFFFFFFE0];
	[tilespmem:s28+$0xFFFFFFC0] =	vst v14;
	v14 =	vmul.bf16 v17, v25  }
0xf1: {  	v7 =	vmul.bf16 v6, v9;
	v6 =	vpack.i.f32.bf16 v16, v16;
	v25 =	vld [tilespmem:s1+$0x60];
	v19 =	vmul.bf16 v19, v20;
	[tilespmem:s28+$0x40] =	vst v18  }
0xf2: {  	v17 =	vmul.bf16 v1, v10;
	v9 =	vmul.bf16 v5, v6;
	v20 =	vld [tilespmem:s1+$0xFFFFFF80];
	[tilespmem:s28+$0xFFFFFFF0] =	vst v14;
	v14 =	vpack.i.f32.bf16 v21, v21  }
0xf3: {  	v10 =	vmul.bf16 v2, v8;
	v1 =	vmov v27;
	v6 =	vld [tilespmem:s1+$0xFFFFFF90];
	[tilespmem:s28+$0xFFFFFF90] =	vst v7;
	v12 =	vmul.bf16 v12, v14  }
0xf4: {  	v8 =	vbroadcast v3, $0x0;
	v21 =	vbroadcast v3, $0x5;
	v2 =	vld [tilespmem:s1+$0xFFFFFFA0];
	[tilespmem:s28+$0x0] =	vst v15;
	v5 =	vmov v24  }
0xf5: {  	v14 =	vbroadcast v3, $0x2;
	v18 =	vbroadcast v3, $0x9;
	v7 =	vld [tilespmem:s1+$0x50];
	[tilespmem:s28+$0x70] =	vst v9  }
0xf6: {  	v16 =	vbroadcast v3, $0xE;
	v15 =	vbroadcast v3, $0x4;
	v26 =	vpack.i.f32.bf16 v8, v8;
	v23 =	vld [tilespmem:s1+$0x10];
	[tilespmem:s28+$0xFFFFFFE0] =	vst v13  }
0xf7: {  	v9 =	vbroadcast v3, $0x1;
	v8 =	vpack.i.f32.bf16 v14, v14;
	v13 =	vbroadcast v3, $0x6;
	v27 =	vld [tilespmem:s1+$0x20];
	[tilespmem:s28+$0xFFFFFFA0] =	vst v10  }
0xf8: {  	v22 =	vbroadcast v3, $0x8;
	v29 =	vpack.i.f32.bf16 v16, v16;
	v10 =	vbroadcast v3, $0x3;
	v14 =	vld [tilespmem:s1+$0xFFFFFFC0];
	[tilespmem:s28+$0x50] =	vst v11  }
.Ltmp2:
0xf9: {  	v30 =	vbroadcast v3, $0xA;
	v16 =	vpack.i.f32.bf16 v15, v15;
	v11 =	vbroadcast v3, $0xD;
	v15 =	vld [tilespmem:s1+$0x0];
	[tilespmem:s28+$0xFFFFFFB0] =	vst v17;
	(pc) =	sbr.rel @p0 .LBB2_7-.Ltmp2, $4  }
0xfa: {  	v24 =	vbroadcast v3, $0xC;
	v22 =	vpack.i.f32.bf16 v22, v22;
	v31 =	vpack.i.f32.bf16 v18, v18;
	v18 =	vld [tilespmem:s1+$0x40];
	[tilespmem:s28+$0x30] =	vst v12  }
0xfb: {  	v29 =	vmul.bf16 v25, v29;
	v12 =	vpack.i.f32.bf16 v30, v30;
	v17 =	vld [tilespmem:s1+$0xFFFFFFF0];
	v23 =	vmul.bf16 v23, v31;
	[tilespmem:s28+$0xFFFFFFD0] =	vst v19;
	s28 =	smov.u32 s1  }
0xfc: {  	v25 =	vmul.bf16 v20, v26;
	v13 =	vpack.i.f32.bf16 v13, v13;
	v26 =	vmul.bf16 v27, v12;
	v12 =	vld [tilespmem:s1+$0x30]  }
0xfd: {  	v20 =	vpack.i.f32.bf16 v21, v21;
	v21 =	vbroadcast v3, $0xB;
	v13 =	vmul.bf16 v28, v13;
	s1 =	sadd.s32 $0x100, s1;
	v19 =	vld [tilespmem:s28+$0xFFFFFFD0];
	[tilespmem:s28+$0x60] =	vst v29  }
0xfe: {  	[tilespmem:s28+$0x20] =	vst v26  }
0xff: {  	[tilespmem:s28+$0xFFFFFF80] =	vst v25  }
0x100: {  	v14 =	vmul.bf16 v14, v16;
	[tilespmem:s28+$0x10] =	vst v23  }
0x101: {  	v4 =	vbroadcast v3, $0x7;
	v24 =	vpack.i.f32.bf16 v24, v24;
	v2 =	vmul.bf16 v2, v8;
	[tilespmem:s28+$0xFFFFFFE0] =	vst v13  }
0x102: {  	v3 =	vbroadcast v3, $0xF;
	v9 =	vpack.i.f32.bf16 v9, v9;
	v16 =	vmul.bf16 v18, v24;
	[tilespmem:s28+$0xFFFFFFC0] =	vst v14  }
0x103: {  	v6 =	vmul.bf16 v6, v9;
	v4 =	vpack.i.f32.bf16 v4, v4;
	[tilespmem:s28+$0xFFFFFFA0] =	vst v2  }
0x104: {  	v3 =	vpack.i.f32.bf16 v3, v3;
	v4 =	vmul.bf16 v17, v4;
	[tilespmem:s28+$0x40] =	vst v16  }
0x105: {  	v3 =	vmul.bf16 v5, v3;
	[tilespmem:s28+$0xFFFFFF90] =	vst v6  }
0x106: {  	v9 =	vmul.bf16 v15, v22;
	[tilespmem:s28+$0xFFFFFFF0] =	vst v4;
	v4 =	vpack.i.f32.bf16 v11, v11  }
0x107: {  	[tilespmem:s28+$0x70] =	vst v3;
	v3 =	vpack.i.f32.bf16 v10, v10;
	v4 =	vmul.bf16 v7, v4  }
0x108: {  	[tilespmem:s28+$0x0] =	vst v9;
	v1 =	vmul.bf16 v1, v3;
	v3 =	vpack.i.f32.bf16 v21, v21  }
0x109: {  	v2 =	vmul.bf16 v12, v3;
	[tilespmem:s28+$0x50] =	vst v4  }
0x10a: {  	v3 =	vmul.bf16 v19, v20;
	[tilespmem:s28+$0xFFFFFFB0] =	vst v1  }
0x10b: {  	s1 =	sshrl.u32 s25, $0x2;
	[tilespmem:s28+$0x30] =	vst v2  }
0x10c: {  	s14 =	sadd.s32 $0x8000, s1;
	[tilespmem:s28+$0xFFFFFFD0] =	vst v3  }
0x10d: {  	[spmem:s3] =	stream.indirect.scatter.add.bf16 [tilespmem:s17], [sflag:$0x4], $0x10, s14, s19, $0xb8;
	[tilespmem:$0x18400] =	vst v63  }
0x10e: {  	s28 =	simm.s32 $0x10800;
	s14 =	sadd.s32 $0x8080, s1  }
0x10f: {  	[spmem:s3] =	stream.indirect.scatter.add.bf16 [tilespmem:s28], [sflag:$0x4], $0x10, s14, s19, $0xb8;
	[tilespmem:$0x18400] =	vst v63  }
0x110: {  	s14 =	sadd.s32 $0x8100, s1;
	s28 =	simm.s32 $0x11000  }
0x111: {  	[spmem:s3] =	stream.indirect.scatter.add.bf16 [tilespmem:s28], [sflag:$0x4], $0x10, s14, s19, $0xb8;
	[tilespmem:$0x18400] =	vst v63  }
0x112: {  	s14 =	sadd.s32 $0x8180, s1;
	s28 =	simm.s32 $0x11800  }
0x113: {  	[spmem:s3] =	stream.indirect.scatter.add.bf16 [tilespmem:s28], [sflag:$0x4], $0x10, s14, s19, $0xb8;
	[tilespmem:$0x18400] =	vst v63  }
0x114: {  	s14 =	sadd.s32 $0x8200, s1;
	s28 =	simm.s32 $0x12000  }
0x115: {  	[spmem:s3] =	stream.indirect.scatter.add.bf16 [tilespmem:s28], [sflag:$0x4], $0x10, s14, s19, $0xb8;
	[tilespmem:$0x18400] =	vst v63  }
0x116: {  	s14 =	sadd.s32 $0x8280, s1;
	s28 =	simm.s32 $0x12800  }
0x117: {  	[spmem:s3] =	stream.indirect.scatter.add.bf16 [tilespmem:s28], [sflag:$0x4], $0x10, s14, s19, $0xb8;
	[tilespmem:$0x18400] =	vst v63  }
0x118: {  	s14 =	sadd.s32 $0x8300, s1;
	s28 =	simm.s32 $0x13000  }
0x119: {  	[spmem:s3] =	stream.indirect.scatter.add.bf16 [tilespmem:s28], [sflag:$0x4], $0x10, s14, s19, $0xb8;
	[tilespmem:$0x18400] =	vst v63  }
0x11a: {  	s1 =	sadd.s32 $0x8380, s1;
	s14 =	simm.s32 $0x13800  }
0x11b: {  	[spmem:s3] =	stream.indirect.scatter.add.bf16 [tilespmem:s14], [sflag:$0x4], $0x10, s1, s19, $0xb8;
	[tilespmem:$0x18400] =	vst v63  }
0x11c: {  	_ =	swait.ge [sflag:s12], $0x800  }
0x11d: {  	[sflag:s12] =	ssyncset.done $0x0  }
0x11e: {  	[sflag:s12] =	ssyncadd.s32 $0xFFFFF800  }
0x11f: {  	_ =	swait.ge [sflag:s12], $0x800  }
0x120: {  	[sflag:s12] =	ssyncset.done $0x0  }
0x121: {  	[sflag:s12] =	ssyncadd.s32 $0xFFFFF800  }
0x122: {  	_ =	swait.ge [sflag:s12], $0x800  }
0x123: {  	[sflag:s12] =	ssyncset.done $0x0  }
0x124: {  	[sflag:s12] =	ssyncadd.s32 $0xFFFFF800  }
0x125: {  	_ =	swait.ge [sflag:s12], $0x800  }
0x126: {  	[sflag:s12] =	ssyncset.done $0x0  }
0x127: {  	[sflag:s12] =	ssyncadd.s32 $0xFFFFF800  }
0x128: {  	_ =	swait.ge [sflag:s12], $0x800  }
0x129: {  	[sflag:s12] =	ssyncset.done $0x0  }
0x12a: {  	[sflag:s12] =	ssyncadd.s32 $0xFFFFF800  }
0x12b: {  	_ =	swait.ge [sflag:s12], $0x800  }
0x12c: {  	[sflag:s12] =	ssyncset.done $0x0  }
0x12d: {  	[sflag:s12] =	ssyncadd.s32 $0xFFFFF800  }
0x12e: {  	_ =	swait.ge [sflag:s12], $0x800  }
0x12f: {  	[sflag:s12] =	ssyncset.done $0x0  }
0x130: {  	v4 =	vmov s11;
	[sflag:s12] =	ssyncadd.s32 $0xFFFFF800  }
0x131: {  	_ =	swait.ge [sflag:s12], $0x800  }
0x132: {  	[sflag:s12] =	ssyncset.done $0x0  }
0x133: {  	s28 =	simm.s32 $0x14080;
	[sflag:s12] =	ssyncadd.s32 $0xFFFFF800  }
0x134: {  	s14 =	simm.s32 $0x0;
	v1 =	vld [tilespmem:s28+$0xFFFFFFB0]  }
0x135: {  	v3 =	vld.idx.msk [tilespmem:v4+s14+$0x0 ss:$0x1], $0xffff  }
0x136: {  	v5 =	vld [tilespmem:s28+$0x70]  }
0x137: {  	v11 =	vld [tilespmem:s28+$0xFFFFFFE0]  }
0x138: {  	v12 =	vld [tilespmem:s28+$0x60]  }
0x139: {  	v15 =	vld [tilespmem:s28+$0xFFFFFF80]  }
0x13a: {  	v6 =	vld [tilespmem:s28+$0xFFFFFF90];
	v8 =	vbroadcast v3, $0x0;
	v17 =	vbroadcast v3, $0x5  }
0x13b: {  	v2 =	vld [tilespmem:s28+$0xFFFFFFA0];
	v10 =	vbroadcast v3, $0x2;
	v18 =	vbroadcast v3, $0x9  }
0x13c: {  	v7 =	vld [tilespmem:s28+$0x50];
	v13 =	vbroadcast v3, $0x4;
	v16 =	vbroadcast v3, $0xE  }
0x13d: {  	v23 =	vld [tilespmem:s28+$0x10];
	v9 =	vbroadcast v3, $0x1;
	v27 =	vbroadcast v3, $0x6  }
0x13e: {  	v26 =	vld [tilespmem:s28+$0x20];
	v19 =	vbroadcast v3, $0x8;
	v29 =	vbroadcast v3, $0xA  }
0x13f: {  	v14 =	vld [tilespmem:s28+$0xFFFFFFC0];
	v24 =	vbroadcast v3, $0xC;
	v25 =	vpack.i.f32.bf16 v8, v8;
	v8 =	vpack.i.f32.bf16 v10, v10  }
0x140: {  	v10 =	vbroadcast v3, $0x3;
	v28 =	vpack.i.f32.bf16 v16, v16;
	v16 =	vld [tilespmem:s28+$0x0];
	v20 =	vpack.i.f32.bf16 v13, v13  }
0x141: {  	v21 =	vld [tilespmem:s28+$0x40];
	v13 =	vbroadcast v3, $0xD;
	v22 =	vpack.i.f32.bf16 v19, v19;
	v18 =	vpack.i.f32.bf16 v18, v18  }
0x142: {  	v19 =	vld [tilespmem:s28+$0xFFFFFFF0];
	v23 =	vmul.bf16 v23, v18;
	v18 =	vpack.i.f32.bf16 v29, v29;
	v28 =	vmul.bf16 v12, v28  }
0x143: {  	v27 =	vpack.i.f32.bf16 v27, v27;
	v12 =	vld [tilespmem:s28+$0x30];
	v25 =	vmul.bf16 v15, v25;
	v26 =	vmul.bf16 v26, v18  }
0x144: {  	s30 =	simm.s32 $0x40;
	s1 =	simm.s32 $0x14180;
	v17 =	vpack.i.f32.bf16 v17, v17;
	v15 =	vld [tilespmem:s28+$0xFFFFFFD0];
	v11 =	vmul.bf16 v11, v27;
	v18 =	vbroadcast v3, $0xB;
	[tilespmem:s28+$0x60] =	vst v28  }
.LBB2_9:
0x145: {  	s14 =	sshra.s32 s30, $0x2;
	v27 =	vld [tilespmem:s1+$0xFFFFFFB0];
	p0 =	sne.s32 s30, $0xFC0;
	s30 =	sadd.s32 $0x40, s30;
	v28 =	vbroadcast v3, $0x7;
	v16 =	vmul.bf16 v16, v22;
	[tilespmem:s28+$0x20] =	vst v26;
	v22 =	vpack.i.f32.bf16 v24, v24  }
0x146: {  	v10 =	vpack.i.f32.bf16 v10, v10;
	v14 =	vmul.bf16 v14, v20;
	v20 =	vbroadcast v3, $0xF;
	[tilespmem:s28+$0xFFFFFF80] =	vst v25;
	v3 =	vld.idx.msk [tilespmem:v4+s14+$0x0 ss:$0x1], $0xffff  }
0x147: {  	v13 =	vpack.i.f32.bf16 v13, v13;
	v21 =	vmul.bf16 v21, v22;
	v24 =	vld [tilespmem:s1+$0x70];
	v25 =	vpack.i.f32.bf16 v28, v28;
	[tilespmem:s28+$0x10] =	vst v23  }
0x148: {  	v9 =	vpack.i.f32.bf16 v9, v9;
	v13 =	vmul.bf16 v7, v13;
	v28 =	vld [tilespmem:s1+$0xFFFFFFE0];
	[tilespmem:s28+$0xFFFFFFC0] =	vst v14;
	v14 =	vmul.bf16 v19, v25  }
0x149: {  	v7 =	vmul.bf16 v6, v9;
	v6 =	vpack.i.f32.bf16 v20, v20;
	v25 =	vld [tilespmem:s1+$0x60];
	v15 =	vmul.bf16 v15, v17;
	[tilespmem:s28+$0x40] =	vst v21  }
0x14a: {  	v19 =	vmul.bf16 v1, v10;
	v9 =	vmul.bf16 v5, v6;
	v17 =	vld [tilespmem:s1+$0xFFFFFF80];
	[tilespmem:s28+$0xFFFFFFF0] =	vst v14;
	v14 =	vpack.i.f32.bf16 v18, v18  }
0x14b: {  	v10 =	vmul.bf16 v2, v8;
	v1 =	vmov v27;
	v6 =	vld [tilespmem:s1+$0xFFFFFF90];
	[tilespmem:s28+$0xFFFFFF90] =	vst v7;
	v12 =	vmul.bf16 v12, v14  }
0x14c: {  	v8 =	vbroadcast v3, $0x0;
	v18 =	vbroadcast v3, $0x5;
	v2 =	vld [tilespmem:s1+$0xFFFFFFA0];
	[tilespmem:s28+$0x0] =	vst v16;
	v5 =	vmov v24  }
0x14d: {  	v14 =	vbroadcast v3, $0x2;
	v21 =	vbroadcast v3, $0x9;
	v7 =	vld [tilespmem:s1+$0x50];
	[tilespmem:s28+$0x70] =	vst v9  }
0x14e: {  	v20 =	vbroadcast v3, $0xE;
	v16 =	vbroadcast v3, $0x4;
	v26 =	vpack.i.f32.bf16 v8, v8;
	v23 =	vld [tilespmem:s1+$0x10];
	[tilespmem:s28+$0xFFFFFFE0] =	vst v11  }
0x14f: {  	v9 =	vbroadcast v3, $0x1;
	v8 =	vpack.i.f32.bf16 v14, v14;
	v11 =	vbroadcast v3, $0x6;
	v27 =	vld [tilespmem:s1+$0x20];
	[tilespmem:s28+$0xFFFFFFA0] =	vst v10  }
0x150: {  	v22 =	vbroadcast v3, $0x8;
	v29 =	vpack.i.f32.bf16 v20, v20;
	v10 =	vbroadcast v3, $0x3;
	v14 =	vld [tilespmem:s1+$0xFFFFFFC0];
	[tilespmem:s28+$0x50] =	vst v13  }
.Ltmp3:
0x151: {  	v30 =	vbroadcast v3, $0xA;
	v20 =	vpack.i.f32.bf16 v16, v16;
	v13 =	vbroadcast v3, $0xD;
	v16 =	vld [tilespmem:s1+$0x0];
	[tilespmem:s28+$0xFFFFFFB0] =	vst v19;
	(pc) =	sbr.rel @p0 .LBB2_9-.Ltmp3, $4  }
0x152: {  	v24 =	vbroadcast v3, $0xC;
	v22 =	vpack.i.f32.bf16 v22, v22;
	v31 =	vpack.i.f32.bf16 v21, v21;
	v21 =	vld [tilespmem:s1+$0x40];
	[tilespmem:s28+$0x30] =	vst v12  }
0x153: {  	v29 =	vmul.bf16 v25, v29;
	v12 =	vpack.i.f32.bf16 v30, v30;
	v19 =	vld [tilespmem:s1+$0xFFFFFFF0];
	v23 =	vmul.bf16 v23, v31;
	[tilespmem:s28+$0xFFFFFFD0] =	vst v15;
	s28 =	smov.u32 s1  }
0x154: {  	v25 =	vmul.bf16 v17, v26;
	v11 =	vpack.i.f32.bf16 v11, v11;
	v26 =	vmul.bf16 v27, v12;
	v12 =	vld [tilespmem:s1+$0x30]  }
0x155: {  	v17 =	vpack.i.f32.bf16 v18, v18;
	v18 =	vbroadcast v3, $0xB;
	v11 =	vmul.bf16 v28, v11;
	s1 =	sadd.s32 $0x100, s1;
	v15 =	vld [tilespmem:s28+$0xFFFFFFD0];
	[tilespmem:s28+$0x60] =	vst v29  }
0x156: {  	[tilespmem:s28+$0x20] =	vst v26  }
0x157: {  	[tilespmem:s28+$0xFFFFFF80] =	vst v25  }
0x158: {  	v14 =	vmul.bf16 v14, v20;
	[tilespmem:s28+$0x10] =	vst v23  }
0x159: {  	v4 =	vbroadcast v3, $0x7;
	v62 =	vmul.bf16 v16, v22;
	[tilespmem:s28+$0xFFFFFFE0] =	vst v11  }
0x15a: {  	v24 =	vpack.i.f32.bf16 v24, v24;
	v3 =	vbroadcast v3, $0xF;
	v2 =	vmul.bf16 v2, v8;
	[tilespmem:s28+$0xFFFFFFC0] =	vst v14  }
0x15b: {  	v61 =	vmul.bf16 v21, v24;
	v4 =	vpack.i.f32.bf16 v4, v4;
	[tilespmem:s28+$0x0] =	vst v62  }
0x15c: {  	v3 =	vpack.i.f32.bf16 v3, v3;
	[tilespmem:s28+$0xFFFFFFA0] =	vst v2;
	v4 =	vmul.bf16 v19, v4  }
0x15d: {  	v9 =	vpack.i.f32.bf16 v9, v9;
	[tilespmem:s28+$0x40] =	vst v61;
	v3 =	vmul.bf16 v5, v3  }
0x15e: {  	v63 =	vpack.i.f32.bf16 v13, v13;
	v6 =	vmul.bf16 v6, v9;
	[tilespmem:s28+$0xFFFFFFF0] =	vst v4  }
0x15f: {  	[tilespmem:s28+$0x70] =	vst v3;
	v3 =	vpack.i.f32.bf16 v10, v10;
	v4 =	vmul.bf16 v7, v63  }
0x160: {  	[tilespmem:s28+$0xFFFFFF90] =	vst v6;
	v1 =	vmul.bf16 v1, v3;
	v3 =	vpack.i.f32.bf16 v18, v18  }
0x161: {  	v2 =	vmul.bf16 v12, v3;
	[tilespmem:s28+$0x50] =	vst v4  }
0x162: {  	v3 =	vmul.bf16 v15, v17;
	[tilespmem:s28+$0xFFFFFFB0] =	vst v1  }
0x163: {  	[tilespmem:s28+$0x30] =	vst v2  }
0x164: {  	[tilespmem:s28+$0xFFFFFFD0] =	vst v3  }
0x165: {  	_ =	swait.ge [sflag:s5], $0x800  }
0x166: {  	[sflag:s5] =	ssyncset.done $0x0  }
0x167: {  	[sflag:s5] =	ssyncadd.s32 $0xFFFFF800  }
0x168: {  	_ =	swait.ge [sflag:s5], $0x800  }
0x169: {  	[sflag:s5] =	ssyncset.done $0x0  }
0x16a: {  	[sflag:s5] =	ssyncadd.s32 $0xFFFFF800  }
0x16b: {  	_ =	swait.ge [sflag:s5], $0x800  }
0x16c: {  	[sflag:s5] =	ssyncset.done $0x0  }
0x16d: {  	[sflag:s5] =	ssyncadd.s32 $0xFFFFF800  }
0x16e: {  	_ =	swait.ge [sflag:s5], $0x800  }
0x16f: {  	[sflag:s5] =	ssyncset.done $0x0  }
0x170: {  	[sflag:s5] =	ssyncadd.s32 $0xFFFFF800  }
0x171: {  	_ =	swait.ge [sflag:s5], $0x800  }
0x172: {  	[sflag:s5] =	ssyncset.done $0x0  }
0x173: {  	[sflag:s5] =	ssyncadd.s32 $0xFFFFF800  }
0x174: {  	_ =	swait.ge [sflag:s5], $0x800  }
0x175: {  	[sflag:s5] =	ssyncset.done $0x0  }
0x176: {  	[sflag:s5] =	ssyncadd.s32 $0xFFFFF800  }
0x177: {  	_ =	swait.ge [sflag:s5], $0x800  }
0x178: {  	[sflag:s5] =	ssyncset.done $0x0  }
0x179: {  	[sflag:s5] =	ssyncadd.s32 $0xFFFFF800  }
0x17a: {  	p0 =	seq.s32 s8, $0x7;
	_ =	swait.ge [sflag:s5], $0x800  }
0x17b: {  	s1 =	sshrl.u32 @!p0 s25, $0x2;
	s25 =	simm.s32 @!p0 $0x80;
	[sflag:s5] =	ssyncset.done $0x0  }
0x17c: {  	s14 =	sadd.s32 @!p0 $0x4800, s1;
	s28 =	simm.s32 @!p0 $0x10000;
	[sflag:s5] =	ssyncadd.s32 $0xFFFFF800  }
0x17d: {  	[tilespmem:s28], [sflag:$0x2] =	stream.indirect.gather @!p0 [hbm4b:s0+s25], $0x10, s14, s25, $0xb8;
	[tilespmem:$0x18400] =	vst v63  }
0x17e: {  	s14 =	sadd.s32 @!p0 $0x4880, s1;
	s28 =	simm.s32 @!p0 $0x10800  }
0x17f: {  	[tilespmem:s28], [sflag:$0x2] =	stream.indirect.gather @!p0 [hbm4b:s0+s25], $0x10, s14, s25, $0xb8;
	[tilespmem:$0x18400] =	vst v63  }
0x180: {  	s14 =	sadd.s32 @!p0 $0x4900, s1;
	s28 =	simm.s32 @!p0 $0x11000  }
0x181: {  	[tilespmem:s28], [sflag:$0x2] =	stream.indirect.gather @!p0 [hbm4b:s0+s25], $0x10, s14, s25, $0xb8;
	[tilespmem:$0x18400] =	vst v63  }
0x182: {  	s14 =	sadd.s32 @!p0 $0x4980, s1;
	s28 =	simm.s32 @!p0 $0x11800  }
0x183: {  	[tilespmem:s28], [sflag:$0x2] =	stream.indirect.gather @!p0 [hbm4b:s0+s25], $0x10, s14, s25, $0xb8;
	[tilespmem:$0x18400] =	vst v63  }
0x184: {  	s14 =	sadd.s32 @!p0 $0x4A00, s1;
	s28 =	simm.s32 @!p0 $0x12000  }
0x185: {  	[tilespmem:s28], [sflag:$0x2] =	stream.indirect.gather @!p0 [hbm4b:s0+s25], $0x10, s14, s25, $0xb8;
	[tilespmem:$0x18400] =	vst v63  }
0x186: {  	s14 =	sadd.s32 @!p0 $0x4A80, s1;
	s28 =	simm.s32 @!p0 $0x12800  }
0x187: {  	[tilespmem:s28], [sflag:$0x2] =	stream.indirect.gather @!p0 [hbm4b:s0+s25], $0x10, s14, s25, $0xb8;
	[tilespmem:$0x18400] =	vst v63  }
0x188: {  	s14 =	sadd.s32 @!p0 $0x4B00, s1;
	s28 =	simm.s32 @!p0 $0x13000  }
0x189: {  	[tilespmem:s28], [sflag:$0x2] =	stream.indirect.gather @!p0 [hbm4b:s0+s25], $0x10, s14, s25, $0xb8;
	[tilespmem:$0x18400] =	vst v63  }
0x18a: {  	s1 =	sadd.s32 @!p0 $0x4B80, s1;
	s14 =	simm.s32 @!p0 $0x13800  }
0x18b: {  	[tilespmem:s14], [sflag:$0x2] =	stream.indirect.gather @!p0 [hbm4b:s0+s25], $0x10, s1, s25, $0xb8;
	[tilespmem:$0x18400] =	vst v63  }
0x18c: {  	s30 =	sadd.s32 $0x8000, s9  }
0x18d: {  	[spmem:s3] =	stream.indirect.scatter.add.bf16 [tilespmem:s15], [sflag:$0x5], $0x10, s30, s19, $0xb8;
	[tilespmem:$0x18400] =	vst v63  }
0x18e: {  	s4 =	sadd.s32 $0x8000, s4  }
0x18f: {  	[spmem:s3] =	stream.indirect.scatter.add.bf16 [tilespmem:s20], [sflag:$0x5], $0x10, s4, s19, $0xb8;
	[tilespmem:$0x18400] =	vst v63  }
0x190: {  	s9 =	sadd.s32 $0x8000, s6  }
0x191: {  	[spmem:s3] =	stream.indirect.scatter.add.bf16 [tilespmem:s22], [sflag:$0x5], $0x10, s9, s19, $0xb8;
	[tilespmem:$0x18400] =	vst v63  }
0x192: {  	s14 =	sadd.s32 $0x8000, s18  }
0x193: {  	[spmem:s3] =	stream.indirect.scatter.add.bf16 [tilespmem:s24], [sflag:$0x5], $0x10, s14, s19, $0xb8;
	[tilespmem:$0x18400] =	vst v63  }
0x194: {  	s8 =	sadd.s32 $0x1, s8;
	s18 =	sadd.s32 $0x8000, s16  }
0x195: {  	[spmem:s3] =	stream.indirect.scatter.add.bf16 [tilespmem:s26], [sflag:$0x5], $0x10, s18, s19, $0xb8;
	[tilespmem:$0x18400] =	vst v63  }
0x196: {  	s25 =	sadd.s32 $0x8000, s23;
	p0 =	sne.s32 s8, $0x8  }
0x197: {  	[spmem:s3] =	stream.indirect.scatter.add.bf16 [tilespmem:s29], [sflag:$0x5], $0x10, s25, s19, $0xb8;
	[tilespmem:$0x18400] =	vst v63  }
.Ltmp4:
0x198: {  	_ = 	snop;
	(pc) =	sbr.rel @p0 .LBB2_6-.Ltmp4, $4  }
0x199: {  	s28 =	sadd.s32 $0x8000, s21  }
0x19a: {  	[spmem:s3] =	stream.indirect.scatter.add.bf16 [tilespmem:s31], [sflag:$0x5], $0x10, s28, s19, $0xb8;
	[tilespmem:$0x18400] =	vst v63  }
0x19b: {  	s10 =	sadd.s32 $0x800, s10;
	s11 =	sadd.s32 $0x800, s11;
	s30 =	sadd.s32 $0x8000, s7  }
0x19c: {  	[spmem:s3] =	stream.indirect.scatter.add.bf16 [tilespmem:s13], [sflag:$0x5], $0x10, s30, s19, $0xb8;
	[tilespmem:$0x18400] =	vst v63  }
0x19d: {  	s1 =	simm.s32 $0x5  }
0x19e: {  	_ =	swait.ge [sflag:s1], $0x800  }
0x19f: {  	[sflag:s1] =	ssyncset.done $0x0  }
0x1a0: {  	[sflag:s1] =	ssyncadd.s32 $0xFFFFF800  }
0x1a1: {  	_ =	swait.ge [sflag:s1], $0x800  }
0x1a2: {  	[sflag:s1] =	ssyncset.done $0x0  }
0x1a3: {  	[sflag:s1] =	ssyncadd.s32 $0xFFFFF800  }
0x1a4: {  	_ =	swait.ge [sflag:s1], $0x800  }
0x1a5: {  	[sflag:s1] =	ssyncset.done $0x0  }
0x1a6: {  	[sflag:s1] =	ssyncadd.s32 $0xFFFFF800  }
0x1a7: {  	_ =	swait.ge [sflag:s1], $0x800  }
0x1a8: {  	[sflag:s1] =	ssyncset.done $0x0  }
0x1a9: {  	[sflag:s1] =	ssyncadd.s32 $0xFFFFF800  }
0x1aa: {  	_ =	swait.ge [sflag:s1], $0x800  }
0x1ab: {  	[sflag:s1] =	ssyncset.done $0x0  }
0x1ac: {  	[sflag:s1] =	ssyncadd.s32 $0xFFFFF800  }
0x1ad: {  	_ =	swait.ge [sflag:s1], $0x800  }
0x1ae: {  	[sflag:s1] =	ssyncset.done $0x0  }
0x1af: {  	[sflag:s1] =	ssyncadd.s32 $0xFFFFF800  }
0x1b0: {  	_ =	swait.ge [sflag:s1], $0x800  }
0x1b1: {  	[sflag:s1] =	ssyncset.done $0x0  }
0x1b2: {  	[sflag:s1] =	ssyncadd.s32 $0xFFFFF800  }
0x1b3: {  	_ =	swait.ge [sflag:s1], $0x800  }
0x1b4: {  	[sflag:s1] =	ssyncset.done $0x0  }
0x1b5: {  	[sflag:s1] =	ssyncadd.s32 $0xFFFFF800  }
0x1b6: {  	s25 =	stileid.u32;
	[bflag:$0x0] =	sbarrier.arrive $0xFFFF  }
0x1b7: {  	s9 =	simm.s32 $0x6;
	s1 =	sshll.u32 s25, $0x6;
	s8 =	rddreg [dreg:$0xc]  }
0x1b8: {  	s1 =	sor.u32 $0x1C06, s1;
	s6 =	rddreg [dreg:$0xd];
	s4 =	sshrl.u32 s8, $0x3  }
0x1b9: {  	[hbm:s6], [sflag:s1] =	dma.local [spmem:s4], $0x800  }
0x1ba: {  	_ =	swait.ge [sflag:s9], $0x800  }
0x1bb: {  	s28 =	rddreg [dreg:$0xf]  }
0x1bc: {  	s30 =	rddreg [dreg:$0xe];
	s4 =	sadd.s32 $0x1, s28  }
0x1bd: {  	p0 =	sne.s32 s4, s30  }
.Ltmp5:
0x1be: {  	_ = 	snop;
	(pc) =	sbr.rel @p0 .LBB2_1-.Ltmp5, $3  }
0x1bf: {  	_ =	sdelay $0x1  }
0x1c0: {  	[sflag:s9] =	ssyncset.done $0x0  }
0x1c1: {  	s7 =	simm.s32 $0x4000;
	[sflag:s9] =	ssyncadd.s32 $0xFFFFF800  }
0x1c2: {  	_ =	sfence.sel $0x180000  }
0x1c3: {  	[bflag:$0x0] =	sbarrier.arrive $0xFFFF  }
0x1c4: {  	_ =	strace $0x90000047  }
0x1c5: {  	s0 =	stileid.u32;
	[bflag:$0x2] =	sbarrier.arrive $0xFFFF  }
0x1c6: {  	p0 =	sne.s32 s0, $0x0;
	s0 =	rddreg [dreg:$0x7]  }
0x1c7: {  	s0 =	sadd.s32 @!p0 $0x100000, s0  }
0x1c8: {  	[sflag:s0] =	ssyncadd.tile.s32 @!p0 $0x1;
	_ =	shalt  }
.Lfunc_end2:
_tile_overlayer_lowered:
.L_overlay_start_2:
0x1c9: {  	(tag) =	ssettag $0x2  }
0x1ca: {  	s0 =	rddreg [dreg:$0x0];
	s2 =	stileid.u32  }
0x1cb: {  	s1 =	rddreg [dreg:$0x1];
	p0 =	sne.s32 s2, $0x0  }
0x1cc: {  	s3 =	rddreg [dreg:$0x2];
	[bflag:$0x3] =	sbarrier.arrive $0xFFFF;
	s2 =	simm.s32 @!p0 $0x1C06  }
0x1cd: {  	[timem:s3], [sflag:s2] =	dma.local @!p0 [hbm:s0], s1  }
0x1ce: {  	s0 =	simm.s32 @!p0 $0x6  }
0x1cf: {  	_ =	swait.ge @!p0 [sflag:s0], s1  }
0x1d0: {  	s1 =	ssub.s32 @!p0 $0x0, s1;
	[sflag:s0] =	ssyncset.done @!p0 $0x0  }
0x1d1: {  	[sflag:s0] =	ssyncadd.s32 @!p0 s1  }
0x1d2: {  	[bflag:$0x3] =	sbarrier.arrive $0xFFFF  }
0x1d3: {  	_ =	shalt  }

</sc_bundles>
